<compile_context>
chip_gen: v7x
topology: tpu7x:2x2x1
jax: 0.10.2.dev20260603
libtpu: 0.0.44.dev20260713+nightly
codegen_flags: <defaults>
</compile_context>

<pallas_src>
import jax
import jax.numpy as jnp
from jax import lax
from jax.experimental import pallas as pl
from jax.experimental.pallas import tpu as pltpu
from jax.experimental.pallas import tpu_sc as plsc

N_CORES = 2
N_SUBCORES = 16
NW = N_CORES * N_SUBCORES

BATCH = 16384
EMB = 64
HID = 768
ROW = 2 * EMB
NUM_E = 1000000
NUM_P = NUM_E // 2

B_PER_W = BATCH // NW
CHUNK = 128
N_CHUNKS = B_PER_W // CHUNK

TP_BLK = 16384
HALF_BLK = TP_BLK // 2
TP_SHIFT = TP_BLK.bit_length() - 1
HB_SHIFT = HALF_BLK.bit_length() - 1
TP_GRID = (NUM_E + TP_BLK - 1) // TP_BLK
NUM_PACKED = TP_GRID * HALF_BLK


def _pack_body(et_ref, rt_ref, eout_ref, rout_ref):
    for src, dst in ((et_ref, eout_ref), (rt_ref, rout_ref)):
        x = src[...]
        x128 = jnp.concatenate([x[:, :HALF_BLK], x[:, HALF_BLK:]], axis=0)
        z = jnp.transpose(x128, (1, 0))
        dst[...] = pltpu.bitcast(z.astype(jnp.bfloat16), jnp.float32)


def _pack(ent_t, rel_t):
    in_spec = pl.BlockSpec((EMB, TP_BLK), lambda i: (0, i))
    out_spec = pl.BlockSpec((HALF_BLK // 2, ROW), lambda i: (i, 0))
    return pl.pallas_call(
        _pack_body,
        grid=(TP_GRID,),
        in_specs=[in_spec, in_spec],
        out_specs=[out_spec, out_spec],
        out_shape=(jax.ShapeDtypeStruct((NUM_PACKED // 2, ROW),
                                        jnp.float32),) * 2,
    )(ent_t, rel_t)


def _gather_body(h_idx, r_idx, t_idx, ent_tab, rel_tab,
                 out_h, out_r, out_t, idx0, idx1, idx2, rows_v, gsem, wsem):
    wid = lax.axis_index("s") * N_CORES + lax.axis_index("c")
    base = wid * B_PER_W
    sets = ((h_idx, ent_tab, out_h, idx0),
            (r_idx, rel_tab, out_r, idx1),
            (t_idx, ent_tab, out_t, idx2))
    for idx_hbm, _, _, idx_v in sets:
        pltpu.sync_copy(idx_hbm.at[pl.ds(base, B_PER_W)], idx_v)
        for g in range(B_PER_W // 16):
            e = idx_v[pl.ds(g * 16, 16)]
            idx_v[pl.ds(g * 16, 16)] = (
                (e >> TP_SHIFT) * (HALF_BLK // 2)
                + ((e & (HALF_BLK - 1)) >> 1))
    wb = [None, None]
    for k in range(3 * N_CHUNKS):
        s, c = divmod(k, N_CHUNKS)
        slot = k % 2
        if wb[slot] is not None:
            wb[slot].wait()
        _, table, out_hbm, idx_v = sets[s]
        pltpu.async_copy(table.at[idx_v.at[pl.ds(c * CHUNK, CHUNK)]],
                         rows_v.at[slot], gsem).wait()
        wb[slot] = pltpu.async_copy(
            rows_v.at[slot], out_hbm.at[pl.ds(base + c * CHUNK, CHUNK)], wsem)
    wb[0].wait()
    wb[1].wait()


_gather = pl.kernel(
    _gather_body,
    out_type=(jax.ShapeDtypeStruct((BATCH, ROW), jnp.float32),) * 3,
    mesh=plsc.VectorSubcoreMesh(core_axis_name="c", subcore_axis_name="s",
                                num_cores=N_CORES, num_subcores=N_SUBCORES),
    scratch_types=[
        pltpu.VMEM((B_PER_W,), jnp.int32),
        pltpu.VMEM((B_PER_W,), jnp.int32),
        pltpu.VMEM((B_PER_W,), jnp.int32),
        pltpu.VMEM((2, CHUNK, ROW), jnp.float32),
        pltpu.SemaphoreType.DMA,
        pltpu.SemaphoreType.DMA,
    ],
)

MM_BLK = 1024


def _mm_body(h_ref, r_ref, t_ref, eh_ref, er_ref, et_ref, w_ref, b_ref,
             oh_ref, or_ref, ot_ref):
    w2 = w_ref[...]
    bias = b_ref[...]
    col_hi = (lax.broadcasted_iota(jnp.int32, (MM_BLK, ROW), 1) >= EMB)
    for x_ref, e_ref, o_ref in ((h_ref, eh_ref, oh_ref),
                                (r_ref, er_ref, or_ref),
                                (t_ref, et_ref, ot_ref)):
        e = e_ref[...]
        xi = pltpu.bitcast(x_ref[...], jnp.int32)
        even = pltpu.bitcast(xi << 16, jnp.float32)
        odd = pltpu.bitcast(xi & jnp.int32(-65536), jnp.float32)
        x = jnp.where((e & 1) != 0, odd, even)
        hi = ((e >> HB_SHIFT) & 1) != 0
        keep = jnp.where(col_hi == hi, 1.0, 0.0)
        o_ref[...] = jnp.dot(x * keep, w2,
                             preferred_element_type=jnp.float32) + bias


def _project(h_rows, r_rows, t_rows, eh, er, et, W2, b2):
    row_spec = pl.BlockSpec((MM_BLK, ROW), lambda i: (i, 0))
    par_spec = pl.BlockSpec((MM_BLK, 1), lambda i: (i, 0))
    out_spec = pl.BlockSpec((MM_BLK, HID), lambda i: (i, 0))
    return pl.pallas_call(
        _mm_body,
        grid=(BATCH // MM_BLK,),
        in_specs=[
            row_spec, row_spec, row_spec,
            par_spec, par_spec, par_spec,
            pl.BlockSpec((ROW, HID), lambda i: (0, 0)),
            pl.BlockSpec((1, HID), lambda i: (0, 0)),
        ],
        out_specs=[out_spec, out_spec, out_spec],
        out_shape=(jax.ShapeDtypeStruct((BATCH, HID), jnp.float32),) * 3,
    )(h_rows, r_rows, t_rows, eh, er, et, W2, b2)


@jax.jit
def kernel(triples, ent_emb, rel_emb, W, b):
    heads, rels, tails = triples[:, 0], triples[:, 1], triples[:, 2]
    ent2, rel2 = _pack(jnp.transpose(ent_emb), jnp.transpose(rel_emb))
    h_rows, r_rows, t_rows = _gather(heads, rels, tails, ent2, rel2)
    W2 = jnp.concatenate([W, W], axis=0)
    return _project(h_rows, r_rows, t_rows,
                    heads.reshape(BATCH, 1), rels.reshape(BATCH, 1),
                    tails.reshape(BATCH, 1), W2, b.reshape(1, HID))

# --- scband reference (transcript-rebuilt; emitter-appended) ---
"""Pipeline reference for scband-kgmodel-50208167690306 (READ-ONLY COPY).

The authoritative reference and input builder live on the scoring server;
editing this copy changes nothing except your own understanding.
"""

import jax, jax.numpy as jnp
import numpy as np

NUM_ENT = 1000000
NUM_REL = 1000000
EMB_DIM = 64
HIDDEN_DIM = 768
BATCH = 16384
MARGIN = 9.0
EPSILON = 2.0


def setup_inputs(seed: int = 0) -> dict:
    key = jax.random.key(seed)
    k1, k2, k3, k4 = jax.random.split(key, 4)
    emb_range = (MARGIN + EPSILON) / EMB_DIM
    triples = jax.random.randint(k1, (BATCH, 3), 0, NUM_ENT, dtype=jnp.int32)
    ent_emb = jax.random.uniform(k2, (NUM_ENT, EMB_DIM), minval=-emb_range, maxval=emb_range, dtype=jnp.float32)
    rel_emb = jax.random.uniform(k3, (NUM_REL, EMB_DIM), minval=-emb_range, maxval=emb_range, dtype=jnp.float32)
    # GraphEmbeddingAdapter: nn.Linear(emb_dim, hidden_dim)
    bound = 1.0 / np.sqrt(EMB_DIM)
    kW, kb = jax.random.split(k4)
    W = jax.random.uniform(kW, (EMB_DIM, HIDDEN_DIM), minval=-bound, maxval=bound, dtype=jnp.float32)
    b = jax.random.uniform(kb, (HIDDEN_DIM,), minval=-bound, maxval=bound, dtype=jnp.float32)
    return {"triples": triples, "ent_emb": ent_emb, "rel_emb": rel_emb, "W": W, "b": b}


def reference(triples, ent_emb, rel_emb, W, b):
    # tri2emb: gather head/relation/tail embeddings, then adapter projection
    head = jnp.take(ent_emb, triples[:, 0], axis=0)
    rel = jnp.take(rel_emb, triples[:, 1], axis=0)
    tail = jnp.take(ent_emb, triples[:, 2], axis=0)
    head_out = head @ W + b
    rel_out = rel @ W + b
    tail_out = tail @ W + b
    return (head_out, rel_out, tail_out)

if __name__ == "__main__":
    import jax
    _d = setup_inputs()
    print(jax.jit(kernel)(*tuple(_d.values())))

</pallas_src>

<mosaic_0001>
#map = affine_map<(d0, d1) -> (0)>
#map1 = affine_map<(d0, d1) -> (0, 0)>
module attributes {stable_mosaic.version = 14 : i64} {
  func.func @_gather_body(%arg0: i32, %arg1: i32, %arg2: memref<16384xi32, #tpu.memory_space<hbm>>, %arg3: memref<16384xi32, #tpu.memory_space<hbm>>, %arg4: memref<16384xi32, #tpu.memory_space<hbm>>, %arg5: memref<253952x128xf32, #tpu.memory_space<hbm>>, %arg6: memref<253952x128xf32, #tpu.memory_space<hbm>>, %arg7: memref<16384x128xf32, #tpu.memory_space<hbm>>, %arg8: memref<16384x128xf32, #tpu.memory_space<hbm>>, %arg9: memref<16384x128xf32, #tpu.memory_space<hbm>>, %arg10: memref<512xi32, #tpu.memory_space<vmem>>, %arg11: memref<512xi32, #tpu.memory_space<vmem>>, %arg12: memref<512xi32, #tpu.memory_space<vmem>>, %arg13: memref<2x128x128xf32, #tpu.memory_space<vmem>>, %arg14: memref<!tpu.dma_semaphore, #tpu.memory_space<semaphore_mem>>, %arg15: memref<!tpu.dma_semaphore, #tpu.memory_space<semaphore_mem>>) attributes {dimension_semantics = [#tpu.dimension_semantics<core_parallel>, #tpu.dimension_semantics<subcore_parallel>], iteration_bounds = array<i64: 2, 16>, scalar_prefetch = 0 : i64, scratch_operands = 6 : i64, tpu.core_type = #tpu.core_type<sc_vector_subcore>, window_params = [{transform_indices = #map}, {transform_indices = #map}, {transform_indices = #map}, {transform_indices = #map1}, {transform_indices = #map1}, {transform_indices = #map1}, {transform_indices = #map1}, {transform_indices = #map1}]} {
    %mul3A = arith.constant 2 : i32
    %mul3A_0 = arith.muli %arg1, %mul3A : i32
    %add3A = arith.addi %mul3A_0, %arg0 : i32
    %mul3A_1 = arith.constant 512 : i32
    %mul3A_2 = arith.muli %add3A, %mul3A_1 : i32
    "tpu.region"() ({
      %run_scoped3A = tpu.sem_alloc : memref<!tpu.dma_semaphore, #tpu.memory_space<semaphore_mem>>
      %dma_start3A_2493 = tpu.memref_slice %arg2[%mul3A_2] : memref<16384xi32, #tpu.memory_space<hbm>> -> memref<512xi32, #tpu.memory_space<hbm>>
      %dma_start3A_2494 = tpu.memref_slice %arg2[%mul3A_2] : memref<16384xi32, #tpu.memory_space<hbm>> -> memref<512xi32, #tpu.memory_space<hbm>>
      tpu.enqueue_dma source(%dma_start3A_2494 : memref<512xi32, #tpu.memory_space<hbm>>) target(%arg10 : memref<512xi32, #tpu.memory_space<vmem>>) target_semaphore(%run_scoped3A : memref<!tpu.dma_semaphore, #tpu.memory_space<semaphore_mem>>)
      %dma_wait3A_2495 = tpu.memref_slice %arg2[%mul3A_2] : memref<16384xi32, #tpu.memory_space<hbm>> -> memref<512xi32, #tpu.memory_space<hbm>>
      %dma_wait3A_2496 = tpu.memref_slice %arg2[%mul3A_2] : memref<16384xi32, #tpu.memory_space<hbm>> -> memref<512xi32, #tpu.memory_space<hbm>>
      tpu.wait_dma2 semaphore(%run_scoped3A : memref<!tpu.dma_semaphore, #tpu.memory_space<semaphore_mem>>) src(%dma_wait3A_2496 : memref<512xi32, #tpu.memory_space<hbm>>) dst(%arg10 : memref<512xi32, #tpu.memory_space<vmem>>)
      tpu.yield
    }) : () -> ()
    %get3A = arith.constant 0 : index
    %get3A_3 = tpu.vector_load %arg10[%get3A] {strides = array<i32>} : memref<512xi32, #tpu.memory_space<vmem>>, vector<16xi32>,
    %get3A_4 = vector.shape_cast %get3A_3 : vector<16xi32> to vector<16xi32>
    %shift_right_arithmetic3A = arith.constant 14 : i32
    %shift_right_arithmetic3A_5 = vector.broadcast %shift_right_arithmetic3A : i32 to vector<16xi32>
    %shift_right_arithmetic3A_6 = arith.shrsi %get3A_4, %shift_right_arithmetic3A_5 : vector<16xi32>
    %mul3A_7 = arith.constant 4096 : i32
    %mul3A_8 = vector.broadcast %mul3A_7 : i32 to vector<16xi32>
    %mul3A_9 = arith.muli %shift_right_arithmetic3A_6, %mul3A_8 : vector<16xi32>
    %and3A = arith.constant 8191 : i32
    %and3A_10 = vector.broadcast %and3A : i32 to vector<16xi32>
    %and3A_11 = arith.andi %get3A_4, %and3A_10 : vector<16xi32>
    %shift_right_arithmetic3A_12 = arith.constant 1 : i32
    %shift_right_arithmetic3A_13 = vector.broadcast %shift_right_arithmetic3A_12 : i32 to vector<16xi32>
    %shift_right_arithmetic3A_14 = arith.shrsi %and3A_11, %shift_right_arithmetic3A_13 : vector<16xi32>
    %add3A_15 = arith.addi %mul3A_9, %shift_right_arithmetic3A_14 : vector<16xi32>
    %swap3A = arith.constant 0 : index
    %swap3A_16 = tpu.vector_load %arg10[%swap3A] {strides = array<i32>} : memref<512xi32, #tpu.memory_space<vmem>>, vector<16xi32>,
    %swap3A_17 = vector.shape_cast %swap3A_16 : vector<16xi32> to vector<16xi32>
    %swap3A_18 = vector.shape_cast %add3A_15 : vector<16xi32> to vector<16xi32>
    tpu.vector_store %arg10[%swap3A], %swap3A_18 {strides = array<i32>} : memref<512xi32, #tpu.memory_space<vmem>>, vector<16xi32>,
    %get3A_19 = arith.constant 16 : index
    %get3A_20 = tpu.vector_load %arg10[%get3A_19] {strides = array<i32>} : memref<512xi32, #tpu.memory_space<vmem>>, vector<16xi32>,
    %get3A_21 = vector.shape_cast %get3A_20 : vector<16xi32> to vector<16xi32>
    %shift_right_arithmetic3A_22 = arith.constant 14 : i32
    %shift_right_arithmetic3A_23 = vector.broadcast %shift_right_arithmetic3A_22 : i32 to vector<16xi32>
    %shift_right_arithmetic3A_24 = arith.shrsi %get3A_21, %shift_right_arithmetic3A_23 : vector<16xi32>
    %mul3A_25 = arith.constant 4096 : i32
    %mul3A_26 = vector.broadcast %mul3A_25 : i32 to vector<16xi32>
    %mul3A_27 = arith.muli %shift_right_arithmetic3A_24, %mul3A_26 : vector<16xi32>
    %and3A_28 = arith.constant 8191 : i32
    %and3A_29 = vector.broadcast %and3A_28 : i32 to vector<16xi32>
    %and3A_30 = arith.andi %get3A_21, %and3A_29 : vector<16xi32>
    %shift_right_arithmetic3A_31 = arith.constant 1 : i32
    %shift_right_arithmetic3A_32 = vector.broadcast %shift_right_arithmetic3A_31 : i32 to vector<16xi32>
    %shift_right_arithmetic3A_33 = arith.shrsi %and3A_30, %shift_right_arithmetic3A_32 : vector<16xi32>
    %add3A_34 = arith.addi %mul3A_27, %shift_right_arithmetic3A_33 : vector<16xi32>
    %swap3A_35 = arith.constant 16 : index
    %swap3A_36 = tpu.vector_load %arg10[%swap3A_35] {strides = array<i32>} : memref<512xi32, #tpu.memory_space<vmem>>, vector<16xi32>,
    %swap3A_37 = vector.shape_cast %swap3A_36 : vector<16xi32> to vector<16xi32>
    %swap3A_38 = vector.shape_cast %add3A_34 : vector<16xi32> to vector<16xi32>
    tpu.vector_store %arg10[%swap3A_35], %swap3A_38 {strides = array<i32>} : memref<512xi32, #tpu.memory_space<vmem>>, vector<16xi32>,
    %get3A_39 = arith.constant 32 : index
    %get3A_40 = tpu.vector_load %arg10[%get3A_39] {strides = array<i32>} : memref<512xi32, #tpu.memory_space<vmem>>, vector<16xi32>,
    %get3A_41 = vector.shape_cast %get3A_40 : vector<16xi32> to vector<16xi32>
    %shift_right_arithmetic3A_42 = arith.constant 14 : i32
    %shift_right_arithmetic3A_43 = vector.broadcast %shift_right_arithmetic3A_42 : i32 to vector<16xi32>
    %shift_right_arithmetic3A_44 = arith.shrsi %get3A_41, %shift_right_arithmetic3A_43 : vector<16xi32>
    %mul3A_45 = arith.constant 4096 : i32
    %mul3A_46 = vector.broadcast %mul3A_45 : i32 to vector<16xi32>
    %mul3A_47 = arith.muli %shift_right_arithmetic3A_44, %mul3A_46 : vector<16xi32>
    %and3A_48 = arith.constant 8191 : i32
    %and3A_49 = vector.broadcast %and3A_48 : i32 to vector<16xi32>
    %and3A_50 = arith.andi %get3A_41, %and3A_49 : vector<16xi32>
    %shift_right_arithmetic3A_51 = arith.constant 1 : i32
    %shift_right_arithmetic3A_52 = vector.broadcast %shift_right_arithmetic3A_51 : i32 to vector<16xi32>
    %shift_right_arithmetic3A_53 = arith.shrsi %and3A_50, %shift_right_arithmetic3A_52 : vector<16xi32>
    %add3A_54 = arith.addi %mul3A_47, %shift_right_arithmetic3A_53 : vector<16xi32>
    %swap3A_55 = arith.constant 32 : index
    %swap3A_56 = tpu.vector_load %arg10[%swap3A_55] {strides = array<i32>} : memref<512xi32, #tpu.memory_space<vmem>>, vector<16xi32>,
    %swap3A_57 = vector.shape_cast %swap3A_56 : vector<16xi32> to vector<16xi32>
    %swap3A_58 = vector.shape_cast %add3A_54 : vector<16xi32> to vector<16xi32>
    tpu.vector_store %arg10[%swap3A_55], %swap3A_58 {strides = array<i32>} : memref<512xi32, #tpu.memory_space<vmem>>, vector<16xi32>,
    %get3A_59 = arith.constant 48 : index
    %get3A_60 = tpu.vector_load %arg10[%get3A_59] {strides = array<i32>} : memref<512xi32, #tpu.memory_space<vmem>>, vector<16xi32>,
    %get3A_61 = vector.shape_cast %get3A_60 : vector<16xi32> to vector<16xi32>
    %shift_right_arithmetic3A_62 = arith.constant 14 : i32
    %shift_right_arithmetic3A_63 = vector.broadcast %shift_right_arithmetic3A_62 : i32 to vector<16xi32>
    %shift_right_arithmetic3A_64 = arith.shrsi %get3A_61, %shift_right_arithmetic3A_63 : vector<16xi32>
    %mul3A_65 = arith.constant 4096 : i32
    %mul3A_66 = vector.broadcast %mul3A_65 : i32 to vector<16xi32>
    %mul3A_67 = arith.muli %shift_right_arithmetic3A_64, %mul3A_66 : vector<16xi32>
    %and3A_68 = arith.constant 8191 : i32
    %and3A_69 = vector.broadcast %and3A_68 : i32 to vector<16xi32>
    %and3A_70 = arith.andi %get3A_61, %and3A_69 : vector<16xi32>
    %shift_right_arithmetic3A_71 = arith.constant 1 : i32
    %shift_right_arithmetic3A_72 = vector.broadcast %shift_right_arithmetic3A_71 : i32 to vector<16xi32>
    %shift_right_arithmetic3A_73 = arith.shrsi %and3A_70, %shift_right_arithmetic3A_72 : vector<16xi32>
    %add3A_74 = arith.addi %mul3A_67, %shift_right_arithmetic3A_73 : vector<16xi32>
    %swap3A_75 = arith.constant 48 : index
    %swap3A_76 = tpu.vector_load %arg10[%swap3A_75] {strides = array<i32>} : memref<512xi32, #tpu.memory_space<vmem>>, vector<16xi32>,
    %swap3A_77 = vector.shape_cast %swap3A_76 : vector<16xi32> to vector<16xi32>
    %swap3A_78 = vector.shape_cast %add3A_74 : vector<16xi32> to vector<16xi32>
    tpu.vector_store %arg10[%swap3A_75], %swap3A_78 {strides = array<i32>} : memref<512xi32, #tpu.memory_space<vmem>>, vector<16xi32>,
    %get3A_79 = arith.constant 64 : index
    %get3A_80 = tpu.vector_load %arg10[%get3A_79] {strides = array<i32>} : memref<512xi32, #tpu.memory_space<vmem>>, vector<16xi32>,
    %get3A_81 = vector.shape_cast %get3A_80 : vector<16xi32> to vector<16xi32>
    %shift_right_arithmetic3A_82 = arith.constant 14 : i32
    %shift_right_arithmetic3A_83 = vector.broadcast %shift_right_arithmetic3A_82 : i32 to vector<16xi32>
    %shift_right_arithmetic3A_84 = arith.shrsi %get3A_81, %shift_right_arithmetic3A_83 : vector<16xi32>
    %mul3A_85 = arith.constant 4096 : i32
    %mul3A_86 = vector.broadcast %mul3A_85 : i32 to vector<16xi32>
    %mul3A_87 = arith.muli %shift_right_arithmetic3A_84, %mul3A_86 : vector<16xi32>
    %and3A_88 = arith.constant 8191 : i32
    %and3A_89 = vector.broadcast %and3A_88 : i32 to vector<16xi32>
    %and3A_90 = arith.andi %get3A_81, %and3A_89 : vector<16xi32>
    %shift_right_arithmetic3A_91 = arith.constant 1 : i32
    %shift_right_arithmetic3A_92 = vector.broadcast %shift_right_arithmetic3A_91 : i32 to vector<16xi32>
    %shift_right_arithmetic3A_93 = arith.shrsi %and3A_90, %shift_right_arithmetic3A_92 : vector<16xi32>
    %add3A_94 = arith.addi %mul3A_87, %shift_right_arithmetic3A_93 : vector<16xi32>
    %swap3A_95 = arith.constant 64 : index
    %swap3A_96 = tpu.vector_load %arg10[%swap3A_95] {strides = array<i32>} : memref<512xi32, #tpu.memory_space<vmem>>, vector<16xi32>,
    %swap3A_97 = vector.shape_cast %swap3A_96 : vector<16xi32> to vector<16xi32>
    %swap3A_98 = vector.shape_cast %add3A_94 : vector<16xi32> to vector<16xi32>
    tpu.vector_store %arg10[%swap3A_95], %swap3A_98 {strides = array<i32>} : memref<512xi32, #tpu.memory_space<vmem>>, vector<16xi32>,
    %get3A_99 = arith.constant 80 : index
    %get3A_100 = tpu.vector_load %arg10[%get3A_99] {strides = array<i32>} : memref<512xi32, #tpu.memory_space<vmem>>, vector<16xi32>,
    %get3A_101 = vector.shape_cast %get3A_100 : vector<16xi32> to vector<16xi32>
    %shift_right_arithmetic3A_102 = arith.constant 14 : i32
    %shift_right_arithmetic3A_103 = vector.broadcast %shift_right_arithmetic3A_102 : i32 to vector<16xi32>
    %shift_right_arithmetic3A_104 = arith.shrsi %get3A_101, %shift_right_arithmetic3A_103 : vector<16xi32>
    %mul3A_105 = arith.constant 4096 : i32
    %mul3A_106 = vector.broadcast %mul3A_105 : i32 to vector<16xi32>
    %mul3A_107 = arith.muli %shift_right_arithmetic3A_104, %mul3A_106 : vector<16xi32>
    %and3A_108 = arith.constant 8191 : i32
    %and3A_109 = vector.broadcast %and3A_108 : i32 to vector<16xi32>
    %and3A_110 = arith.andi %get3A_101, %and3A_109 : vector<16xi32>
    %shift_right_arithmetic3A_111 = arith.constant 1 : i32
    %shift_right_arithmetic3A_112 = vector.broadcast %shift_right_arithmetic3A_111 : i32 to vector<16xi32>
    %shift_right_arithmetic3A_113 = arith.shrsi %and3A_110, %shift_right_arithmetic3A_112 : vector<16xi32>
    %add3A_114 = arith.addi %mul3A_107, %shift_right_arithmetic3A_113 : vector<16xi32>
    %swap3A_115 = arith.constant 80 : index
    %swap3A_116 = tpu.vector_load %arg10[%swap3A_115] {strides = array<i32>} : memref<512xi32, #tpu.memory_space<vmem>>, vector<16xi32>,
    %swap3A_117 = vector.shape_cast %swap3A_116 : vector<16xi32> to vector<16xi32>
    %swap3A_118 = vector.shape_cast %add3A_114 : vector<16xi32> to vector<16xi32>
    tpu.vector_store %arg10[%swap3A_115], %swap3A_118 {strides = array<i32>} : memref<512xi32, #tpu.memory_space<vmem>>, vector<16xi32>,
    %get3A_119 = arith.constant 96 : index
    %get3A_120 = tpu.vector_load %arg10[%get3A_119] {strides = array<i32>} : memref<512xi32, #tpu.memory_space<vmem>>, vector<16xi32>,
    %get3A_121 = vector.shape_cast %get3A_120 : vector<16xi32> to vector<16xi32>
    %shift_right_arithmetic3A_122 = arith.constant 14 : i32
    %shift_right_arithmetic3A_123 = vector.broadcast %shift_right_arithmetic3A_122 : i32 to vector<16xi32>
    %shift_right_arithmetic3A_124 = arith.shrsi %get3A_121, %shift_right_arithmetic3A_123 : vector<16xi32>
    %mul3A_125 = arith.constant 4096 : i32
    %mul3A_126 = vector.broadcast %mul3A_125 : i32 to vector<16xi32>
    %mul3A_127 = arith.muli %shift_right_arithmetic3A_124, %mul3A_126 : vector<16xi32>
    %and3A_128 = arith.constant 8191 : i32
    %and3A_129 = vector.broadcast %and3A_128 : i32 to vector<16xi32>
    %and3A_130 = arith.andi %get3A_121, %and3A_129 : vector<16xi32>
    %shift_right_arithmetic3A_131 = arith.constant 1 : i32
    %shift_right_arithmetic3A_132 = vector.broadcast %shift_right_arithmetic3A_131 : i32 to vector<16xi32>
    %shift_right_arithmetic3A_133 = arith.shrsi %and3A_130, %shift_right_arithmetic3A_132 : vector<16xi32>
    %add3A_134 = arith.addi %mul3A_127, %shift_right_arithmetic3A_133 : vector<16xi32>
    %swap3A_135 = arith.constant 96 : index
    %swap3A_136 = tpu.vector_load %arg10[%swap3A_135] {strides = array<i32>} : memref<512xi32, #tpu.memory_space<vmem>>, vector<16xi32>,
    %swap3A_137 = vector.shape_cast %swap3A_136 : vector<16xi32> to vector<16xi32>
    %swap3A_138 = vector.shape_cast %add3A_134 : vector<16xi32> to vector<16xi32>
    tpu.vector_store %arg10[%swap3A_135], %swap3A_138 {strides = array<i32>} : memref<512xi32, #tpu.memory_space<vmem>>, vector<16xi32>,
    %get3A_139 = arith.constant 112 : index
    %get3A_140 = tpu.vector_load %arg10[%get3A_139] {strides = array<i32>} : memref<512xi32, #tpu.memory_space<vmem>>, vector<16xi32>,
    %get3A_141 = vector.shape_cast %get3A_140 : vector<16xi32> to vector<16xi32>
    %shift_right_arithmetic3A_142 = arith.constant 14 : i32
    %shift_right_arithmetic3A_143 = vector.broadcast %shift_right_arithmetic3A_142 : i32 to vector<16xi32>
    %shift_right_arithmetic3A_144 = arith.shrsi %get3A_141, %shift_right_arithmetic3A_143 : vector<16xi32>
    %mul3A_145 = arith.constant 4096 : i32
    %mul3A_146 = vector.broadcast %mul3A_145 : i32 to vector<16xi32>
    %mul3A_147 = arith.muli %shift_right_arithmetic3A_144, %mul3A_146 : vector<16xi32>
    %and3A_148 = arith.constant 8191 : i32
    %and3A_149 = vector.broadcast %and3A_148 : i32 to vector<16xi32>
    %and3A_150 = arith.andi %get3A_141, %and3A_149 : vector<16xi32>
    %shift_right_arithmetic3A_151 = arith.constant 1 : i32
    %shift_right_arithmetic3A_152 = vector.broadcast %shift_right_arithmetic3A_151 : i32 to vector<16xi32>
    %shift_right_arithmetic3A_153 = arith.shrsi %and3A_150, %shift_right_arithmetic3A_152 : vector<16xi32>
    %add3A_154 = arith.addi %mul3A_147, %shift_right_arithmetic3A_153 : vector<16xi32>
    %swap3A_155 = arith.constant 112 : index
    %swap3A_156 = tpu.vector_load %arg10[%swap3A_155] {strides = array<i32>} : memref<512xi32, #tpu.memory_space<vmem>>, vector<16xi32>,
    %swap3A_157 = vector.shape_cast %swap3A_156 : vector<16xi32> to vector<16xi32>
    %swap3A_158 = vector.shape_cast %add3A_154 : vector<16xi32> to vector<16xi32>
    tpu.vector_store %arg10[%swap3A_155], %swap3A_158 {strides = array<i32>} : memref<512xi32, #tpu.memory_space<vmem>>, vector<16xi32>,
    %get3A_159 = arith.constant 128 : index
    %get3A_160 = tpu.vector_load %arg10[%get3A_159] {strides = array<i32>} : memref<512xi32, #tpu.memory_space<vmem>>, vector<16xi32>,
    %get3A_161 = vector.shape_cast %get3A_160 : vector<16xi32> to vector<16xi32>
    %shift_right_arithmetic3A_162 = arith.constant 14 : i32
    %shift_right_arithmetic3A_163 = vector.broadcast %shift_right_arithmetic3A_162 : i32 to vector<16xi32>
    %shift_right_arithmetic3A_164 = arith.shrsi %get3A_161, %shift_right_arithmetic3A_163 : vector<16xi32>
    %mul3A_165 = arith.constant 4096 : i32
    %mul3A_166 = vector.broadcast %mul3A_165 : i32 to vector<16xi32>
    %mul3A_167 = arith.muli %shift_right_arithmetic3A_164, %mul3A_166 : vector<16xi32>
    %and3A_168 = arith.constant 8191 : i32
    %and3A_169 = vector.broadcast %and3A_168 : i32 to vector<16xi32>
    %and3A_170 = arith.andi %get3A_161, %and3A_169 : vector<16xi32>
    %shift_right_arithmetic3A_171 = arith.constant 1 : i32
    %shift_right_arithmetic3A_172 = vector.broadcast %shift_right_arithmetic3A_171 : i32 to vector<16xi32>
    %shift_right_arithmetic3A_173 = arith.shrsi %and3A_170, %shift_right_arithmetic3A_172 : vector<16xi32>
    %add3A_174 = arith.addi %mul3A_167, %shift_right_arithmetic3A_173 : vector<16xi32>
    %swap3A_175 = arith.constant 128 : index
    %swap3A_176 = tpu.vector_load %arg10[%swap3A_175] {strides = array<i32>} : memref<512xi32, #tpu.memory_space<vmem>>, vector<16xi32>,
    %swap3A_177 = vector.shape_cast %swap3A_176 : vector<16xi32> to vector<16xi32>
    %swap3A_178 = vector.shape_cast %add3A_174 : vector<16xi32> to vector<16xi32>
    tpu.vector_store %arg10[%swap3A_175], %swap3A_178 {strides = array<i32>} : memref<512xi32, #tpu.memory_space<vmem>>, vector<16xi32>,
    %get3A_179 = arith.constant 144 : index
    %get3A_180 = tpu.vector_load %arg10[%get3A_179] {strides = array<i32>} : memref<512xi32, #tpu.memory_space<vmem>>, vector<16xi32>,
    %get3A_181 = vector.shape_cast %get3A_180 : vector<16xi32> to vector<16xi32>
    %shift_right_arithmetic3A_182 = arith.constant 14 : i32
    %shift_right_arithmetic3A_183 = vector.broadcast %shift_right_arithmetic3A_182 : i32 to vector<16xi32>
    %shift_right_arithmetic3A_184 = arith.shrsi %get3A_181, %shift_right_arithmetic3A_183 : vector<16xi32>
    %mul3A_185 = arith.constant 4096 : i32
    %mul3A_186 = vector.broadcast %mul3A_185 : i32 to vector<16xi32>
    %mul3A_187 = arith.muli %shift_right_arithmetic3A_184, %mul3A_186 : vector<16xi32>
    %and3A_188 = arith.constant 8191 : i32
    %and3A_189 = vector.broadcast %and3A_188 : i32 to vector<16xi32>
    %and3A_190 = arith.andi %get3A_181, %and3A_189 : vector<16xi32>
    %shift_right_arithmetic3A_191 = arith.constant 1 : i32
    %shift_right_arithmetic3A_192 = vector.broadcast %shift_right_arithmetic3A_191 : i32 to vector<16xi32>
    %shift_right_arithmetic3A_193 = arith.shrsi %and3A_190, %shift_right_arithmetic3A_192 : vector<16xi32>
    %add3A_194 = arith.addi %mul3A_187, %shift_right_arithmetic3A_193 : vector<16xi32>
    %swap3A_195 = arith.constant 144 : index
    %swap3A_196 = tpu.vector_load %arg10[%swap3A_195] {strides = array<i32>} : memref<512xi32, #tpu.memory_space<vmem>>, vector<16xi32>,
    %swap3A_197 = vector.shape_cast %swap3A_196 : vector<16xi32> to vector<16xi32>
    %swap3A_198 = vector.shape_cast %add3A_194 : vector<16xi32> to vector<16xi32>
    tpu.vector_store %arg10[%swap3A_195], %swap3A_198 {strides = array<i32>} : memref<512xi32, #tpu.memory_space<vmem>>, vector<16xi32>,
    %get3A_199 = arith.constant 160 : index
    %get3A_200 = tpu.vector_load %arg10[%get3A_199] {strides = array<i32>} : memref<512xi32, #tpu.memory_space<vmem>>, vector<16xi32>,
    %get3A_201 = vector.shape_cast %get3A_200 : vector<16xi32> to vector<16xi32>
    %shift_right_arithmetic3A_202 = arith.constant 14 : i32
    %shift_right_arithmetic3A_203 = vector.broadcast %shift_right_arithmetic3A_202 : i32 to vector<16xi32>
    %shift_right_arithmetic3A_204 = arith.shrsi %get3A_201, %shift_right_arithmetic3A_203 : vector<16xi32>
    %mul3A_205 = arith.constant 4096 : i32
    %mul3A_206 = vector.broadcast %mul3A_205 : i32 to vector<16xi32>
    %mul3A_207 = arith.muli %shift_right_arithmetic3A_204, %mul3A_206 : vector<16xi32>
    %and3A_208 = arith.constant 8191 : i32
    %and3A_209 = vector.broadcast %and3A_208 : i32 to vector<16xi32>
    %and3A_210 = arith.andi %get3A_201, %and3A_209 : vector<16xi32>
    %shift_right_arithmetic3A_211 = arith.constant 1 : i32
    %shift_right_arithmetic3A_212 = vector.broadcast %shift_right_arithmetic3A_211 : i32 to vector<16xi32>
    %shift_right_arithmetic3A_213 = arith.shrsi %and3A_210, %shift_right_arithmetic3A_212 : vector<16xi32>
    %add3A_214 = arith.addi %mul3A_207, %shift_right_arithmetic3A_213 : vector<16xi32>
    %swap3A_215 = arith.constant 160 : index
    %swap3A_216 = tpu.vector_load %arg10[%swap3A_215] {strides = array<i32>} : memref<512xi32, #tpu.memory_space<vmem>>, vector<16xi32>,
    %swap3A_217 = vector.shape_cast %swap3A_216 : vector<16xi32> to vector<16xi32>
    %swap3A_218 = vector.shape_cast %add3A_214 : vector<16xi32> to vector<16xi32>
    tpu.vector_store %arg10[%swap3A_215], %swap3A_218 {strides = array<i32>} : memref<512xi32, #tpu.memory_space<vmem>>, vector<16xi32>,
    %get3A_219 = arith.constant 176 : index
    %get3A_220 = tpu.vector_load %arg10[%get3A_219] {strides = array<i32>} : memref<512xi32, #tpu.memory_space<vmem>>, vector<16xi32>,
    %get3A_221 = vector.shape_cast %get3A_220 : vector<16xi32> to vector<16xi32>
    %shift_right_arithmetic3A_222 = arith.constant 14 : i32
    %shift_right_arithmetic3A_223 = vector.broadcast %shift_right_arithmetic3A_222 : i32 to vector<16xi32>
    %shift_right_arithmetic3A_224 = arith.shrsi %get3A_221, %shift_right_arithmetic3A_223 : vector<16xi32>
    %mul3A_225 = arith.constant 4096 : i32
    %mul3A_226 = vector.broadcast %mul3A_225 : i32 to vector<16xi32>
    %mul3A_227 = arith.muli %shift_right_arithmetic3A_224, %mul3A_226 : vector<16xi32>
    %and3A_228 = arith.constant 8191 : i32
    %and3A_229 = vector.broadcast %and3A_228 : i32 to vector<16xi32>
    %and3A_230 = arith.andi %get3A_221, %and3A_229 : vector<16xi32>
    %shift_right_arithmetic3A_231 = arith.constant 1 : i32
    %shift_right_arithmetic3A_232 = vector.broadcast %shift_right_arithmetic3A_231 : i32 to vector<16xi32>
    %shift_right_arithmetic3A_233 = arith.shrsi %and3A_230, %shift_right_arithmetic3A_232 : vector<16xi32>
    %add3A_234 = arith.addi %mul3A_227, %shift_right_arithmetic3A_233 : vector<16xi32>
    %swap3A_235 = arith.constant 176 : index
    %swap3A_236 = tpu.vector_load %arg10[%swap3A_235] {strides = array<i32>} : memref<512xi32, #tpu.memory_space<vmem>>, vector<16xi32>,
    %swap3A_237 = vector.shape_cast %swap3A_236 : vector<16xi32> to vector<16xi32>
    %swap3A_238 = vector.shape_cast %add3A_234 : vector<16xi32> to vector<16xi32>
    tpu.vector_store %arg10[%swap3A_235], %swap3A_238 {strides = array<i32>} : memref<512xi32, #tpu.memory_space<vmem>>, vector<16xi32>,
    %get3A_239 = arith.constant 192 : index
    %get3A_240 = tpu.vector_load %arg10[%get3A_239] {strides = array<i32>} : memref<512xi32, #tpu.memory_space<vmem>>, vector<16xi32>,
    %get3A_241 = vector.shape_cast %get3A_240 : vector<16xi32> to vector<16xi32>
    %shift_right_arithmetic3A_242 = arith.constant 14 : i32
    %shift_right_arithmetic3A_243 = vector.broadcast %shift_right_arithmetic3A_242 : i32 to vector<16xi32>
    %shift_right_arithmetic3A_244 = arith.shrsi %get3A_241, %shift_right_arithmetic3A_243 : vector<16xi32>
    %mul3A_245 = arith.constant 4096 : i32
    %mul3A_246 = vector.broadcast %mul3A_245 : i32 to vector<16xi32>
    %mul3A_247 = arith.muli %shift_right_arithmetic3A_244, %mul3A_246 : vector<16xi32>
    %and3A_248 = arith.constant 8191 : i32
    %and3A_249 = vector.broadcast %and3A_248 : i32 to vector<16xi32>
    %and3A_250 = arith.andi %get3A_241, %and3A_249 : vector<16xi32>
    %shift_right_arithmetic3A_251 = arith.constant 1 : i32
    %shift_right_arithmetic3A_252 = vector.broadcast %shift_right_arithmetic3A_251 : i32 to vector<16xi32>
    %shift_right_arithmetic3A_253 = arith.shrsi %and3A_250, %shift_right_arithmetic3A_252 : vector<16xi32>
    %add3A_254 = arith.addi %mul3A_247, %shift_right_arithmetic3A_253 : vector<16xi32>
    %swap3A_255 = arith.constant 192 : index
    %swap3A_256 = tpu.vector_load %arg10[%swap3A_255] {strides = array<i32>} : memref<512xi32, #tpu.memory_space<vmem>>, vector<16xi32>,
    %swap3A_257 = vector.shape_cast %swap3A_256 : vector<16xi32> to vector<16xi32>
    %swap3A_258 = vector.shape_cast %add3A_254 : vector<16xi32> to vector<16xi32>
    tpu.vector_store %arg10[%swap3A_255], %swap3A_258 {strides = array<i32>} : memref<512xi32, #tpu.memory_space<vmem>>, vector<16xi32>,
    %get3A_259 = arith.constant 208 : index
    %get3A_260 = tpu.vector_load %arg10[%get3A_259] {strides = array<i32>} : memref<512xi32, #tpu.memory_space<vmem>>, vector<16xi32>,
    %get3A_261 = vector.shape_cast %get3A_260 : vector<16xi32> to vector<16xi32>
    %shift_right_arithmetic3A_262 = arith.constant 14 : i32
    %shift_right_arithmetic3A_263 = vector.broadcast %shift_right_arithmetic3A_262 : i32 to vector<16xi32>
    %shift_right_arithmetic3A_264 = arith.shrsi %get3A_261, %shift_right_arithmetic3A_263 : vector<16xi32>
    %mul3A_265 = arith.constant 4096 : i32
    %mul3A_266 = vector.broadcast %mul3A_265 : i32 to vector<16xi32>
    %mul3A_267 = arith.muli %shift_right_arithmetic3A_264, %mul3A_266 : vector<16xi32>
    %and3A_268 = arith.constant 8191 : i32
    %and3A_269 = vector.broadcast %and3A_268 : i32 to vector<16xi32>
    %and3A_270 = arith.andi %get3A_261, %and3A_269 : vector<16xi32>
    %shift_right_arithmetic3A_271 = arith.constant 1 : i32
    %shift_right_arithmetic3A_272 = vector.broadcast %shift_right_arithmetic3A_271 : i32 to vector<16xi32>
    %shift_right_arithmetic3A_273 = arith.shrsi %and3A_270, %shift_right_arithmetic3A_272 : vector<16xi32>
    %add3A_274 = arith.addi %mul3A_267, %shift_right_arithmetic3A_273 : vector<16xi32>
    %swap3A_275 = arith.constant 208 : index
    %swap3A_276 = tpu.vector_load %arg10[%swap3A_275] {strides = array<i32>} : memref<512xi32, #tpu.memory_space<vmem>>, vector<16xi32>,
    %swap3A_277 = vector.shape_cast %swap3A_276 : vector<16xi32> to vector<16xi32>
    %swap3A_278 = vector.shape_cast %add3A_274 : vector<16xi32> to vector<16xi32>
    tpu.vector_store %arg10[%swap3A_275], %swap3A_278 {strides = array<i32>} : memref<512xi32, #tpu.memory_space<vmem>>, vector<16xi32>,
    %get3A_279 = arith.constant 224 : index
    %get3A_280 = tpu.vector_load %arg10[%get3A_279] {strides = array<i32>} : memref<512xi32, #tpu.memory_space<vmem>>, vector<16xi32>,
    %get3A_281 = vector.shape_cast %get3A_280 : vector<16xi32> to vector<16xi32>
    %shift_right_arithmetic3A_282 = arith.constant 14 : i32
    %shift_right_arithmetic3A_283 = vector.broadcast %shift_right_arithmetic3A_282 : i32 to vector<16xi32>
    %shift_right_arithmetic3A_284 = arith.shrsi %get3A_281, %shift_right_arithmetic3A_283 : vector<16xi32>
    %mul3A_285 = arith.constant 4096 : i32
    %mul3A_286 = vector.broadcast %mul3A_285 : i32 to vector<16xi32>
    %mul3A_287 = arith.muli %shift_right_arithmetic3A_284, %mul3A_286 : vector<16xi32>
    %and3A_288 = arith.constant 8191 : i32
    %and3A_289 = vector.broadcast %and3A_288 : i32 to vector<16xi32>
    %and3A_290 = arith.andi %get3A_281, %and3A_289 : vector<16xi32>
    %shift_right_arithmetic3A_291 = arith.constant 1 : i32
    %shift_right_arithmetic3A_292 = vector.broadcast %shift_right_arithmetic3A_291 : i32 to vector<16xi32>
    %shift_right_arithmetic3A_293 = arith.shrsi %and3A_290, %shift_right_arithmetic3A_292 : vector<16xi32>
    %add3A_294 = arith.addi %mul3A_287, %shift_right_arithmetic3A_293 : vector<16xi32>
    %swap3A_295 = arith.constant 224 : index
    %swap3A_296 = tpu.vector_load %arg10[%swap3A_295] {strides = array<i32>} : memref<512xi32, #tpu.memory_space<vmem>>, vector<16xi32>,
    %swap3A_297 = vector.shape_cast %swap3A_296 : vector<16xi32> to vector<16xi32>
    %swap3A_298 = vector.shape_cast %add3A_294 : vector<16xi32> to vector<16xi32>
    tpu.vector_store %arg10[%swap3A_295], %swap3A_298 {strides = array<i32>} : memref<512xi32, #tpu.memory_space<vmem>>, vector<16xi32>,
    %get3A_299 = arith.constant 240 : index
    %get3A_300 = tpu.vector_load %arg10[%get3A_299] {strides = array<i32>} : memref<512xi32, #tpu.memory_space<vmem>>, vector<16xi32>,
    %get3A_301 = vector.shape_cast %get3A_300 : vector<16xi32> to vector<16xi32>
    %shift_right_arithmetic3A_302 = arith.constant 14 : i32
    %shift_right_arithmetic3A_303 = vector.broadcast %shift_right_arithmetic3A_302 : i32 to vector<16xi32>
    %shift_right_arithmetic3A_304 = arith.shrsi %get3A_301, %shift_right_arithmetic3A_303 : vector<16xi32>
    %mul3A_305 = arith.constant 4096 : i32
    %mul3A_306 = vector.broadcast %mul3A_305 : i32 to vector<16xi32>
    %mul3A_307 = arith.muli %shift_right_arithmetic3A_304, %mul3A_306 : vector<16xi32>
    %and3A_308 = arith.constant 8191 : i32
    %and3A_309 = vector.broadcast %and3A_308 : i32 to vector<16xi32>
    %and3A_310 = arith.andi %get3A_301, %and3A_309 : vector<16xi32>
    %shift_right_arithmetic3A_311 = arith.constant 1 : i32
    %shift_right_arithmetic3A_312 = vector.broadcast %shift_right_arithmetic3A_311 : i32 to vector<16xi32>
    %shift_right_arithmetic3A_313 = arith.shrsi %and3A_310, %shift_right_arithmetic3A_312 : vector<16xi32>
    %add3A_314 = arith.addi %mul3A_307, %shift_right_arithmetic3A_313 : vector<16xi32>
    %swap3A_315 = arith.constant 240 : index
    %swap3A_316 = tpu.vector_load %arg10[%swap3A_315] {strides = array<i32>} : memref<512xi32, #tpu.memory_space<vmem>>, vector<16xi32>,
    %swap3A_317 = vector.shape_cast %swap3A_316 : vector<16xi32> to vector<16xi32>
    %swap3A_318 = vector.shape_cast %add3A_314 : vector<16xi32> to vector<16xi32>
    tpu.vector_store %arg10[%swap3A_315], %swap3A_318 {strides = array<i32>} : memref<512xi32, #tpu.memory_space<vmem>>, vector<16xi32>,
    %get3A_319 = arith.constant 256 : index
    %get3A_320 = tpu.vector_load %arg10[%get3A_319] {strides = array<i32>} : memref<512xi32, #tpu.memory_space<vmem>>, vector<16xi32>,
    %get3A_321 = vector.shape_cast %get3A_320 : vector<16xi32> to vector<16xi32>
    %shift_right_arithmetic3A_322 = arith.constant 14 : i32
    %shift_right_arithmetic3A_323 = vector.broadcast %shift_right_arithmetic3A_322 : i32 to vector<16xi32>
    %shift_right_arithmetic3A_324 = arith.shrsi %get3A_321, %shift_right_arithmetic3A_323 : vector<16xi32>
    %mul3A_325 = arith.constant 4096 : i32
    %mul3A_326 = vector.broadcast %mul3A_325 : i32 to vector<16xi32>
    %mul3A_327 = arith.muli %shift_right_arithmetic3A_324, %mul3A_326 : vector<16xi32>
    %and3A_328 = arith.constant 8191 : i32
    %and3A_329 = vector.broadcast %and3A_328 : i32 to vector<16xi32>
    %and3A_330 = arith.andi %get3A_321, %and3A_329 : vector<16xi32>
    %shift_right_arithmetic3A_331 = arith.constant 1 : i32
    %shift_right_arithmetic3A_332 = vector.broadcast %shift_right_arithmetic3A_331 : i32 to vector<16xi32>
    %shift_right_arithmetic3A_333 = arith.shrsi %and3A_330, %shift_right_arithmetic3A_332 : vector<16xi32>
    %add3A_334 = arith.addi %mul3A_327, %shift_right_arithmetic3A_333 : vector<16xi32>
    %swap3A_335 = arith.constant 256 : index
    %swap3A_336 = tpu.vector_load %arg10[%swap3A_335] {strides = array<i32>} : memref<512xi32, #tpu.memory_space<vmem>>, vector<16xi32>,
    %swap3A_337 = vector.shape_cast %swap3A_336 : vector<16xi32> to vector<16xi32>
    %swap3A_338 = vector.shape_cast %add3A_334 : vector<16xi32> to vector<16xi32>
    tpu.vector_store %arg10[%swap3A_335], %swap3A_338 {strides = array<i32>} : memref<512xi32, #tpu.memory_space<vmem>>, vector<16xi32>,
    %get3A_339 = arith.constant 272 : index
    %get3A_340 = tpu.vector_load %arg10[%get3A_339] {strides = array<i32>} : memref<512xi32, #tpu.memory_space<vmem>>, vector<16xi32>,
    %get3A_341 = vector.shape_cast %get3A_340 : vector<16xi32> to vector<16xi32>
    %shift_right_arithmetic3A_342 = arith.constant 14 : i32
    %shift_right_arithmetic3A_343 = vector.broadcast %shift_right_arithmetic3A_342 : i32 to vector<16xi32>
    %shift_right_arithmetic3A_344 = arith.shrsi %get3A_341, %shift_right_arithmetic3A_343 : vector<16xi32>
    %mul3A_345 = arith.constant 4096 : i32
    %mul3A_346 = vector.broadcast %mul3A_345 : i32 to vector<16xi32>
    %mul3A_347 = arith.muli %shift_right_arithmetic3A_344, %mul3A_346 : vector<16xi32>
    %and3A_348 = arith.constant 8191 : i32
    %and3A_349 = vector.broadcast %and3A_348 : i32 to vector<16xi32>
    %and3A_350 = arith.andi %get3A_341, %and3A_349 : vector<16xi32>
    %shift_right_arithmetic3A_351 = arith.constant 1 : i32
    %shift_right_arithmetic3A_352 = vector.broadcast %shift_right_arithmetic3A_351 : i32 to vector<16xi32>
    %shift_right_arithmetic3A_353 = arith.shrsi %and3A_350, %shift_right_arithmetic3A_352 : vector<16xi32>
    %add3A_354 = arith.addi %mul3A_347, %shift_right_arithmetic3A_353 : vector<16xi32>
    %swap3A_355 = arith.constant 272 : index
    %swap3A_356 = tpu.vector_load %arg10[%swap3A_355] {strides = array<i32>} : memref<512xi32, #tpu.memory_space<vmem>>, vector<16xi32>,
    %swap3A_357 = vector.shape_cast %swap3A_356 : vector<16xi32> to vector<16xi32>
    %swap3A_358 = vector.shape_cast %add3A_354 : vector<16xi32> to vector<16xi32>
    tpu.vector_store %arg10[%swap3A_355], %swap3A_358 {strides = array<i32>} : memref<512xi32, #tpu.memory_space<vmem>>, vector<16xi32>,
    %get3A_359 = arith.constant 288 : index
    %get3A_360 = tpu.vector_load %arg10[%get3A_359] {strides = array<i32>} : memref<512xi32, #tpu.memory_space<vmem>>, vector<16xi32>,
    %get3A_361 = vector.shape_cast %get3A_360 : vector<16xi32> to vector<16xi32>
    %shift_right_arithmetic3A_362 = arith.constant 14 : i32
    %shift_right_arithmetic3A_363 = vector.broadcast %shift_right_arithmetic3A_362 : i32 to vector<16xi32>
    %shift_right_arithmetic3A_364 = arith.shrsi %get3A_361, %shift_right_arithmetic3A_363 : vector<16xi32>
    %mul3A_365 = arith.constant 4096 : i32
    %mul3A_366 = vector.broadcast %mul3A_365 : i32 to vector<16xi32>
    %mul3A_367 = arith.muli %shift_right_arithmetic3A_364, %mul3A_366 : vector<16xi32>
    %and3A_368 = arith.constant 8191 : i32
    %and3A_369 = vector.broadcast %and3A_368 : i32 to vector<16xi32>
    %and3A_370 = arith.andi %get3A_361, %and3A_369 : vector<16xi32>
    %shift_right_arithmetic3A_371 = arith.constant 1 : i32
    %shift_right_arithmetic3A_372 = vector.broadcast %shift_right_arithmetic3A_371 : i32 to vector<16xi32>
    %shift_right_arithmetic3A_373 = arith.shrsi %and3A_370, %shift_right_arithmetic3A_372 : vector<16xi32>
    %add3A_374 = arith.addi %mul3A_367, %shift_right_arithmetic3A_373 : vector<16xi32>
    %swap3A_375 = arith.constant 288 : index
    %swap3A_376 = tpu.vector_load %arg10[%swap3A_375] {strides = array<i32>} : memref<512xi32, #tpu.memory_space<vmem>>, vector<16xi32>,
    %swap3A_377 = vector.shape_cast %swap3A_376 : vector<16xi32> to vector<16xi32>
    %swap3A_378 = vector.shape_cast %add3A_374 : vector<16xi32> to vector<16xi32>
    tpu.vector_store %arg10[%swap3A_375], %swap3A_378 {strides = array<i32>} : memref<512xi32, #tpu.memory_space<vmem>>, vector<16xi32>,
    %get3A_379 = arith.constant 304 : index
    %get3A_380 = tpu.vector_load %arg10[%get3A_379] {strides = array<i32>} : memref<512xi32, #tpu.memory_space<vmem>>, vector<16xi32>,
    %get3A_381 = vector.shape_cast %get3A_380 : vector<16xi32> to vector<16xi32>
    %shift_right_arithmetic3A_382 = arith.constant 14 : i32
    %shift_right_arithmetic3A_383 = vector.broadcast %shift_right_arithmetic3A_382 : i32 to vector<16xi32>
    %shift_right_arithmetic3A_384 = arith.shrsi %get3A_381, %shift_right_arithmetic3A_383 : vector<16xi32>
    %mul3A_385 = arith.constant 4096 : i32
    %mul3A_386 = vector.broadcast %mul3A_385 : i32 to vector<16xi32>
    %mul3A_387 = arith.muli %shift_right_arithmetic3A_384, %mul3A_386 : vector<16xi32>
    %and3A_388 = arith.constant 8191 : i32
    %and3A_389 = vector.broadcast %and3A_388 : i32 to vector<16xi32>
    %and3A_390 = arith.andi %get3A_381, %and3A_389 : vector<16xi32>
    %shift_right_arithmetic3A_391 = arith.constant 1 : i32
    %shift_right_arithmetic3A_392 = vector.broadcast %shift_right_arithmetic3A_391 : i32 to vector<16xi32>
    %shift_right_arithmetic3A_393 = arith.shrsi %and3A_390, %shift_right_arithmetic3A_392 : vector<16xi32>
    %add3A_394 = arith.addi %mul3A_387, %shift_right_arithmetic3A_393 : vector<16xi32>
    %swap3A_395 = arith.constant 304 : index
    %swap3A_396 = tpu.vector_load %arg10[%swap3A_395] {strides = array<i32>} : memref<512xi32, #tpu.memory_space<vmem>>, vector<16xi32>,
    %swap3A_397 = vector.shape_cast %swap3A_396 : vector<16xi32> to vector<16xi32>
    %swap3A_398 = vector.shape_cast %add3A_394 : vector<16xi32> to vector<16xi32>
    tpu.vector_store %arg10[%swap3A_395], %swap3A_398 {strides = array<i32>} : memref<512xi32, #tpu.memory_space<vmem>>, vector<16xi32>,
    %get3A_399 = arith.constant 320 : index
    %get3A_400 = tpu.vector_load %arg10[%get3A_399] {strides = array<i32>} : memref<512xi32, #tpu.memory_space<vmem>>, vector<16xi32>,
    %get3A_401 = vector.shape_cast %get3A_400 : vector<16xi32> to vector<16xi32>
    %shift_right_arithmetic3A_402 = arith.constant 14 : i32
    %shift_right_arithmetic3A_403 = vector.broadcast %shift_right_arithmetic3A_402 : i32 to vector<16xi32>
    %shift_right_arithmetic3A_404 = arith.shrsi %get3A_401, %shift_right_arithmetic3A_403 : vector<16xi32>
    %mul3A_405 = arith.constant 4096 : i32
    %mul3A_406 = vector.broadcast %mul3A_405 : i32 to vector<16xi32>
    %mul3A_407 = arith.muli %shift_right_arithmetic3A_404, %mul3A_406 : vector<16xi32>
    %and3A_408 = arith.constant 8191 : i32
    %and3A_409 = vector.broadcast %and3A_408 : i32 to vector<16xi32>
    %and3A_410 = arith.andi %get3A_401, %and3A_409 : vector<16xi32>
    %shift_right_arithmetic3A_411 = arith.constant 1 : i32
    %shift_right_arithmetic3A_412 = vector.broadcast %shift_right_arithmetic3A_411 : i32 to vector<16xi32>
    %shift_right_arithmetic3A_413 = arith.shrsi %and3A_410, %shift_right_arithmetic3A_412 : vector<16xi32>
    %add3A_414 = arith.addi %mul3A_407, %shift_right_arithmetic3A_413 : vector<16xi32>
    %swap3A_415 = arith.constant 320 : index
    %swap3A_416 = tpu.vector_load %arg10[%swap3A_415] {strides = array<i32>} : memref<512xi32, #tpu.memory_space<vmem>>, vector<16xi32>,
    %swap3A_417 = vector.shape_cast %swap3A_416 : vector<16xi32> to vector<16xi32>
    %swap3A_418 = vector.shape_cast %add3A_414 : vector<16xi32> to vector<16xi32>
    tpu.vector_store %arg10[%swap3A_415], %swap3A_418 {strides = array<i32>} : memref<512xi32, #tpu.memory_space<vmem>>, vector<16xi32>,
    %get3A_419 = arith.constant 336 : index
    %get3A_420 = tpu.vector_load %arg10[%get3A_419] {strides = array<i32>} : memref<512xi32, #tpu.memory_space<vmem>>, vector<16xi32>,
    %get3A_421 = vector.shape_cast %get3A_420 : vector<16xi32> to vector<16xi32>
    %shift_right_arithmetic3A_422 = arith.constant 14 : i32
    %shift_right_arithmetic3A_423 = vector.broadcast %shift_right_arithmetic3A_422 : i32 to vector<16xi32>
    %shift_right_arithmetic3A_424 = arith.shrsi %get3A_421, %shift_right_arithmetic3A_423 : vector<16xi32>
    %mul3A_425 = arith.constant 4096 : i32
    %mul3A_426 = vector.broadcast %mul3A_425 : i32 to vector<16xi32>
    %mul3A_427 = arith.muli %shift_right_arithmetic3A_424, %mul3A_426 : vector<16xi32>
    %and3A_428 = arith.constant 8191 : i32
    %and3A_429 = vector.broadcast %and3A_428 : i32 to vector<16xi32>
    %and3A_430 = arith.andi %get3A_421, %and3A_429 : vector<16xi32>
    %shift_right_arithmetic3A_431 = arith.constant 1 : i32
    %shift_right_arithmetic3A_432 = vector.broadcast %shift_right_arithmetic3A_431 : i32 to vector<16xi32>
    %shift_right_arithmetic3A_433 = arith.shrsi %and3A_430, %shift_right_arithmetic3A_432 : vector<16xi32>
    %add3A_434 = arith.addi %mul3A_427, %shift_right_arithmetic3A_433 : vector<16xi32>
    %swap3A_435 = arith.constant 336 : index
    %swap3A_436 = tpu.vector_load %arg10[%swap3A_435] {strides = array<i32>} : memref<512xi32, #tpu.memory_space<vmem>>, vector<16xi32>,
    %swap3A_437 = vector.shape_cast %swap3A_436 : vector<16xi32> to vector<16xi32>
    %swap3A_438 = vector.shape_cast %add3A_434 : vector<16xi32> to vector<16xi32>
    tpu.vector_store %arg10[%swap3A_435], %swap3A_438 {strides = array<i32>} : memref<512xi32, #tpu.memory_space<vmem>>, vector<16xi32>,
    %get3A_439 = arith.constant 352 : index
    %get3A_440 = tpu.vector_load %arg10[%get3A_439] {strides = array<i32>} : memref<512xi32, #tpu.memory_space<vmem>>, vector<16xi32>,
    %get3A_441 = vector.shape_cast %get3A_440 : vector<16xi32> to vector<16xi32>
    %shift_right_arithmetic3A_442 = arith.constant 14 : i32
    %shift_right_arithmetic3A_443 = vector.broadcast %shift_right_arithmetic3A_442 : i32 to vector<16xi32>
    %shift_right_arithmetic3A_444 = arith.shrsi %get3A_441, %shift_right_arithmetic3A_443 : vector<16xi32>
    %mul3A_445 = arith.constant 4096 : i32
    %mul3A_446 = vector.broadcast %mul3A_445 : i32 to vector<16xi32>
    %mul3A_447 = arith.muli %shift_right_arithmetic3A_444, %mul3A_446 : vector<16xi32>
    %and3A_448 = arith.constant 8191 : i32
    %and3A_449 = vector.broadcast %and3A_448 : i32 to vector<16xi32>
    %and3A_450 = arith.andi %get3A_441, %and3A_449 : vector<16xi32>
    %shift_right_arithmetic3A_451 = arith.constant 1 : i32
    %shift_right_arithmetic3A_452 = vector.broadcast %shift_right_arithmetic3A_451 : i32 to vector<16xi32>
    %shift_right_arithmetic3A_453 = arith.shrsi %and3A_450, %shift_right_arithmetic3A_452 : vector<16xi32>
    %add3A_454 = arith.addi %mul3A_447, %shift_right_arithmetic3A_453 : vector<16xi32>
    %swap3A_455 = arith.constant 352 : index
    %swap3A_456 = tpu.vector_load %arg10[%swap3A_455] {strides = array<i32>} : memref<512xi32, #tpu.memory_space<vmem>>, vector<16xi32>,
    %swap3A_457 = vector.shape_cast %swap3A_456 : vector<16xi32> to vector<16xi32>
    %swap3A_458 = vector.shape_cast %add3A_454 : vector<16xi32> to vector<16xi32>
    tpu.vector_store %arg10[%swap3A_455], %swap3A_458 {strides = array<i32>} : memref<512xi32, #tpu.memory_space<vmem>>, vector<16xi32>,
    %get3A_459 = arith.constant 368 : index
    %get3A_460 = tpu.vector_load %arg10[%get3A_459] {strides = array<i32>} : memref<512xi32, #tpu.memory_space<vmem>>, vector<16xi32>,
    %get3A_461 = vector.shape_cast %get3A_460 : vector<16xi32> to vector<16xi32>
    %shift_right_arithmetic3A_462 = arith.constant 14 : i32
    %shift_right_arithmetic3A_463 = vector.broadcast %shift_right_arithmetic3A_462 : i32 to vector<16xi32>
    %shift_right_arithmetic3A_464 = arith.shrsi %get3A_461, %shift_right_arithmetic3A_463 : vector<16xi32>
    %mul3A_465 = arith.constant 4096 : i32
    %mul3A_466 = vector.broadcast %mul3A_465 : i32 to vector<16xi32>
    %mul3A_467 = arith.muli %shift_right_arithmetic3A_464, %mul3A_466 : vector<16xi32>
    %and3A_468 = arith.constant 8191 : i32
    %and3A_469 = vector.broadcast %and3A_468 : i32 to vector<16xi32>
    %and3A_470 = arith.andi %get3A_461, %and3A_469 : vector<16xi32>
    %shift_right_arithmetic3A_471 = arith.constant 1 : i32
    %shift_right_arithmetic3A_472 = vector.broadcast %shift_right_arithmetic3A_471 : i32 to vector<16xi32>
    %shift_right_arithmetic3A_473 = arith.shrsi %and3A_470, %shift_right_arithmetic3A_472 : vector<16xi32>
    %add3A_474 = arith.addi %mul3A_467, %shift_right_arithmetic3A_473 : vector<16xi32>
    %swap3A_475 = arith.constant 368 : index
    %swap3A_476 = tpu.vector_load %arg10[%swap3A_475] {strides = array<i32>} : memref<512xi32, #tpu.memory_space<vmem>>, vector<16xi32>,
    %swap3A_477 = vector.shape_cast %swap3A_476 : vector<16xi32> to vector<16xi32>
    %swap3A_478 = vector.shape_cast %add3A_474 : vector<16xi32> to vector<16xi32>
    tpu.vector_store %arg10[%swap3A_475], %swap3A_478 {strides = array<i32>} : memref<512xi32, #tpu.memory_space<vmem>>, vector<16xi32>,
    %get3A_479 = arith.constant 384 : index
    %get3A_480 = tpu.vector_load %arg10[%get3A_479] {strides = array<i32>} : memref<512xi32, #tpu.memory_space<vmem>>, vector<16xi32>,
    %get3A_481 = vector.shape_cast %get3A_480 : vector<16xi32> to vector<16xi32>
    %shift_right_arithmetic3A_482 = arith.constant 14 : i32
    %shift_right_arithmetic3A_483 = vector.broadcast %shift_right_arithmetic3A_482 : i32 to vector<16xi32>
    %shift_right_arithmetic3A_484 = arith.shrsi %get3A_481, %shift_right_arithmetic3A_483 : vector<16xi32>
    %mul3A_485 = arith.constant 4096 : i32
    %mul3A_486 = vector.broadcast %mul3A_485 : i32 to vector<16xi32>
    %mul3A_487 = arith.muli %shift_right_arithmetic3A_484, %mul3A_486 : vector<16xi32>
    %and3A_488 = arith.constant 8191 : i32
    %and3A_489 = vector.broadcast %and3A_488 : i32 to vector<16xi32>
    %and3A_490 = arith.andi %get3A_481, %and3A_489 : vector<16xi32>
    %shift_right_arithmetic3A_491 = arith.constant 1 : i32
    %shift_right_arithmetic3A_492 = vector.broadcast %shift_right_arithmetic3A_491 : i32 to vector<16xi32>
    %shift_right_arithmetic3A_493 = arith.shrsi %and3A_490, %shift_right_arithmetic3A_492 : vector<16xi32>
    %add3A_494 = arith.addi %mul3A_487, %shift_right_arithmetic3A_493 : vector<16xi32>
    %swap3A_495 = arith.constant 384 : index
    %swap3A_496 = tpu.vector_load %arg10[%swap3A_495] {strides = array<i32>} : memref<512xi32, #tpu.memory_space<vmem>>, vector<16xi32>,
    %swap3A_497 = vector.shape_cast %swap3A_496 : vector<16xi32> to vector<16xi32>
    %swap3A_498 = vector.shape_cast %add3A_494 : vector<16xi32> to vector<16xi32>
    tpu.vector_store %arg10[%swap3A_495], %swap3A_498 {strides = array<i32>} : memref<512xi32, #tpu.memory_space<vmem>>, vector<16xi32>,
    %get3A_499 = arith.constant 400 : index
    %get3A_500 = tpu.vector_load %arg10[%get3A_499] {strides = array<i32>} : memref<512xi32, #tpu.memory_space<vmem>>, vector<16xi32>,
    %get3A_501 = vector.shape_cast %get3A_500 : vector<16xi32> to vector<16xi32>
    %shift_right_arithmetic3A_502 = arith.constant 14 : i32
    %shift_right_arithmetic3A_503 = vector.broadcast %shift_right_arithmetic3A_502 : i32 to vector<16xi32>
    %shift_right_arithmetic3A_504 = arith.shrsi %get3A_501, %shift_right_arithmetic3A_503 : vector<16xi32>
    %mul3A_505 = arith.constant 4096 : i32
    %mul3A_506 = vector.broadcast %mul3A_505 : i32 to vector<16xi32>
    %mul3A_507 = arith.muli %shift_right_arithmetic3A_504, %mul3A_506 : vector<16xi32>
    %and3A_508 = arith.constant 8191 : i32
    %and3A_509 = vector.broadcast %and3A_508 : i32 to vector<16xi32>
    %and3A_510 = arith.andi %get3A_501, %and3A_509 : vector<16xi32>
    %shift_right_arithmetic3A_511 = arith.constant 1 : i32
    %shift_right_arithmetic3A_512 = vector.broadcast %shift_right_arithmetic3A_511 : i32 to vector<16xi32>
    %shift_right_arithmetic3A_513 = arith.shrsi %and3A_510, %shift_right_arithmetic3A_512 : vector<16xi32>
    %add3A_514 = arith.addi %mul3A_507, %shift_right_arithmetic3A_513 : vector<16xi32>
    %swap3A_515 = arith.constant 400 : index
    %swap3A_516 = tpu.vector_load %arg10[%swap3A_515] {strides = array<i32>} : memref<512xi32, #tpu.memory_space<vmem>>, vector<16xi32>,
    %swap3A_517 = vector.shape_cast %swap3A_516 : vector<16xi32> to vector<16xi32>
    %swap3A_518 = vector.shape_cast %add3A_514 : vector<16xi32> to vector<16xi32>
    tpu.vector_store %arg10[%swap3A_515], %swap3A_518 {strides = array<i32>} : memref<512xi32, #tpu.memory_space<vmem>>, vector<16xi32>,
    %get3A_519 = arith.constant 416 : index
    %get3A_520 = tpu.vector_load %arg10[%get3A_519] {strides = array<i32>} : memref<512xi32, #tpu.memory_space<vmem>>, vector<16xi32>,
    %get3A_521 = vector.shape_cast %get3A_520 : vector<16xi32> to vector<16xi32>
    %shift_right_arithmetic3A_522 = arith.constant 14 : i32
    %shift_right_arithmetic3A_523 = vector.broadcast %shift_right_arithmetic3A_522 : i32 to vector<16xi32>
    %shift_right_arithmetic3A_524 = arith.shrsi %get3A_521, %shift_right_arithmetic3A_523 : vector<16xi32>
    %mul3A_525 = arith.constant 4096 : i32
    %mul3A_526 = vector.broadcast %mul3A_525 : i32 to vector<16xi32>
    %mul3A_527 = arith.muli %shift_right_arithmetic3A_524, %mul3A_526 : vector<16xi32>
    %and3A_528 = arith.constant 8191 : i32
    %and3A_529 = vector.broadcast %and3A_528 : i32 to vector<16xi32>
    %and3A_530 = arith.andi %get3A_521, %and3A_529 : vector<16xi32>
    %shift_right_arithmetic3A_531 = arith.constant 1 : i32
    %shift_right_arithmetic3A_532 = vector.broadcast %shift_right_arithmetic3A_531 : i32 to vector<16xi32>
    %shift_right_arithmetic3A_533 = arith.shrsi %and3A_530, %shift_right_arithmetic3A_532 : vector<16xi32>
    %add3A_534 = arith.addi %mul3A_527, %shift_right_arithmetic3A_533 : vector<16xi32>
    %swap3A_535 = arith.constant 416 : index
    %swap3A_536 = tpu.vector_load %arg10[%swap3A_535] {strides = array<i32>} : memref<512xi32, #tpu.memory_space<vmem>>, vector<16xi32>,
    %swap3A_537 = vector.shape_cast %swap3A_536 : vector<16xi32> to vector<16xi32>
    %swap3A_538 = vector.shape_cast %add3A_534 : vector<16xi32> to vector<16xi32>
    tpu.vector_store %arg10[%swap3A_535], %swap3A_538 {strides = array<i32>} : memref<512xi32, #tpu.memory_space<vmem>>, vector<16xi32>,
    %get3A_539 = arith.constant 432 : index
    %get3A_540 = tpu.vector_load %arg10[%get3A_539] {strides = array<i32>} : memref<512xi32, #tpu.memory_space<vmem>>, vector<16xi32>,
    %get3A_541 = vector.shape_cast %get3A_540 : vector<16xi32> to vector<16xi32>
    %shift_right_arithmetic3A_542 = arith.constant 14 : i32
    %shift_right_arithmetic3A_543 = vector.broadcast %shift_right_arithmetic3A_542 : i32 to vector<16xi32>
    %shift_right_arithmetic3A_544 = arith.shrsi %get3A_541, %shift_right_arithmetic3A_543 : vector<16xi32>
    %mul3A_545 = arith.constant 4096 : i32
    %mul3A_546 = vector.broadcast %mul3A_545 : i32 to vector<16xi32>
    %mul3A_547 = arith.muli %shift_right_arithmetic3A_544, %mul3A_546 : vector<16xi32>
    %and3A_548 = arith.constant 8191 : i32
    %and3A_549 = vector.broadcast %and3A_548 : i32 to vector<16xi32>
    %and3A_550 = arith.andi %get3A_541, %and3A_549 : vector<16xi32>
    %shift_right_arithmetic3A_551 = arith.constant 1 : i32
    %shift_right_arithmetic3A_552 = vector.broadcast %shift_right_arithmetic3A_551 : i32 to vector<16xi32>
    %shift_right_arithmetic3A_553 = arith.shrsi %and3A_550, %shift_right_arithmetic3A_552 : vector<16xi32>
    %add3A_554 = arith.addi %mul3A_547, %shift_right_arithmetic3A_553 : vector<16xi32>
    %swap3A_555 = arith.constant 432 : index
    %swap3A_556 = tpu.vector_load %arg10[%swap3A_555] {strides = array<i32>} : memref<512xi32, #tpu.memory_space<vmem>>, vector<16xi32>,
    %swap3A_557 = vector.shape_cast %swap3A_556 : vector<16xi32> to vector<16xi32>
    %swap3A_558 = vector.shape_cast %add3A_554 : vector<16xi32> to vector<16xi32>
    tpu.vector_store %arg10[%swap3A_555], %swap3A_558 {strides = array<i32>} : memref<512xi32, #tpu.memory_space<vmem>>, vector<16xi32>,
    %get3A_559 = arith.constant 448 : index
    %get3A_560 = tpu.vector_load %arg10[%get3A_559] {strides = array<i32>} : memref<512xi32, #tpu.memory_space<vmem>>, vector<16xi32>,
    %get3A_561 = vector.shape_cast %get3A_560 : vector<16xi32> to vector<16xi32>
    %shift_right_arithmetic3A_562 = arith.constant 14 : i32
    %shift_right_arithmetic3A_563 = vector.broadcast %shift_right_arithmetic3A_562 : i32 to vector<16xi32>
    %shift_right_arithmetic3A_564 = arith.shrsi %get3A_561, %shift_right_arithmetic3A_563 : vector<16xi32>
    %mul3A_565 = arith.constant 4096 : i32
    %mul3A_566 = vector.broadcast %mul3A_565 : i32 to vector<16xi32>
    %mul3A_567 = arith.muli %shift_right_arithmetic3A_564, %mul3A_566 : vector<16xi32>
    %and3A_568 = arith.constant 8191 : i32
    %and3A_569 = vector.broadcast %and3A_568 : i32 to vector<16xi32>
    %and3A_570 = arith.andi %get3A_561, %and3A_569 : vector<16xi32>
    %shift_right_arithmetic3A_571 = arith.constant 1 : i32
    %shift_right_arithmetic3A_572 = vector.broadcast %shift_right_arithmetic3A_571 : i32 to vector<16xi32>
    %shift_right_arithmetic3A_573 = arith.shrsi %and3A_570, %shift_right_arithmetic3A_572 : vector<16xi32>
    %add3A_574 = arith.addi %mul3A_567, %shift_right_arithmetic3A_573 : vector<16xi32>
    %swap3A_575 = arith.constant 448 : index
    %swap3A_576 = tpu.vector_load %arg10[%swap3A_575] {strides = array<i32>} : memref<512xi32, #tpu.memory_space<vmem>>, vector<16xi32>,
    %swap3A_577 = vector.shape_cast %swap3A_576 : vector<16xi32> to vector<16xi32>
    %swap3A_578 = vector.shape_cast %add3A_574 : vector<16xi32> to vector<16xi32>
    tpu.vector_store %arg10[%swap3A_575], %swap3A_578 {strides = array<i32>} : memref<512xi32, #tpu.memory_space<vmem>>, vector<16xi32>,
    %get3A_579 = arith.constant 464 : index
    %get3A_580 = tpu.vector_load %arg10[%get3A_579] {strides = array<i32>} : memref<512xi32, #tpu.memory_space<vmem>>, vector<16xi32>,
    %get3A_581 = vector.shape_cast %get3A_580 : vector<16xi32> to vector<16xi32>
    %shift_right_arithmetic3A_582 = arith.constant 14 : i32
    %shift_right_arithmetic3A_583 = vector.broadcast %shift_right_arithmetic3A_582 : i32 to vector<16xi32>
    %shift_right_arithmetic3A_584 = arith.shrsi %get3A_581, %shift_right_arithmetic3A_583 : vector<16xi32>
    %mul3A_585 = arith.constant 4096 : i32
    %mul3A_586 = vector.broadcast %mul3A_585 : i32 to vector<16xi32>
    %mul3A_587 = arith.muli %shift_right_arithmetic3A_584, %mul3A_586 : vector<16xi32>
    %and3A_588 = arith.constant 8191 : i32
    %and3A_589 = vector.broadcast %and3A_588 : i32 to vector<16xi32>
    %and3A_590 = arith.andi %get3A_581, %and3A_589 : vector<16xi32>
    %shift_right_arithmetic3A_591 = arith.constant 1 : i32
    %shift_right_arithmetic3A_592 = vector.broadcast %shift_right_arithmetic3A_591 : i32 to vector<16xi32>
    %shift_right_arithmetic3A_593 = arith.shrsi %and3A_590, %shift_right_arithmetic3A_592 : vector<16xi32>
    %add3A_594 = arith.addi %mul3A_587, %shift_right_arithmetic3A_593 : vector<16xi32>
    %swap3A_595 = arith.constant 464 : index
    %swap3A_596 = tpu.vector_load %arg10[%swap3A_595] {strides = array<i32>} : memref<512xi32, #tpu.memory_space<vmem>>, vector<16xi32>,
    %swap3A_597 = vector.shape_cast %swap3A_596 : vector<16xi32> to vector<16xi32>
    %swap3A_598 = vector.shape_cast %add3A_594 : vector<16xi32> to vector<16xi32>
    tpu.vector_store %arg10[%swap3A_595], %swap3A_598 {strides = array<i32>} : memref<512xi32, #tpu.memory_space<vmem>>, vector<16xi32>,
    %get3A_599 = arith.constant 480 : index
    %get3A_600 = tpu.vector_load %arg10[%get3A_599] {strides = array<i32>} : memref<512xi32, #tpu.memory_space<vmem>>, vector<16xi32>,
    %get3A_601 = vector.shape_cast %get3A_600 : vector<16xi32> to vector<16xi32>
    %shift_right_arithmetic3A_602 = arith.constant 14 : i32
    %shift_right_arithmetic3A_603 = vector.broadcast %shift_right_arithmetic3A_602 : i32 to vector<16xi32>
    %shift_right_arithmetic3A_604 = arith.shrsi %get3A_601, %shift_right_arithmetic3A_603 : vector<16xi32>
    %mul3A_605 = arith.constant 4096 : i32
    %mul3A_606 = vector.broadcast %mul3A_605 : i32 to vector<16xi32>
    %mul3A_607 = arith.muli %shift_right_arithmetic3A_604, %mul3A_606 : vector<16xi32>
    %and3A_608 = arith.constant 8191 : i32
    %and3A_609 = vector.broadcast %and3A_608 : i32 to vector<16xi32>
    %and3A_610 = arith.andi %get3A_601, %and3A_609 : vector<16xi32>
    %shift_right_arithmetic3A_611 = arith.constant 1 : i32
    %shift_right_arithmetic3A_612 = vector.broadcast %shift_right_arithmetic3A_611 : i32 to vector<16xi32>
    %shift_right_arithmetic3A_613 = arith.shrsi %and3A_610, %shift_right_arithmetic3A_612 : vector<16xi32>
    %add3A_614 = arith.addi %mul3A_607, %shift_right_arithmetic3A_613 : vector<16xi32>
    %swap3A_615 = arith.constant 480 : index
    %swap3A_616 = tpu.vector_load %arg10[%swap3A_615] {strides = array<i32>} : memref<512xi32, #tpu.memory_space<vmem>>, vector<16xi32>,
    %swap3A_617 = vector.shape_cast %swap3A_616 : vector<16xi32> to vector<16xi32>
    %swap3A_618 = vector.shape_cast %add3A_614 : vector<16xi32> to vector<16xi32>
    tpu.vector_store %arg10[%swap3A_615], %swap3A_618 {strides = array<i32>} : memref<512xi32, #tpu.memory_space<vmem>>, vector<16xi32>,
    %get3A_619 = arith.constant 496 : index
    %get3A_620 = tpu.vector_load %arg10[%get3A_619] {strides = array<i32>} : memref<512xi32, #tpu.memory_space<vmem>>, vector<16xi32>,
    %get3A_621 = vector.shape_cast %get3A_620 : vector<16xi32> to vector<16xi32>
    %shift_right_arithmetic3A_622 = arith.constant 14 : i32
    %shift_right_arithmetic3A_623 = vector.broadcast %shift_right_arithmetic3A_622 : i32 to vector<16xi32>
    %shift_right_arithmetic3A_624 = arith.shrsi %get3A_621, %shift_right_arithmetic3A_623 : vector<16xi32>
    %mul3A_625 = arith.constant 4096 : i32
    %mul3A_626 = vector.broadcast %mul3A_625 : i32 to vector<16xi32>
    %mul3A_627 = arith.muli %shift_right_arithmetic3A_624, %mul3A_626 : vector<16xi32>
    %and3A_628 = arith.constant 8191 : i32
    %and3A_629 = vector.broadcast %and3A_628 : i32 to vector<16xi32>
    %and3A_630 = arith.andi %get3A_621, %and3A_629 : vector<16xi32>
    %shift_right_arithmetic3A_631 = arith.constant 1 : i32
    %shift_right_arithmetic3A_632 = vector.broadcast %shift_right_arithmetic3A_631 : i32 to vector<16xi32>
    %shift_right_arithmetic3A_633 = arith.shrsi %and3A_630, %shift_right_arithmetic3A_632 : vector<16xi32>
    %add3A_634 = arith.addi %mul3A_627, %shift_right_arithmetic3A_633 : vector<16xi32>
    %swap3A_635 = arith.constant 496 : index
    %swap3A_636 = tpu.vector_load %arg10[%swap3A_635] {strides = array<i32>} : memref<512xi32, #tpu.memory_space<vmem>>, vector<16xi32>,
    %swap3A_637 = vector.shape_cast %swap3A_636 : vector<16xi32> to vector<16xi32>
    %swap3A_638 = vector.shape_cast %add3A_634 : vector<16xi32> to vector<16xi32>
    tpu.vector_store %arg10[%swap3A_635], %swap3A_638 {strides = array<i32>} : memref<512xi32, #tpu.memory_space<vmem>>, vector<16xi32>,
    "tpu.region"() ({
      %run_scoped3A = tpu.sem_alloc : memref<!tpu.dma_semaphore, #tpu.memory_space<semaphore_mem>>
      %dma_start3A_2493 = tpu.memref_slice %arg3[%mul3A_2] : memref<16384xi32, #tpu.memory_space<hbm>> -> memref<512xi32, #tpu.memory_space<hbm>>
      %dma_start3A_2494 = tpu.memref_slice %arg3[%mul3A_2] : memref<16384xi32, #tpu.memory_space<hbm>> -> memref<512xi32, #tpu.memory_space<hbm>>
      tpu.enqueue_dma source(%dma_start3A_2494 : memref<512xi32, #tpu.memory_space<hbm>>) target(%arg11 : memref<512xi32, #tpu.memory_space<vmem>>) target_semaphore(%run_scoped3A : memref<!tpu.dma_semaphore, #tpu.memory_space<semaphore_mem>>)
      %dma_wait3A_2495 = tpu.memref_slice %arg3[%mul3A_2] : memref<16384xi32, #tpu.memory_space<hbm>> -> memref<512xi32, #tpu.memory_space<hbm>>
      %dma_wait3A_2496 = tpu.memref_slice %arg3[%mul3A_2] : memref<16384xi32, #tpu.memory_space<hbm>> -> memref<512xi32, #tpu.memory_space<hbm>>
      tpu.wait_dma2 semaphore(%run_scoped3A : memref<!tpu.dma_semaphore, #tpu.memory_space<semaphore_mem>>) src(%dma_wait3A_2496 : memref<512xi32, #tpu.memory_space<hbm>>) dst(%arg11 : memref<512xi32, #tpu.memory_space<vmem>>)
      tpu.yield
    }) : () -> ()
    %get3A_639 = arith.constant 0 : index
    %get3A_640 = tpu.vector_load %arg11[%get3A_639] {strides = array<i32>} : memref<512xi32, #tpu.memory_space<vmem>>, vector<16xi32>,
    %get3A_641 = vector.shape_cast %get3A_640 : vector<16xi32> to vector<16xi32>
    %shift_right_arithmetic3A_642 = arith.constant 14 : i32
    %shift_right_arithmetic3A_643 = vector.broadcast %shift_right_arithmetic3A_642 : i32 to vector<16xi32>
    %shift_right_arithmetic3A_644 = arith.shrsi %get3A_641, %shift_right_arithmetic3A_643 : vector<16xi32>
    %mul3A_645 = arith.constant 4096 : i32
    %mul3A_646 = vector.broadcast %mul3A_645 : i32 to vector<16xi32>
    %mul3A_647 = arith.muli %shift_right_arithmetic3A_644, %mul3A_646 : vector<16xi32>
    %and3A_648 = arith.constant 8191 : i32
    %and3A_649 = vector.broadcast %and3A_648 : i32 to vector<16xi32>
    %and3A_650 = arith.andi %get3A_641, %and3A_649 : vector<16xi32>
    %shift_right_arithmetic3A_651 = arith.constant 1 : i32
    %shift_right_arithmetic3A_652 = vector.broadcast %shift_right_arithmetic3A_651 : i32 to vector<16xi32>
    %shift_right_arithmetic3A_653 = arith.shrsi %and3A_650, %shift_right_arithmetic3A_652 : vector<16xi32>
    %add3A_654 = arith.addi %mul3A_647, %shift_right_arithmetic3A_653 : vector<16xi32>
    %swap3A_655 = arith.constant 0 : index
    %swap3A_656 = tpu.vector_load %arg11[%swap3A_655] {strides = array<i32>} : memref<512xi32, #tpu.memory_space<vmem>>, vector<16xi32>,
    %swap3A_657 = vector.shape_cast %swap3A_656 : vector<16xi32> to vector<16xi32>
    %swap3A_658 = vector.shape_cast %add3A_654 : vector<16xi32> to vector<16xi32>
    tpu.vector_store %arg11[%swap3A_655], %swap3A_658 {strides = array<i32>} : memref<512xi32, #tpu.memory_space<vmem>>, vector<16xi32>,
    %get3A_659 = arith.constant 16 : index
    %get3A_660 = tpu.vector_load %arg11[%get3A_659] {strides = array<i32>} : memref<512xi32, #tpu.memory_space<vmem>>, vector<16xi32>,
    %get3A_661 = vector.shape_cast %get3A_660 : vector<16xi32> to vector<16xi32>
    %shift_right_arithmetic3A_662 = arith.constant 14 : i32
    %shift_right_arithmetic3A_663 = vector.broadcast %shift_right_arithmetic3A_662 : i32 to vector<16xi32>
    %shift_right_arithmetic3A_664 = arith.shrsi %get3A_661, %shift_right_arithmetic3A_663 : vector<16xi32>
    %mul3A_665 = arith.constant 4096 : i32
    %mul3A_666 = vector.broadcast %mul3A_665 : i32 to vector<16xi32>
    %mul3A_667 = arith.muli %shift_right_arithmetic3A_664, %mul3A_666 : vector<16xi32>
    %and3A_668 = arith.constant 8191 : i32
    %and3A_669 = vector.broadcast %and3A_668 : i32 to vector<16xi32>
    %and3A_670 = arith.andi %get3A_661, %and3A_669 : vector<16xi32>
    %shift_right_arithmetic3A_671 = arith.constant 1 : i32
    %shift_right_arithmetic3A_672 = vector.broadcast %shift_right_arithmetic3A_671 : i32 to vector<16xi32>
    %shift_right_arithmetic3A_673 = arith.shrsi %and3A_670, %shift_right_arithmetic3A_672 : vector<16xi32>
    %add3A_674 = arith.addi %mul3A_667, %shift_right_arithmetic3A_673 : vector<16xi32>
    %swap3A_675 = arith.constant 16 : index
    %swap3A_676 = tpu.vector_load %arg11[%swap3A_675] {strides = array<i32>} : memref<512xi32, #tpu.memory_space<vmem>>, vector<16xi32>,
    %swap3A_677 = vector.shape_cast %swap3A_676 : vector<16xi32> to vector<16xi32>
    %swap3A_678 = vector.shape_cast %add3A_674 : vector<16xi32> to vector<16xi32>
    tpu.vector_store %arg11[%swap3A_675], %swap3A_678 {strides = array<i32>} : memref<512xi32, #tpu.memory_space<vmem>>, vector<16xi32>,
    %get3A_679 = arith.constant 32 : index
    %get3A_680 = tpu.vector_load %arg11[%get3A_679] {strides = array<i32>} : memref<512xi32, #tpu.memory_space<vmem>>, vector<16xi32>,
    %get3A_681 = vector.shape_cast %get3A_680 : vector<16xi32> to vector<16xi32>
    %shift_right_arithmetic3A_682 = arith.constant 14 : i32
    %shift_right_arithmetic3A_683 = vector.broadcast %shift_right_arithmetic3A_682 : i32 to vector<16xi32>
    %shift_right_arithmetic3A_684 = arith.shrsi %get3A_681, %shift_right_arithmetic3A_683 : vector<16xi32>
    %mul3A_685 = arith.constant 4096 : i32
    %mul3A_686 = vector.broadcast %mul3A_685 : i32 to vector<16xi32>
    %mul3A_687 = arith.muli %shift_right_arithmetic3A_684, %mul3A_686 : vector<16xi32>
    %and3A_688 = arith.constant 8191 : i32
    %and3A_689 = vector.broadcast %and3A_688 : i32 to vector<16xi32>
    %and3A_690 = arith.andi %get3A_681, %and3A_689 : vector<16xi32>
    %shift_right_arithmetic3A_691 = arith.constant 1 : i32
    %shift_right_arithmetic3A_692 = vector.broadcast %shift_right_arithmetic3A_691 : i32 to vector<16xi32>
    %shift_right_arithmetic3A_693 = arith.shrsi %and3A_690, %shift_right_arithmetic3A_692 : vector<16xi32>
    %add3A_694 = arith.addi %mul3A_687, %shift_right_arithmetic3A_693 : vector<16xi32>
    %swap3A_695 = arith.constant 32 : index
    %swap3A_696 = tpu.vector_load %arg11[%swap3A_695] {strides = array<i32>} : memref<512xi32, #tpu.memory_space<vmem>>, vector<16xi32>,
    %swap3A_697 = vector.shape_cast %swap3A_696 : vector<16xi32> to vector<16xi32>
    %swap3A_698 = vector.shape_cast %add3A_694 : vector<16xi32> to vector<16xi32>
    tpu.vector_store %arg11[%swap3A_695], %swap3A_698 {strides = array<i32>} : memref<512xi32, #tpu.memory_space<vmem>>, vector<16xi32>,
    %get3A_699 = arith.constant 48 : index
    %get3A_700 = tpu.vector_load %arg11[%get3A_699] {strides = array<i32>} : memref<512xi32, #tpu.memory_space<vmem>>, vector<16xi32>,
    %get3A_701 = vector.shape_cast %get3A_700 : vector<16xi32> to vector<16xi32>
    %shift_right_arithmetic3A_702 = arith.constant 14 : i32
    %shift_right_arithmetic3A_703 = vector.broadcast %shift_right_arithmetic3A_702 : i32 to vector<16xi32>
    %shift_right_arithmetic3A_704 = arith.shrsi %get3A_701, %shift_right_arithmetic3A_703 : vector<16xi32>
    %mul3A_705 = arith.constant 4096 : i32
    %mul3A_706 = vector.broadcast %mul3A_705 : i32 to vector<16xi32>
    %mul3A_707 = arith.muli %shift_right_arithmetic3A_704, %mul3A_706 : vector<16xi32>
    %and3A_708 = arith.constant 8191 : i32
    %and3A_709 = vector.broadcast %and3A_708 : i32 to vector<16xi32>
    %and3A_710 = arith.andi %get3A_701, %and3A_709 : vector<16xi32>
    %shift_right_arithmetic3A_711 = arith.constant 1 : i32
    %shift_right_arithmetic3A_712 = vector.broadcast %shift_right_arithmetic3A_711 : i32 to vector<16xi32>
    %shift_right_arithmetic3A_713 = arith.shrsi %and3A_710, %shift_right_arithmetic3A_712 : vector<16xi32>
    %add3A_714 = arith.addi %mul3A_707, %shift_right_arithmetic3A_713 : vector<16xi32>
    %swap3A_715 = arith.constant 48 : index
    %swap3A_716 = tpu.vector_load %arg11[%swap3A_715] {strides = array<i32>} : memref<512xi32, #tpu.memory_space<vmem>>, vector<16xi32>,
    %swap3A_717 = vector.shape_cast %swap3A_716 : vector<16xi32> to vector<16xi32>
    %swap3A_718 = vector.shape_cast %add3A_714 : vector<16xi32> to vector<16xi32>
    tpu.vector_store %arg11[%swap3A_715], %swap3A_718 {strides = array<i32>} : memref<512xi32, #tpu.memory_space<vmem>>, vector<16xi32>,
    %get3A_719 = arith.constant 64 : index
    %get3A_720 = tpu.vector_load %arg11[%get3A_719] {strides = array<i32>} : memref<512xi32, #tpu.memory_space<vmem>>, vector<16xi32>,
    %get3A_721 = vector.shape_cast %get3A_720 : vector<16xi32> to vector<16xi32>
    %shift_right_arithmetic3A_722 = arith.constant 14 : i32
    %shift_right_arithmetic3A_723 = vector.broadcast %shift_right_arithmetic3A_722 : i32 to vector<16xi32>
    %shift_right_arithmetic3A_724 = arith.shrsi %get3A_721, %shift_right_arithmetic3A_723 : vector<16xi32>
    %mul3A_725 = arith.constant 4096 : i32
    %mul3A_726 = vector.broadcast %mul3A_725 : i32 to vector<16xi32>
    %mul3A_727 = arith.muli %shift_right_arithmetic3A_724, %mul3A_726 : vector<16xi32>
    %and3A_728 = arith.constant 8191 : i32
    %and3A_729 = vector.broadcast %and3A_728 : i32 to vector<16xi32>
    %and3A_730 = arith.andi %get3A_721, %and3A_729 : vector<16xi32>
    %shift_right_arithmetic3A_731 = arith.constant 1 : i32
    %shift_right_arithmetic3A_732 = vector.broadcast %shift_right_arithmetic3A_731 : i32 to vector<16xi32>
    %shift_right_arithmetic3A_733 = arith.shrsi %and3A_730, %shift_right_arithmetic3A_732 : vector<16xi32>
    %add3A_734 = arith.addi %mul3A_727, %shift_right_arithmetic3A_733 : vector<16xi32>
    %swap3A_735 = arith.constant 64 : index
    %swap3A_736 = tpu.vector_load %arg11[%swap3A_735] {strides = array<i32>} : memref<512xi32, #tpu.memory_space<vmem>>, vector<16xi32>,
    %swap3A_737 = vector.shape_cast %swap3A_736 : vector<16xi32> to vector<16xi32>
    %swap3A_738 = vector.shape_cast %add3A_734 : vector<16xi32> to vector<16xi32>
    tpu.vector_store %arg11[%swap3A_735], %swap3A_738 {strides = array<i32>} : memref<512xi32, #tpu.memory_space<vmem>>, vector<16xi32>,
    %get3A_739 = arith.constant 80 : index
    %get3A_740 = tpu.vector_load %arg11[%get3A_739] {strides = array<i32>} : memref<512xi32, #tpu.memory_space<vmem>>, vector<16xi32>,
    %get3A_741 = vector.shape_cast %get3A_740 : vector<16xi32> to vector<16xi32>
    %shift_right_arithmetic3A_742 = arith.constant 14 : i32
    %shift_right_arithmetic3A_743 = vector.broadcast %shift_right_arithmetic3A_742 : i32 to vector<16xi32>
    %shift_right_arithmetic3A_744 = arith.shrsi %get3A_741, %shift_right_arithmetic3A_743 : vector<16xi32>
    %mul3A_745 = arith.constant 4096 : i32
    %mul3A_746 = vector.broadcast %mul3A_745 : i32 to vector<16xi32>
    %mul3A_747 = arith.muli %shift_right_arithmetic3A_744, %mul3A_746 : vector<16xi32>
    %and3A_748 = arith.constant 8191 : i32
    %and3A_749 = vector.broadcast %and3A_748 : i32 to vector<16xi32>
    %and3A_750 = arith.andi %get3A_741, %and3A_749 : vector<16xi32>
    %shift_right_arithmetic3A_751 = arith.constant 1 : i32
    %shift_right_arithmetic3A_752 = vector.broadcast %shift_right_arithmetic3A_751 : i32 to vector<16xi32>
    %shift_right_arithmetic3A_753 = arith.shrsi %and3A_750, %shift_right_arithmetic3A_752 : vector<16xi32>
    %add3A_754 = arith.addi %mul3A_747, %shift_right_arithmetic3A_753 : vector<16xi32>
    %swap3A_755 = arith.constant 80 : index
    %swap3A_756 = tpu.vector_load %arg11[%swap3A_755] {strides = array<i32>} : memref<512xi32, #tpu.memory_space<vmem>>, vector<16xi32>,
    %swap3A_757 = vector.shape_cast %swap3A_756 : vector<16xi32> to vector<16xi32>
    %swap3A_758 = vector.shape_cast %add3A_754 : vector<16xi32> to vector<16xi32>
    tpu.vector_store %arg11[%swap3A_755], %swap3A_758 {strides = array<i32>} : memref<512xi32, #tpu.memory_space<vmem>>, vector<16xi32>,
    %get3A_759 = arith.constant 96 : index
    %get3A_760 = tpu.vector_load %arg11[%get3A_759] {strides = array<i32>} : memref<512xi32, #tpu.memory_space<vmem>>, vector<16xi32>,
    %get3A_761 = vector.shape_cast %get3A_760 : vector<16xi32> to vector<16xi32>
    %shift_right_arithmetic3A_762 = arith.constant 14 : i32
    %shift_right_arithmetic3A_763 = vector.broadcast %shift_right_arithmetic3A_762 : i32 to vector<16xi32>
    %shift_right_arithmetic3A_764 = arith.shrsi %get3A_761, %shift_right_arithmetic3A_763 : vector<16xi32>
    %mul3A_765 = arith.constant 4096 : i32
    %mul3A_766 = vector.broadcast %mul3A_765 : i32 to vector<16xi32>
    %mul3A_767 = arith.muli %shift_right_arithmetic3A_764, %mul3A_766 : vector<16xi32>
    %and3A_768 = arith.constant 8191 : i32
    %and3A_769 = vector.broadcast %and3A_768 : i32 to vector<16xi32>
    %and3A_770 = arith.andi %get3A_761, %and3A_769 : vector<16xi32>
    %shift_right_arithmetic3A_771 = arith.constant 1 : i32
    %shift_right_arithmetic3A_772 = vector.broadcast %shift_right_arithmetic3A_771 : i32 to vector<16xi32>
    %shift_right_arithmetic3A_773 = arith.shrsi %and3A_770, %shift_right_arithmetic3A_772 : vector<16xi32>
    %add3A_774 = arith.addi %mul3A_767, %shift_right_arithmetic3A_773 : vector<16xi32>
    %swap3A_775 = arith.constant 96 : index
    %swap3A_776 = tpu.vector_load %arg11[%swap3A_775] {strides = array<i32>} : memref<512xi32, #tpu.memory_space<vmem>>, vector<16xi32>,
    %swap3A_777 = vector.shape_cast %swap3A_776 : vector<16xi32> to vector<16xi32>
    %swap3A_778 = vector.shape_cast %add3A_774 : vector<16xi32> to vector<16xi32>
    tpu.vector_store %arg11[%swap3A_775], %swap3A_778 {strides = array<i32>} : memref<512xi32, #tpu.memory_space<vmem>>, vector<16xi32>,
    %get3A_779 = arith.constant 112 : index
    %get3A_780 = tpu.vector_load %arg11[%get3A_779] {strides = array<i32>} : memref<512xi32, #tpu.memory_space<vmem>>, vector<16xi32>,
    %get3A_781 = vector.shape_cast %get3A_780 : vector<16xi32> to vector<16xi32>
    %shift_right_arithmetic3A_782 = arith.constant 14 : i32
    %shift_right_arithmetic3A_783 = vector.broadcast %shift_right_arithmetic3A_782 : i32 to vector<16xi32>
    %shift_right_arithmetic3A_784 = arith.shrsi %get3A_781, %shift_right_arithmetic3A_783 : vector<16xi32>
    %mul3A_785 = arith.constant 4096 : i32
    %mul3A_786 = vector.broadcast %mul3A_785 : i32 to vector<16xi32>
    %mul3A_787 = arith.muli %shift_right_arithmetic3A_784, %mul3A_786 : vector<16xi32>
    %and3A_788 = arith.constant 8191 : i32
    %and3A_789 = vector.broadcast %and3A_788 : i32 to vector<16xi32>
    %and3A_790 = arith.andi %get3A_781, %and3A_789 : vector<16xi32>
    %shift_right_arithmetic3A_791 = arith.constant 1 : i32
    %shift_right_arithmetic3A_792 = vector.broadcast %shift_right_arithmetic3A_791 : i32 to vector<16xi32>
    %shift_right_arithmetic3A_793 = arith.shrsi %and3A_790, %shift_right_arithmetic3A_792 : vector<16xi32>
    %add3A_794 = arith.addi %mul3A_787, %shift_right_arithmetic3A_793 : vector<16xi32>
    %swap3A_795 = arith.constant 112 : index
    %swap3A_796 = tpu.vector_load %arg11[%swap3A_795] {strides = array<i32>} : memref<512xi32, #tpu.memory_space<vmem>>, vector<16xi32>,
    %swap3A_797 = vector.shape_cast %swap3A_796 : vector<16xi32> to vector<16xi32>
    %swap3A_798 = vector.shape_cast %add3A_794 : vector<16xi32> to vector<16xi32>
    tpu.vector_store %arg11[%swap3A_795], %swap3A_798 {strides = array<i32>} : memref<512xi32, #tpu.memory_space<vmem>>, vector<16xi32>,
    %get3A_799 = arith.constant 128 : index
    %get3A_800 = tpu.vector_load %arg11[%get3A_799] {strides = array<i32>} : memref<512xi32, #tpu.memory_space<vmem>>, vector<16xi32>,
    %get3A_801 = vector.shape_cast %get3A_800 : vector<16xi32> to vector<16xi32>
    %shift_right_arithmetic3A_802 = arith.constant 14 : i32
    %shift_right_arithmetic3A_803 = vector.broadcast %shift_right_arithmetic3A_802 : i32 to vector<16xi32>
    %shift_right_arithmetic3A_804 = arith.shrsi %get3A_801, %shift_right_arithmetic3A_803 : vector<16xi32>
    %mul3A_805 = arith.constant 4096 : i32
    %mul3A_806 = vector.broadcast %mul3A_805 : i32 to vector<16xi32>
    %mul3A_807 = arith.muli %shift_right_arithmetic3A_804, %mul3A_806 : vector<16xi32>
    %and3A_808 = arith.constant 8191 : i32
    %and3A_809 = vector.broadcast %and3A_808 : i32 to vector<16xi32>
    %and3A_810 = arith.andi %get3A_801, %and3A_809 : vector<16xi32>
    %shift_right_arithmetic3A_811 = arith.constant 1 : i32
    %shift_right_arithmetic3A_812 = vector.broadcast %shift_right_arithmetic3A_811 : i32 to vector<16xi32>
    %shift_right_arithmetic3A_813 = arith.shrsi %and3A_810, %shift_right_arithmetic3A_812 : vector<16xi32>
    %add3A_814 = arith.addi %mul3A_807, %shift_right_arithmetic3A_813 : vector<16xi32>
    %swap3A_815 = arith.constant 128 : index
    %swap3A_816 = tpu.vector_load %arg11[%swap3A_815] {strides = array<i32>} : memref<512xi32, #tpu.memory_space<vmem>>, vector<16xi32>,
    %swap3A_817 = vector.shape_cast %swap3A_816 : vector<16xi32> to vector<16xi32>
    %swap3A_818 = vector.shape_cast %add3A_814 : vector<16xi32> to vector<16xi32>
    tpu.vector_store %arg11[%swap3A_815], %swap3A_818 {strides = array<i32>} : memref<512xi32, #tpu.memory_space<vmem>>, vector<16xi32>,
    %get3A_819 = arith.constant 144 : index
    %get3A_820 = tpu.vector_load %arg11[%get3A_819] {strides = array<i32>} : memref<512xi32, #tpu.memory_space<vmem>>, vector<16xi32>,
    %get3A_821 = vector.shape_cast %get3A_820 : vector<16xi32> to vector<16xi32>
    %shift_right_arithmetic3A_822 = arith.constant 14 : i32
    %shift_right_arithmetic3A_823 = vector.broadcast %shift_right_arithmetic3A_822 : i32 to vector<16xi32>
    %shift_right_arithmetic3A_824 = arith.shrsi %get3A_821, %shift_right_arithmetic3A_823 : vector<16xi32>
    %mul3A_825 = arith.constant 4096 : i32
    %mul3A_826 = vector.broadcast %mul3A_825 : i32 to vector<16xi32>
    %mul3A_827 = arith.muli %shift_right_arithmetic3A_824, %mul3A_826 : vector<16xi32>
    %and3A_828 = arith.constant 8191 : i32
    %and3A_829 = vector.broadcast %and3A_828 : i32 to vector<16xi32>
    %and3A_830 = arith.andi %get3A_821, %and3A_829 : vector<16xi32>
    %shift_right_arithmetic3A_831 = arith.constant 1 : i32
    %shift_right_arithmetic3A_832 = vector.broadcast %shift_right_arithmetic3A_831 : i32 to vector<16xi32>
    %shift_right_arithmetic3A_833 = arith.shrsi %and3A_830, %shift_right_arithmetic3A_832 : vector<16xi32>
    %add3A_834 = arith.addi %mul3A_827, %shift_right_arithmetic3A_833 : vector<16xi32>
    %swap3A_835 = arith.constant 144 : index
    %swap3A_836 = tpu.vector_load %arg11[%swap3A_835] {strides = array<i32>} : memref<512xi32, #tpu.memory_space<vmem>>, vector<16xi32>,
    %swap3A_837 = vector.shape_cast %swap3A_836 : vector<16xi32> to vector<16xi32>
    %swap3A_838 = vector.shape_cast %add3A_834 : vector<16xi32> to vector<16xi32>
    tpu.vector_store %arg11[%swap3A_835], %swap3A_838 {strides = array<i32>} : memref<512xi32, #tpu.memory_space<vmem>>, vector<16xi32>,
    %get3A_839 = arith.constant 160 : index
    %get3A_840 = tpu.vector_load %arg11[%get3A_839] {strides = array<i32>} : memref<512xi32, #tpu.memory_space<vmem>>, vector<16xi32>,
    %get3A_841 = vector.shape_cast %get3A_840 : vector<16xi32> to vector<16xi32>
    %shift_right_arithmetic3A_842 = arith.constant 14 : i32
    %shift_right_arithmetic3A_843 = vector.broadcast %shift_right_arithmetic3A_842 : i32 to vector<16xi32>
    %shift_right_arithmetic3A_844 = arith.shrsi %get3A_841, %shift_right_arithmetic3A_843 : vector<16xi32>
    %mul3A_845 = arith.constant 4096 : i32
    %mul3A_846 = vector.broadcast %mul3A_845 : i32 to vector<16xi32>
    %mul3A_847 = arith.muli %shift_right_arithmetic3A_844, %mul3A_846 : vector<16xi32>
    %and3A_848 = arith.constant 8191 : i32
    %and3A_849 = vector.broadcast %and3A_848 : i32 to vector<16xi32>
    %and3A_850 = arith.andi %get3A_841, %and3A_849 : vector<16xi32>
    %shift_right_arithmetic3A_851 = arith.constant 1 : i32
    %shift_right_arithmetic3A_852 = vector.broadcast %shift_right_arithmetic3A_851 : i32 to vector<16xi32>
    %shift_right_arithmetic3A_853 = arith.shrsi %and3A_850, %shift_right_arithmetic3A_852 : vector<16xi32>
    %add3A_854 = arith.addi %mul3A_847, %shift_right_arithmetic3A_853 : vector<16xi32>
    %swap3A_855 = arith.constant 160 : index
    %swap3A_856 = tpu.vector_load %arg11[%swap3A_855] {strides = array<i32>} : memref<512xi32, #tpu.memory_space<vmem>>, vector<16xi32>,
    %swap3A_857 = vector.shape_cast %swap3A_856 : vector<16xi32> to vector<16xi32>
    %swap3A_858 = vector.shape_cast %add3A_854 : vector<16xi32> to vector<16xi32>
    tpu.vector_store %arg11[%swap3A_855], %swap3A_858 {strides = array<i32>} : memref<512xi32, #tpu.memory_space<vmem>>, vector<16xi32>,
    %get3A_859 = arith.constant 176 : index
    %get3A_860 = tpu.vector_load %arg11[%get3A_859] {strides = array<i32>} : memref<512xi32, #tpu.memory_space<vmem>>, vector<16xi32>,
    %get3A_861 = vector.shape_cast %get3A_860 : vector<16xi32> to vector<16xi32>
    %shift_right_arithmetic3A_862 = arith.constant 14 : i32
    %shift_right_arithmetic3A_863 = vector.broadcast %shift_right_arithmetic3A_862 : i32 to vector<16xi32>
    %shift_right_arithmetic3A_864 = arith.shrsi %get3A_861, %shift_right_arithmetic3A_863 : vector<16xi32>
    %mul3A_865 = arith.constant 4096 : i32
    %mul3A_866 = vector.broadcast %mul3A_865 : i32 to vector<16xi32>
    %mul3A_867 = arith.muli %shift_right_arithmetic3A_864, %mul3A_866 : vector<16xi32>
    %and3A_868 = arith.constant 8191 : i32
    %and3A_869 = vector.broadcast %and3A_868 : i32 to vector<16xi32>
    %and3A_870 = arith.andi %get3A_861, %and3A_869 : vector<16xi32>
    %shift_right_arithmetic3A_871 = arith.constant 1 : i32
    %shift_right_arithmetic3A_872 = vector.broadcast %shift_right_arithmetic3A_871 : i32 to vector<16xi32>
    %shift_right_arithmetic3A_873 = arith.shrsi %and3A_870, %shift_right_arithmetic3A_872 : vector<16xi32>
    %add3A_874 = arith.addi %mul3A_867, %shift_right_arithmetic3A_873 : vector<16xi32>
    %swap3A_875 = arith.constant 176 : index
    %swap3A_876 = tpu.vector_load %arg11[%swap3A_875] {strides = array<i32>} : memref<512xi32, #tpu.memory_space<vmem>>, vector<16xi32>,
    %swap3A_877 = vector.shape_cast %swap3A_876 : vector<16xi32> to vector<16xi32>
    %swap3A_878 = vector.shape_cast %add3A_874 : vector<16xi32> to vector<16xi32>
    tpu.vector_store %arg11[%swap3A_875], %swap3A_878 {strides = array<i32>} : memref<512xi32, #tpu.memory_space<vmem>>, vector<16xi32>,
    %get3A_879 = arith.constant 192 : index
    %get3A_880 = tpu.vector_load %arg11[%get3A_879] {strides = array<i32>} : memref<512xi32, #tpu.memory_space<vmem>>, vector<16xi32>,
    %get3A_881 = vector.shape_cast %get3A_880 : vector<16xi32> to vector<16xi32>
    %shift_right_arithmetic3A_882 = arith.constant 14 : i32
    %shift_right_arithmetic3A_883 = vector.broadcast %shift_right_arithmetic3A_882 : i32 to vector<16xi32>
    %shift_right_arithmetic3A_884 = arith.shrsi %get3A_881, %shift_right_arithmetic3A_883 : vector<16xi32>
    %mul3A_885 = arith.constant 4096 : i32
    %mul3A_886 = vector.broadcast %mul3A_885 : i32 to vector<16xi32>
    %mul3A_887 = arith.muli %shift_right_arithmetic3A_884, %mul3A_886 : vector<16xi32>
    %and3A_888 = arith.constant 8191 : i32
    %and3A_889 = vector.broadcast %and3A_888 : i32 to vector<16xi32>
    %and3A_890 = arith.andi %get3A_881, %and3A_889 : vector<16xi32>
    %shift_right_arithmetic3A_891 = arith.constant 1 : i32
    %shift_right_arithmetic3A_892 = vector.broadcast %shift_right_arithmetic3A_891 : i32 to vector<16xi32>
    %shift_right_arithmetic3A_893 = arith.shrsi %and3A_890, %shift_right_arithmetic3A_892 : vector<16xi32>
    %add3A_894 = arith.addi %mul3A_887, %shift_right_arithmetic3A_893 : vector<16xi32>
    %swap3A_895 = arith.constant 192 : index
    %swap3A_896 = tpu.vector_load %arg11[%swap3A_895] {strides = array<i32>} : memref<512xi32, #tpu.memory_space<vmem>>, vector<16xi32>,
    %swap3A_897 = vector.shape_cast %swap3A_896 : vector<16xi32> to vector<16xi32>
    %swap3A_898 = vector.shape_cast %add3A_894 : vector<16xi32> to vector<16xi32>
    tpu.vector_store %arg11[%swap3A_895], %swap3A_898 {strides = array<i32>} : memref<512xi32, #tpu.memory_space<vmem>>, vector<16xi32>,
    %get3A_899 = arith.constant 208 : index
    %get3A_900 = tpu.vector_load %arg11[%get3A_899] {strides = array<i32>} : memref<512xi32, #tpu.memory_space<vmem>>, vector<16xi32>,
    %get3A_901 = vector.shape_cast %get3A_900 : vector<16xi32> to vector<16xi32>
    %shift_right_arithmetic3A_902 = arith.constant 14 : i32
    %shift_right_arithmetic3A_903 = vector.broadcast %shift_right_arithmetic3A_902 : i32 to vector<16xi32>
    %shift_right_arithmetic3A_904 = arith.shrsi %get3A_901, %shift_right_arithmetic3A_903 : vector<16xi32>
    %mul3A_905 = arith.constant 4096 : i32
    %mul3A_906 = vector.broadcast %mul3A_905 : i32 to vector<16xi32>
    %mul3A_907 = arith.muli %shift_right_arithmetic3A_904, %mul3A_906 : vector<16xi32>
    %and3A_908 = arith.constant 8191 : i32
    %and3A_909 = vector.broadcast %and3A_908 : i32 to vector<16xi32>
    %and3A_910 = arith.andi %get3A_901, %and3A_909 : vector<16xi32>
    %shift_right_arithmetic3A_911 = arith.constant 1 : i32
    %shift_right_arithmetic3A_912 = vector.broadcast %shift_right_arithmetic3A_911 : i32 to vector<16xi32>
    %shift_right_arithmetic3A_913 = arith.shrsi %and3A_910, %shift_right_arithmetic3A_912 : vector<16xi32>
    %add3A_914 = arith.addi %mul3A_907, %shift_right_arithmetic3A_913 : vector<16xi32>
    %swap3A_915 = arith.constant 208 : index
    %swap3A_916 = tpu.vector_load %arg11[%swap3A_915] {strides = array<i32>} : memref<512xi32, #tpu.memory_space<vmem>>, vector<16xi32>,
    %swap3A_917 = vector.shape_cast %swap3A_916 : vector<16xi32> to vector<16xi32>
    %swap3A_918 = vector.shape_cast %add3A_914 : vector<16xi32> to vector<16xi32>
    tpu.vector_store %arg11[%swap3A_915], %swap3A_918 {strides = array<i32>} : memref<512xi32, #tpu.memory_space<vmem>>, vector<16xi32>,
    %get3A_919 = arith.constant 224 : index
    %get3A_920 = tpu.vector_load %arg11[%get3A_919] {strides = array<i32>} : memref<512xi32, #tpu.memory_space<vmem>>, vector<16xi32>,
    %get3A_921 = vector.shape_cast %get3A_920 : vector<16xi32> to vector<16xi32>
    %shift_right_arithmetic3A_922 = arith.constant 14 : i32
    %shift_right_arithmetic3A_923 = vector.broadcast %shift_right_arithmetic3A_922 : i32 to vector<16xi32>
    %shift_right_arithmetic3A_924 = arith.shrsi %get3A_921, %shift_right_arithmetic3A_923 : vector<16xi32>
    %mul3A_925 = arith.constant 4096 : i32
    %mul3A_926 = vector.broadcast %mul3A_925 : i32 to vector<16xi32>
    %mul3A_927 = arith.muli %shift_right_arithmetic3A_924, %mul3A_926 : vector<16xi32>
    %and3A_928 = arith.constant 8191 : i32
    %and3A_929 = vector.broadcast %and3A_928 : i32 to vector<16xi32>
    %and3A_930 = arith.andi %get3A_921, %and3A_929 : vector<16xi32>
    %shift_right_arithmetic3A_931 = arith.constant 1 : i32
    %shift_right_arithmetic3A_932 = vector.broadcast %shift_right_arithmetic3A_931 : i32 to vector<16xi32>
    %shift_right_arithmetic3A_933 = arith.shrsi %and3A_930, %shift_right_arithmetic3A_932 : vector<16xi32>
    %add3A_934 = arith.addi %mul3A_927, %shift_right_arithmetic3A_933 : vector<16xi32>
    %swap3A_935 = arith.constant 224 : index
    %swap3A_936 = tpu.vector_load %arg11[%swap3A_935] {strides = array<i32>} : memref<512xi32, #tpu.memory_space<vmem>>, vector<16xi32>,
    %swap3A_937 = vector.shape_cast %swap3A_936 : vector<16xi32> to vector<16xi32>
    %swap3A_938 = vector.shape_cast %add3A_934 : vector<16xi32> to vector<16xi32>
    tpu.vector_store %arg11[%swap3A_935], %swap3A_938 {strides = array<i32>} : memref<512xi32, #tpu.memory_space<vmem>>, vector<16xi32>,
    %get3A_939 = arith.constant 240 : index
    %get3A_940 = tpu.vector_load %arg11[%get3A_939] {strides = array<i32>} : memref<512xi32, #tpu.memory_space<vmem>>, vector<16xi32>,
    %get3A_941 = vector.shape_cast %get3A_940 : vector<16xi32> to vector<16xi32>
    %shift_right_arithmetic3A_942 = arith.constant 14 : i32
    %shift_right_arithmetic3A_943 = vector.broadcast %shift_right_arithmetic3A_942 : i32 to vector<16xi32>
    %shift_right_arithmetic3A_944 = arith.shrsi %get3A_941, %shift_right_arithmetic3A_943 : vector<16xi32>
    %mul3A_945 = arith.constant 4096 : i32
    %mul3A_946 = vector.broadcast %mul3A_945 : i32 to vector<16xi32>
    %mul3A_947 = arith.muli %shift_right_arithmetic3A_944, %mul3A_946 : vector<16xi32>
    %and3A_948 = arith.constant 8191 : i32
    %and3A_949 = vector.broadcast %and3A_948 : i32 to vector<16xi32>
    %and3A_950 = arith.andi %get3A_941, %and3A_949 : vector<16xi32>
    %shift_right_arithmetic3A_951 = arith.constant 1 : i32
    %shift_right_arithmetic3A_952 = vector.broadcast %shift_right_arithmetic3A_951 : i32 to vector<16xi32>
    %shift_right_arithmetic3A_953 = arith.shrsi %and3A_950, %shift_right_arithmetic3A_952 : vector<16xi32>
    %add3A_954 = arith.addi %mul3A_947, %shift_right_arithmetic3A_953 : vector<16xi32>
    %swap3A_955 = arith.constant 240 : index
    %swap3A_956 = tpu.vector_load %arg11[%swap3A_955] {strides = array<i32>} : memref<512xi32, #tpu.memory_space<vmem>>, vector<16xi32>,
    %swap3A_957 = vector.shape_cast %swap3A_956 : vector<16xi32> to vector<16xi32>
    %swap3A_958 = vector.shape_cast %add3A_954 : vector<16xi32> to vector<16xi32>
    tpu.vector_store %arg11[%swap3A_955], %swap3A_958 {strides = array<i32>} : memref<512xi32, #tpu.memory_space<vmem>>, vector<16xi32>,
    %get3A_959 = arith.constant 256 : index
    %get3A_960 = tpu.vector_load %arg11[%get3A_959] {strides = array<i32>} : memref<512xi32, #tpu.memory_space<vmem>>, vector<16xi32>,
    %get3A_961 = vector.shape_cast %get3A_960 : vector<16xi32> to vector<16xi32>
    %shift_right_arithmetic3A_962 = arith.constant 14 : i32
    %shift_right_arithmetic3A_963 = vector.broadcast %shift_right_arithmetic3A_962 : i32 to vector<16xi32>
    %shift_right_arithmetic3A_964 = arith.shrsi %get3A_961, %shift_right_arithmetic3A_963 : vector<16xi32>
    %mul3A_965 = arith.constant 4096 : i32
    %mul3A_966 = vector.broadcast %mul3A_965 : i32 to vector<16xi32>
    %mul3A_967 = arith.muli %shift_right_arithmetic3A_964, %mul3A_966 : vector<16xi32>
    %and3A_968 = arith.constant 8191 : i32
    %and3A_969 = vector.broadcast %and3A_968 : i32 to vector<16xi32>
    %and3A_970 = arith.andi %get3A_961, %and3A_969 : vector<16xi32>
    %shift_right_arithmetic3A_971 = arith.constant 1 : i32
    %shift_right_arithmetic3A_972 = vector.broadcast %shift_right_arithmetic3A_971 : i32 to vector<16xi32>
    %shift_right_arithmetic3A_973 = arith.shrsi %and3A_970, %shift_right_arithmetic3A_972 : vector<16xi32>
    %add3A_974 = arith.addi %mul3A_967, %shift_right_arithmetic3A_973 : vector<16xi32>
    %swap3A_975 = arith.constant 256 : index
    %swap3A_976 = tpu.vector_load %arg11[%swap3A_975] {strides = array<i32>} : memref<512xi32, #tpu.memory_space<vmem>>, vector<16xi32>,
    %swap3A_977 = vector.shape_cast %swap3A_976 : vector<16xi32> to vector<16xi32>
    %swap3A_978 = vector.shape_cast %add3A_974 : vector<16xi32> to vector<16xi32>
    tpu.vector_store %arg11[%swap3A_975], %swap3A_978 {strides = array<i32>} : memref<512xi32, #tpu.memory_space<vmem>>, vector<16xi32>,
    %get3A_979 = arith.constant 272 : index
    %get3A_980 = tpu.vector_load %arg11[%get3A_979] {strides = array<i32>} : memref<512xi32, #tpu.memory_space<vmem>>, vector<16xi32>,
    %get3A_981 = vector.shape_cast %get3A_980 : vector<16xi32> to vector<16xi32>
    %shift_right_arithmetic3A_982 = arith.constant 14 : i32
    %shift_right_arithmetic3A_983 = vector.broadcast %shift_right_arithmetic3A_982 : i32 to vector<16xi32>
    %shift_right_arithmetic3A_984 = arith.shrsi %get3A_981, %shift_right_arithmetic3A_983 : vector<16xi32>
    %mul3A_985 = arith.constant 4096 : i32
    %mul3A_986 = vector.broadcast %mul3A_985 : i32 to vector<16xi32>
    %mul3A_987 = arith.muli %shift_right_arithmetic3A_984, %mul3A_986 : vector<16xi32>
    %and3A_988 = arith.constant 8191 : i32
    %and3A_989 = vector.broadcast %and3A_988 : i32 to vector<16xi32>
    %and3A_990 = arith.andi %get3A_981, %and3A_989 : vector<16xi32>
    %shift_right_arithmetic3A_991 = arith.constant 1 : i32
    %shift_right_arithmetic3A_992 = vector.broadcast %shift_right_arithmetic3A_991 : i32 to vector<16xi32>
    %shift_right_arithmetic3A_993 = arith.shrsi %and3A_990, %shift_right_arithmetic3A_992 : vector<16xi32>
    %add3A_994 = arith.addi %mul3A_987, %shift_right_arithmetic3A_993 : vector<16xi32>
    %swap3A_995 = arith.constant 272 : index
    %swap3A_996 = tpu.vector_load %arg11[%swap3A_995] {strides = array<i32>} : memref<512xi32, #tpu.memory_space<vmem>>, vector<16xi32>,
    %swap3A_997 = vector.shape_cast %swap3A_996 : vector<16xi32> to vector<16xi32>
    %swap3A_998 = vector.shape_cast %add3A_994 : vector<16xi32> to vector<16xi32>
    tpu.vector_store %arg11[%swap3A_995], %swap3A_998 {strides = array<i32>} : memref<512xi32, #tpu.memory_space<vmem>>, vector<16xi32>,
    %get3A_999 = arith.constant 288 : index
    %get3A_1000 = tpu.vector_load %arg11[%get3A_999] {strides = array<i32>} : memref<512xi32, #tpu.memory_space<vmem>>, vector<16xi32>,
    %get3A_1001 = vector.shape_cast %get3A_1000 : vector<16xi32> to vector<16xi32>
    %shift_right_arithmetic3A_1002 = arith.constant 14 : i32
    %shift_right_arithmetic3A_1003 = vector.broadcast %shift_right_arithmetic3A_1002 : i32 to vector<16xi32>
    %shift_right_arithmetic3A_1004 = arith.shrsi %get3A_1001, %shift_right_arithmetic3A_1003 : vector<16xi32>
    %mul3A_1005 = arith.constant 4096 : i32
    %mul3A_1006 = vector.broadcast %mul3A_1005 : i32 to vector<16xi32>
    %mul3A_1007 = arith.muli %shift_right_arithmetic3A_1004, %mul3A_1006 : vector<16xi32>
    %and3A_1008 = arith.constant 8191 : i32
    %and3A_1009 = vector.broadcast %and3A_1008 : i32 to vector<16xi32>
    %and3A_1010 = arith.andi %get3A_1001, %and3A_1009 : vector<16xi32>
    %shift_right_arithmetic3A_1011 = arith.constant 1 : i32
    %shift_right_arithmetic3A_1012 = vector.broadcast %shift_right_arithmetic3A_1011 : i32 to vector<16xi32>
    %shift_right_arithmetic3A_1013 = arith.shrsi %and3A_1010, %shift_right_arithmetic3A_1012 : vector<16xi32>
    %add3A_1014 = arith.addi %mul3A_1007, %shift_right_arithmetic3A_1013 : vector<16xi32>
    %swap3A_1015 = arith.constant 288 : index
    %swap3A_1016 = tpu.vector_load %arg11[%swap3A_1015] {strides = array<i32>} : memref<512xi32, #tpu.memory_space<vmem>>, vector<16xi32>,
    %swap3A_1017 = vector.shape_cast %swap3A_1016 : vector<16xi32> to vector<16xi32>
    %swap3A_1018 = vector.shape_cast %add3A_1014 : vector<16xi32> to vector<16xi32>
    tpu.vector_store %arg11[%swap3A_1015], %swap3A_1018 {strides = array<i32>} : memref<512xi32, #tpu.memory_space<vmem>>, vector<16xi32>,
    %get3A_1019 = arith.constant 304 : index
    %get3A_1020 = tpu.vector_load %arg11[%get3A_1019] {strides = array<i32>} : memref<512xi32, #tpu.memory_space<vmem>>, vector<16xi32>,
    %get3A_1021 = vector.shape_cast %get3A_1020 : vector<16xi32> to vector<16xi32>
    %shift_right_arithmetic3A_1022 = arith.constant 14 : i32
    %shift_right_arithmetic3A_1023 = vector.broadcast %shift_right_arithmetic3A_1022 : i32 to vector<16xi32>
    %shift_right_arithmetic3A_1024 = arith.shrsi %get3A_1021, %shift_right_arithmetic3A_1023 : vector<16xi32>
    %mul3A_1025 = arith.constant 4096 : i32
    %mul3A_1026 = vector.broadcast %mul3A_1025 : i32 to vector<16xi32>
    %mul3A_1027 = arith.muli %shift_right_arithmetic3A_1024, %mul3A_1026 : vector<16xi32>
    %and3A_1028 = arith.constant 8191 : i32
    %and3A_1029 = vector.broadcast %and3A_1028 : i32 to vector<16xi32>
    %and3A_1030 = arith.andi %get3A_1021, %and3A_1029 : vector<16xi32>
    %shift_right_arithmetic3A_1031 = arith.constant 1 : i32
    %shift_right_arithmetic3A_1032 = vector.broadcast %shift_right_arithmetic3A_1031 : i32 to vector<16xi32>
    %shift_right_arithmetic3A_1033 = arith.shrsi %and3A_1030, %shift_right_arithmetic3A_1032 : vector<16xi32>
    %add3A_1034 = arith.addi %mul3A_1027, %shift_right_arithmetic3A_1033 : vector<16xi32>
    %swap3A_1035 = arith.constant 304 : index
    %swap3A_1036 = tpu.vector_load %arg11[%swap3A_1035] {strides = array<i32>} : memref<512xi32, #tpu.memory_space<vmem>>, vector<16xi32>,
    %swap3A_1037 = vector.shape_cast %swap3A_1036 : vector<16xi32> to vector<16xi32>
    %swap3A_1038 = vector.shape_cast %add3A_1034 : vector<16xi32> to vector<16xi32>
    tpu.vector_store %arg11[%swap3A_1035], %swap3A_1038 {strides = array<i32>} : memref<512xi32, #tpu.memory_space<vmem>>, vector<16xi32>,
    %get3A_1039 = arith.constant 320 : index
    %get3A_1040 = tpu.vector_load %arg11[%get3A_1039] {strides = array<i32>} : memref<512xi32, #tpu.memory_space<vmem>>, vector<16xi32>,
    %get3A_1041 = vector.shape_cast %get3A_1040 : vector<16xi32> to vector<16xi32>
    %shift_right_arithmetic3A_1042 = arith.constant 14 : i32
    %shift_right_arithmetic3A_1043 = vector.broadcast %shift_right_arithmetic3A_1042 : i32 to vector<16xi32>
    %shift_right_arithmetic3A_1044 = arith.shrsi %get3A_1041, %shift_right_arithmetic3A_1043 : vector<16xi32>
    %mul3A_1045 = arith.constant 4096 : i32
    %mul3A_1046 = vector.broadcast %mul3A_1045 : i32 to vector<16xi32>
    %mul3A_1047 = arith.muli %shift_right_arithmetic3A_1044, %mul3A_1046 : vector<16xi32>
    %and3A_1048 = arith.constant 8191 : i32
    %and3A_1049 = vector.broadcast %and3A_1048 : i32 to vector<16xi32>
    %and3A_1050 = arith.andi %get3A_1041, %and3A_1049 : vector<16xi32>
    %shift_right_arithmetic3A_1051 = arith.constant 1 : i32
    %shift_right_arithmetic3A_1052 = vector.broadcast %shift_right_arithmetic3A_1051 : i32 to vector<16xi32>
    %shift_right_arithmetic3A_1053 = arith.shrsi %and3A_1050, %shift_right_arithmetic3A_1052 : vector<16xi32>
    %add3A_1054 = arith.addi %mul3A_1047, %shift_right_arithmetic3A_1053 : vector<16xi32>
    %swap3A_1055 = arith.constant 320 : index
    %swap3A_1056 = tpu.vector_load %arg11[%swap3A_1055] {strides = array<i32>} : memref<512xi32, #tpu.memory_space<vmem>>, vector<16xi32>,
    %swap3A_1057 = vector.shape_cast %swap3A_1056 : vector<16xi32> to vector<16xi32>
    %swap3A_1058 = vector.shape_cast %add3A_1054 : vector<16xi32> to vector<16xi32>
    tpu.vector_store %arg11[%swap3A_1055], %swap3A_1058 {strides = array<i32>} : memref<512xi32, #tpu.memory_space<vmem>>, vector<16xi32>,
    %get3A_1059 = arith.constant 336 : index
    %get3A_1060 = tpu.vector_load %arg11[%get3A_1059] {strides = array<i32>} : memref<512xi32, #tpu.memory_space<vmem>>, vector<16xi32>,
    %get3A_1061 = vector.shape_cast %get3A_1060 : vector<16xi32> to vector<16xi32>
    %shift_right_arithmetic3A_1062 = arith.constant 14 : i32
    %shift_right_arithmetic3A_1063 = vector.broadcast %shift_right_arithmetic3A_1062 : i32 to vector<16xi32>
    %shift_right_arithmetic3A_1064 = arith.shrsi %get3A_1061, %shift_right_arithmetic3A_1063 : vector<16xi32>
    %mul3A_1065 = arith.constant 4096 : i32
    %mul3A_1066 = vector.broadcast %mul3A_1065 : i32 to vector<16xi32>
    %mul3A_1067 = arith.muli %shift_right_arithmetic3A_1064, %mul3A_1066 : vector<16xi32>
    %and3A_1068 = arith.constant 8191 : i32
    %and3A_1069 = vector.broadcast %and3A_1068 : i32 to vector<16xi32>
    %and3A_1070 = arith.andi %get3A_1061, %and3A_1069 : vector<16xi32>
    %shift_right_arithmetic3A_1071 = arith.constant 1 : i32
    %shift_right_arithmetic3A_1072 = vector.broadcast %shift_right_arithmetic3A_1071 : i32 to vector<16xi32>
    %shift_right_arithmetic3A_1073 = arith.shrsi %and3A_1070, %shift_right_arithmetic3A_1072 : vector<16xi32>
    %add3A_1074 = arith.addi %mul3A_1067, %shift_right_arithmetic3A_1073 : vector<16xi32>
    %swap3A_1075 = arith.constant 336 : index
    %swap3A_1076 = tpu.vector_load %arg11[%swap3A_1075] {strides = array<i32>} : memref<512xi32, #tpu.memory_space<vmem>>, vector<16xi32>,
    %swap3A_1077 = vector.shape_cast %swap3A_1076 : vector<16xi32> to vector<16xi32>
    %swap3A_1078 = vector.shape_cast %add3A_1074 : vector<16xi32> to vector<16xi32>
    tpu.vector_store %arg11[%swap3A_1075], %swap3A_1078 {strides = array<i32>} : memref<512xi32, #tpu.memory_space<vmem>>, vector<16xi32>,
    %get3A_1079 = arith.constant 352 : index
    %get3A_1080 = tpu.vector_load %arg11[%get3A_1079] {strides = array<i32>} : memref<512xi32, #tpu.memory_space<vmem>>, vector<16xi32>,
    %get3A_1081 = vector.shape_cast %get3A_1080 : vector<16xi32> to vector<16xi32>
    %shift_right_arithmetic3A_1082 = arith.constant 14 : i32
    %shift_right_arithmetic3A_1083 = vector.broadcast %shift_right_arithmetic3A_1082 : i32 to vector<16xi32>
    %shift_right_arithmetic3A_1084 = arith.shrsi %get3A_1081, %shift_right_arithmetic3A_1083 : vector<16xi32>
    %mul3A_1085 = arith.constant 4096 : i32
    %mul3A_1086 = vector.broadcast %mul3A_1085 : i32 to vector<16xi32>
    %mul3A_1087 = arith.muli %shift_right_arithmetic3A_1084, %mul3A_1086 : vector<16xi32>
    %and3A_1088 = arith.constant 8191 : i32
    %and3A_1089 = vector.broadcast %and3A_1088 : i32 to vector<16xi32>
    %and3A_1090 = arith.andi %get3A_1081, %and3A_1089 : vector<16xi32>
    %shift_right_arithmetic3A_1091 = arith.constant 1 : i32
    %shift_right_arithmetic3A_1092 = vector.broadcast %shift_right_arithmetic3A_1091 : i32 to vector<16xi32>
    %shift_right_arithmetic3A_1093 = arith.shrsi %and3A_1090, %shift_right_arithmetic3A_1092 : vector<16xi32>
    %add3A_1094 = arith.addi %mul3A_1087, %shift_right_arithmetic3A_1093 : vector<16xi32>
    %swap3A_1095 = arith.constant 352 : index
    %swap3A_1096 = tpu.vector_load %arg11[%swap3A_1095] {strides = array<i32>} : memref<512xi32, #tpu.memory_space<vmem>>, vector<16xi32>,
    %swap3A_1097 = vector.shape_cast %swap3A_1096 : vector<16xi32> to vector<16xi32>
    %swap3A_1098 = vector.shape_cast %add3A_1094 : vector<16xi32> to vector<16xi32>
    tpu.vector_store %arg11[%swap3A_1095], %swap3A_1098 {strides = array<i32>} : memref<512xi32, #tpu.memory_space<vmem>>, vector<16xi32>,
    %get3A_1099 = arith.constant 368 : index
    %get3A_1100 = tpu.vector_load %arg11[%get3A_1099] {strides = array<i32>} : memref<512xi32, #tpu.memory_space<vmem>>, vector<16xi32>,
    %get3A_1101 = vector.shape_cast %get3A_1100 : vector<16xi32> to vector<16xi32>
    %shift_right_arithmetic3A_1102 = arith.constant 14 : i32
    %shift_right_arithmetic3A_1103 = vector.broadcast %shift_right_arithmetic3A_1102 : i32 to vector<16xi32>
    %shift_right_arithmetic3A_1104 = arith.shrsi %get3A_1101, %shift_right_arithmetic3A_1103 : vector<16xi32>
    %mul3A_1105 = arith.constant 4096 : i32
    %mul3A_1106 = vector.broadcast %mul3A_1105 : i32 to vector<16xi32>
    %mul3A_1107 = arith.muli %shift_right_arithmetic3A_1104, %mul3A_1106 : vector<16xi32>
    %and3A_1108 = arith.constant 8191 : i32
    %and3A_1109 = vector.broadcast %and3A_1108 : i32 to vector<16xi32>
    %and3A_1110 = arith.andi %get3A_1101, %and3A_1109 : vector<16xi32>
    %shift_right_arithmetic3A_1111 = arith.constant 1 : i32
    %shift_right_arithmetic3A_1112 = vector.broadcast %shift_right_arithmetic3A_1111 : i32 to vector<16xi32>
    %shift_right_arithmetic3A_1113 = arith.shrsi %and3A_1110, %shift_right_arithmetic3A_1112 : vector<16xi32>
    %add3A_1114 = arith.addi %mul3A_1107, %shift_right_arithmetic3A_1113 : vector<16xi32>
    %swap3A_1115 = arith.constant 368 : index
    %swap3A_1116 = tpu.vector_load %arg11[%swap3A_1115] {strides = array<i32>} : memref<512xi32, #tpu.memory_space<vmem>>, vector<16xi32>,
    %swap3A_1117 = vector.shape_cast %swap3A_1116 : vector<16xi32> to vector<16xi32>
    %swap3A_1118 = vector.shape_cast %add3A_1114 : vector<16xi32> to vector<16xi32>
    tpu.vector_store %arg11[%swap3A_1115], %swap3A_1118 {strides = array<i32>} : memref<512xi32, #tpu.memory_space<vmem>>, vector<16xi32>,
    %get3A_1119 = arith.constant 384 : index
    %get3A_1120 = tpu.vector_load %arg11[%get3A_1119] {strides = array<i32>} : memref<512xi32, #tpu.memory_space<vmem>>, vector<16xi32>,
    %get3A_1121 = vector.shape_cast %get3A_1120 : vector<16xi32> to vector<16xi32>
    %shift_right_arithmetic3A_1122 = arith.constant 14 : i32
    %shift_right_arithmetic3A_1123 = vector.broadcast %shift_right_arithmetic3A_1122 : i32 to vector<16xi32>
    %shift_right_arithmetic3A_1124 = arith.shrsi %get3A_1121, %shift_right_arithmetic3A_1123 : vector<16xi32>
    %mul3A_1125 = arith.constant 4096 : i32
    %mul3A_1126 = vector.broadcast %mul3A_1125 : i32 to vector<16xi32>
    %mul3A_1127 = arith.muli %shift_right_arithmetic3A_1124, %mul3A_1126 : vector<16xi32>
    %and3A_1128 = arith.constant 8191 : i32
    %and3A_1129 = vector.broadcast %and3A_1128 : i32 to vector<16xi32>
    %and3A_1130 = arith.andi %get3A_1121, %and3A_1129 : vector<16xi32>
    %shift_right_arithmetic3A_1131 = arith.constant 1 : i32
    %shift_right_arithmetic3A_1132 = vector.broadcast %shift_right_arithmetic3A_1131 : i32 to vector<16xi32>
    %shift_right_arithmetic3A_1133 = arith.shrsi %and3A_1130, %shift_right_arithmetic3A_1132 : vector<16xi32>
    %add3A_1134 = arith.addi %mul3A_1127, %shift_right_arithmetic3A_1133 : vector<16xi32>
    %swap3A_1135 = arith.constant 384 : index
    %swap3A_1136 = tpu.vector_load %arg11[%swap3A_1135] {strides = array<i32>} : memref<512xi32, #tpu.memory_space<vmem>>, vector<16xi32>,
    %swap3A_1137 = vector.shape_cast %swap3A_1136 : vector<16xi32> to vector<16xi32>
    %swap3A_1138 = vector.shape_cast %add3A_1134 : vector<16xi32> to vector<16xi32>
    tpu.vector_store %arg11[%swap3A_1135], %swap3A_1138 {strides = array<i32>} : memref<512xi32, #tpu.memory_space<vmem>>, vector<16xi32>,
    %get3A_1139 = arith.constant 400 : index
    %get3A_1140 = tpu.vector_load %arg11[%get3A_1139] {strides = array<i32>} : memref<512xi32, #tpu.memory_space<vmem>>, vector<16xi32>,
    %get3A_1141 = vector.shape_cast %get3A_1140 : vector<16xi32> to vector<16xi32>
    %shift_right_arithmetic3A_1142 = arith.constant 14 : i32
    %shift_right_arithmetic3A_1143 = vector.broadcast %shift_right_arithmetic3A_1142 : i32 to vector<16xi32>
    %shift_right_arithmetic3A_1144 = arith.shrsi %get3A_1141, %shift_right_arithmetic3A_1143 : vector<16xi32>
    %mul3A_1145 = arith.constant 4096 : i32
    %mul3A_1146 = vector.broadcast %mul3A_1145 : i32 to vector<16xi32>
    %mul3A_1147 = arith.muli %shift_right_arithmetic3A_1144, %mul3A_1146 : vector<16xi32>
    %and3A_1148 = arith.constant 8191 : i32
    %and3A_1149 = vector.broadcast %and3A_1148 : i32 to vector<16xi32>
    %and3A_1150 = arith.andi %get3A_1141, %and3A_1149 : vector<16xi32>
    %shift_right_arithmetic3A_1151 = arith.constant 1 : i32
    %shift_right_arithmetic3A_1152 = vector.broadcast %shift_right_arithmetic3A_1151 : i32 to vector<16xi32>
    %shift_right_arithmetic3A_1153 = arith.shrsi %and3A_1150, %shift_right_arithmetic3A_1152 : vector<16xi32>
    %add3A_1154 = arith.addi %mul3A_1147, %shift_right_arithmetic3A_1153 : vector<16xi32>
    %swap3A_1155 = arith.constant 400 : index
    %swap3A_1156 = tpu.vector_load %arg11[%swap3A_1155] {strides = array<i32>} : memref<512xi32, #tpu.memory_space<vmem>>, vector<16xi32>,
    %swap3A_1157 = vector.shape_cast %swap3A_1156 : vector<16xi32> to vector<16xi32>
    %swap3A_1158 = vector.shape_cast %add3A_1154 : vector<16xi32> to vector<16xi32>
    tpu.vector_store %arg11[%swap3A_1155], %swap3A_1158 {strides = array<i32>} : memref<512xi32, #tpu.memory_space<vmem>>, vector<16xi32>,
    %get3A_1159 = arith.constant 416 : index
    %get3A_1160 = tpu.vector_load %arg11[%get3A_1159] {strides = array<i32>} : memref<512xi32, #tpu.memory_space<vmem>>, vector<16xi32>,
    %get3A_1161 = vector.shape_cast %get3A_1160 : vector<16xi32> to vector<16xi32>
    %shift_right_arithmetic3A_1162 = arith.constant 14 : i32
    %shift_right_arithmetic3A_1163 = vector.broadcast %shift_right_arithmetic3A_1162 : i32 to vector<16xi32>
    %shift_right_arithmetic3A_1164 = arith.shrsi %get3A_1161, %shift_right_arithmetic3A_1163 : vector<16xi32>
    %mul3A_1165 = arith.constant 4096 : i32
    %mul3A_1166 = vector.broadcast %mul3A_1165 : i32 to vector<16xi32>
    %mul3A_1167 = arith.muli %shift_right_arithmetic3A_1164, %mul3A_1166 : vector<16xi32>
    %and3A_1168 = arith.constant 8191 : i32
    %and3A_1169 = vector.broadcast %and3A_1168 : i32 to vector<16xi32>
    %and3A_1170 = arith.andi %get3A_1161, %and3A_1169 : vector<16xi32>
    %shift_right_arithmetic3A_1171 = arith.constant 1 : i32
    %shift_right_arithmetic3A_1172 = vector.broadcast %shift_right_arithmetic3A_1171 : i32 to vector<16xi32>
    %shift_right_arithmetic3A_1173 = arith.shrsi %and3A_1170, %shift_right_arithmetic3A_1172 : vector<16xi32>
    %add3A_1174 = arith.addi %mul3A_1167, %shift_right_arithmetic3A_1173 : vector<16xi32>
    %swap3A_1175 = arith.constant 416 : index
    %swap3A_1176 = tpu.vector_load %arg11[%swap3A_1175] {strides = array<i32>} : memref<512xi32, #tpu.memory_space<vmem>>, vector<16xi32>,
    %swap3A_1177 = vector.shape_cast %swap3A_1176 : vector<16xi32> to vector<16xi32>
    %swap3A_1178 = vector.shape_cast %add3A_1174 : vector<16xi32> to vector<16xi32>
    tpu.vector_store %arg11[%swap3A_1175], %swap3A_1178 {strides = array<i32>} : memref<512xi32, #tpu.memory_space<vmem>>, vector<16xi32>,
    %get3A_1179 = arith.constant 432 : index
    %get3A_1180 = tpu.vector_load %arg11[%get3A_1179] {strides = array<i32>} : memref<512xi32, #tpu.memory_space<vmem>>, vector<16xi32>,
    %get3A_1181 = vector.shape_cast %get3A_1180 : vector<16xi32> to vector<16xi32>
    %shift_right_arithmetic3A_1182 = arith.constant 14 : i32
    %shift_right_arithmetic3A_1183 = vector.broadcast %shift_right_arithmetic3A_1182 : i32 to vector<16xi32>
    %shift_right_arithmetic3A_1184 = arith.shrsi %get3A_1181, %shift_right_arithmetic3A_1183 : vector<16xi32>
    %mul3A_1185 = arith.constant 4096 : i32
    %mul3A_1186 = vector.broadcast %mul3A_1185 : i32 to vector<16xi32>
    %mul3A_1187 = arith.muli %shift_right_arithmetic3A_1184, %mul3A_1186 : vector<16xi32>
    %and3A_1188 = arith.constant 8191 : i32
    %and3A_1189 = vector.broadcast %and3A_1188 : i32 to vector<16xi32>
    %and3A_1190 = arith.andi %get3A_1181, %and3A_1189 : vector<16xi32>
    %shift_right_arithmetic3A_1191 = arith.constant 1 : i32
    %shift_right_arithmetic3A_1192 = vector.broadcast %shift_right_arithmetic3A_1191 : i32 to vector<16xi32>
    %shift_right_arithmetic3A_1193 = arith.shrsi %and3A_1190, %shift_right_arithmetic3A_1192 : vector<16xi32>
    %add3A_1194 = arith.addi %mul3A_1187, %shift_right_arithmetic3A_1193 : vector<16xi32>
    %swap3A_1195 = arith.constant 432 : index
    %swap3A_1196 = tpu.vector_load %arg11[%swap3A_1195] {strides = array<i32>} : memref<512xi32, #tpu.memory_space<vmem>>, vector<16xi32>,
    %swap3A_1197 = vector.shape_cast %swap3A_1196 : vector<16xi32> to vector<16xi32>
    %swap3A_1198 = vector.shape_cast %add3A_1194 : vector<16xi32> to vector<16xi32>
    tpu.vector_store %arg11[%swap3A_1195], %swap3A_1198 {strides = array<i32>} : memref<512xi32, #tpu.memory_space<vmem>>, vector<16xi32>,
    %get3A_1199 = arith.constant 448 : index
    %get3A_1200 = tpu.vector_load %arg11[%get3A_1199] {strides = array<i32>} : memref<512xi32, #tpu.memory_space<vmem>>, vector<16xi32>,
    %get3A_1201 = vector.shape_cast %get3A_1200 : vector<16xi32> to vector<16xi32>
    %shift_right_arithmetic3A_1202 = arith.constant 14 : i32
    %shift_right_arithmetic3A_1203 = vector.broadcast %shift_right_arithmetic3A_1202 : i32 to vector<16xi32>
    %shift_right_arithmetic3A_1204 = arith.shrsi %get3A_1201, %shift_right_arithmetic3A_1203 : vector<16xi32>
    %mul3A_1205 = arith.constant 4096 : i32
    %mul3A_1206 = vector.broadcast %mul3A_1205 : i32 to vector<16xi32>
    %mul3A_1207 = arith.muli %shift_right_arithmetic3A_1204, %mul3A_1206 : vector<16xi32>
    %and3A_1208 = arith.constant 8191 : i32
    %and3A_1209 = vector.broadcast %and3A_1208 : i32 to vector<16xi32>
    %and3A_1210 = arith.andi %get3A_1201, %and3A_1209 : vector<16xi32>
    %shift_right_arithmetic3A_1211 = arith.constant 1 : i32
    %shift_right_arithmetic3A_1212 = vector.broadcast %shift_right_arithmetic3A_1211 : i32 to vector<16xi32>
    %shift_right_arithmetic3A_1213 = arith.shrsi %and3A_1210, %shift_right_arithmetic3A_1212 : vector<16xi32>
    %add3A_1214 = arith.addi %mul3A_1207, %shift_right_arithmetic3A_1213 : vector<16xi32>
    %swap3A_1215 = arith.constant 448 : index
    %swap3A_1216 = tpu.vector_load %arg11[%swap3A_1215] {strides = array<i32>} : memref<512xi32, #tpu.memory_space<vmem>>, vector<16xi32>,
    %swap3A_1217 = vector.shape_cast %swap3A_1216 : vector<16xi32> to vector<16xi32>
    %swap3A_1218 = vector.shape_cast %add3A_1214 : vector<16xi32> to vector<16xi32>
    tpu.vector_store %arg11[%swap3A_1215], %swap3A_1218 {strides = array<i32>} : memref<512xi32, #tpu.memory_space<vmem>>, vector<16xi32>,
    %get3A_1219 = arith.constant 464 : index
    %get3A_1220 = tpu.vector_load %arg11[%get3A_1219] {strides = array<i32>} : memref<512xi32, #tpu.memory_space<vmem>>, vector<16xi32>,
    %get3A_1221 = vector.shape_cast %get3A_1220 : vector<16xi32> to vector<16xi32>
    %shift_right_arithmetic3A_1222 = arith.constant 14 : i32
    %shift_right_arithmetic3A_1223 = vector.broadcast %shift_right_arithmetic3A_1222 : i32 to vector<16xi32>
    %shift_right_arithmetic3A_1224 = arith.shrsi %get3A_1221, %shift_right_arithmetic3A_1223 : vector<16xi32>
    %mul3A_1225 = arith.constant 4096 : i32
    %mul3A_1226 = vector.broadcast %mul3A_1225 : i32 to vector<16xi32>
    %mul3A_1227 = arith.muli %shift_right_arithmetic3A_1224, %mul3A_1226 : vector<16xi32>
    %and3A_1228 = arith.constant 8191 : i32
    %and3A_1229 = vector.broadcast %and3A_1228 : i32 to vector<16xi32>
    %and3A_1230 = arith.andi %get3A_1221, %and3A_1229 : vector<16xi32>
    %shift_right_arithmetic3A_1231 = arith.constant 1 : i32
    %shift_right_arithmetic3A_1232 = vector.broadcast %shift_right_arithmetic3A_1231 : i32 to vector<16xi32>
    %shift_right_arithmetic3A_1233 = arith.shrsi %and3A_1230, %shift_right_arithmetic3A_1232 : vector<16xi32>
    %add3A_1234 = arith.addi %mul3A_1227, %shift_right_arithmetic3A_1233 : vector<16xi32>
    %swap3A_1235 = arith.constant 464 : index
    %swap3A_1236 = tpu.vector_load %arg11[%swap3A_1235] {strides = array<i32>} : memref<512xi32, #tpu.memory_space<vmem>>, vector<16xi32>,
    %swap3A_1237 = vector.shape_cast %swap3A_1236 : vector<16xi32> to vector<16xi32>
    %swap3A_1238 = vector.shape_cast %add3A_1234 : vector<16xi32> to vector<16xi32>
    tpu.vector_store %arg11[%swap3A_1235], %swap3A_1238 {strides = array<i32>} : memref<512xi32, #tpu.memory_space<vmem>>, vector<16xi32>,
    %get3A_1239 = arith.constant 480 : index
    %get3A_1240 = tpu.vector_load %arg11[%get3A_1239] {strides = array<i32>} : memref<512xi32, #tpu.memory_space<vmem>>, vector<16xi32>,
    %get3A_1241 = vector.shape_cast %get3A_1240 : vector<16xi32> to vector<16xi32>
    %shift_right_arithmetic3A_1242 = arith.constant 14 : i32
    %shift_right_arithmetic3A_1243 = vector.broadcast %shift_right_arithmetic3A_1242 : i32 to vector<16xi32>
    %shift_right_arithmetic3A_1244 = arith.shrsi %get3A_1241, %shift_right_arithmetic3A_1243 : vector<16xi32>
    %mul3A_1245 = arith.constant 4096 : i32
    %mul3A_1246 = vector.broadcast %mul3A_1245 : i32 to vector<16xi32>
    %mul3A_1247 = arith.muli %shift_right_arithmetic3A_1244, %mul3A_1246 : vector<16xi32>
    %and3A_1248 = arith.constant 8191 : i32
    %and3A_1249 = vector.broadcast %and3A_1248 : i32 to vector<16xi32>
    %and3A_1250 = arith.andi %get3A_1241, %and3A_1249 : vector<16xi32>
    %shift_right_arithmetic3A_1251 = arith.constant 1 : i32
    %shift_right_arithmetic3A_1252 = vector.broadcast %shift_right_arithmetic3A_1251 : i32 to vector<16xi32>
    %shift_right_arithmetic3A_1253 = arith.shrsi %and3A_1250, %shift_right_arithmetic3A_1252 : vector<16xi32>
    %add3A_1254 = arith.addi %mul3A_1247, %shift_right_arithmetic3A_1253 : vector<16xi32>
    %swap3A_1255 = arith.constant 480 : index
    %swap3A_1256 = tpu.vector_load %arg11[%swap3A_1255] {strides = array<i32>} : memref<512xi32, #tpu.memory_space<vmem>>, vector<16xi32>,
    %swap3A_1257 = vector.shape_cast %swap3A_1256 : vector<16xi32> to vector<16xi32>
    %swap3A_1258 = vector.shape_cast %add3A_1254 : vector<16xi32> to vector<16xi32>
    tpu.vector_store %arg11[%swap3A_1255], %swap3A_1258 {strides = array<i32>} : memref<512xi32, #tpu.memory_space<vmem>>, vector<16xi32>,
    %get3A_1259 = arith.constant 496 : index
    %get3A_1260 = tpu.vector_load %arg11[%get3A_1259] {strides = array<i32>} : memref<512xi32, #tpu.memory_space<vmem>>, vector<16xi32>,
    %get3A_1261 = vector.shape_cast %get3A_1260 : vector<16xi32> to vector<16xi32>
    %shift_right_arithmetic3A_1262 = arith.constant 14 : i32
    %shift_right_arithmetic3A_1263 = vector.broadcast %shift_right_arithmetic3A_1262 : i32 to vector<16xi32>
    %shift_right_arithmetic3A_1264 = arith.shrsi %get3A_1261, %shift_right_arithmetic3A_1263 : vector<16xi32>
    %mul3A_1265 = arith.constant 4096 : i32
    %mul3A_1266 = vector.broadcast %mul3A_1265 : i32 to vector<16xi32>
    %mul3A_1267 = arith.muli %shift_right_arithmetic3A_1264, %mul3A_1266 : vector<16xi32>
    %and3A_1268 = arith.constant 8191 : i32
    %and3A_1269 = vector.broadcast %and3A_1268 : i32 to vector<16xi32>
    %and3A_1270 = arith.andi %get3A_1261, %and3A_1269 : vector<16xi32>
    %shift_right_arithmetic3A_1271 = arith.constant 1 : i32
    %shift_right_arithmetic3A_1272 = vector.broadcast %shift_right_arithmetic3A_1271 : i32 to vector<16xi32>
    %shift_right_arithmetic3A_1273 = arith.shrsi %and3A_1270, %shift_right_arithmetic3A_1272 : vector<16xi32>
    %add3A_1274 = arith.addi %mul3A_1267, %shift_right_arithmetic3A_1273 : vector<16xi32>
    %swap3A_1275 = arith.constant 496 : index
    %swap3A_1276 = tpu.vector_load %arg11[%swap3A_1275] {strides = array<i32>} : memref<512xi32, #tpu.memory_space<vmem>>, vector<16xi32>,
    %swap3A_1277 = vector.shape_cast %swap3A_1276 : vector<16xi32> to vector<16xi32>
    %swap3A_1278 = vector.shape_cast %add3A_1274 : vector<16xi32> to vector<16xi32>
    tpu.vector_store %arg11[%swap3A_1275], %swap3A_1278 {strides = array<i32>} : memref<512xi32, #tpu.memory_space<vmem>>, vector<16xi32>,
    "tpu.region"() ({
      %run_scoped3A = tpu.sem_alloc : memref<!tpu.dma_semaphore, #tpu.memory_space<semaphore_mem>>
      %dma_start3A_2493 = tpu.memref_slice %arg4[%mul3A_2] : memref<16384xi32, #tpu.memory_space<hbm>> -> memref<512xi32, #tpu.memory_space<hbm>>
      %dma_start3A_2494 = tpu.memref_slice %arg4[%mul3A_2] : memref<16384xi32, #tpu.memory_space<hbm>> -> memref<512xi32, #tpu.memory_space<hbm>>
      tpu.enqueue_dma source(%dma_start3A_2494 : memref<512xi32, #tpu.memory_space<hbm>>) target(%arg12 : memref<512xi32, #tpu.memory_space<vmem>>) target_semaphore(%run_scoped3A : memref<!tpu.dma_semaphore, #tpu.memory_space<semaphore_mem>>)
      %dma_wait3A_2495 = tpu.memref_slice %arg4[%mul3A_2] : memref<16384xi32, #tpu.memory_space<hbm>> -> memref<512xi32, #tpu.memory_space<hbm>>
      %dma_wait3A_2496 = tpu.memref_slice %arg4[%mul3A_2] : memref<16384xi32, #tpu.memory_space<hbm>> -> memref<512xi32, #tpu.memory_space<hbm>>
      tpu.wait_dma2 semaphore(%run_scoped3A : memref<!tpu.dma_semaphore, #tpu.memory_space<semaphore_mem>>) src(%dma_wait3A_2496 : memref<512xi32, #tpu.memory_space<hbm>>) dst(%arg12 : memref<512xi32, #tpu.memory_space<vmem>>)
      tpu.yield
    }) : () -> ()
    %get3A_1279 = arith.constant 0 : index
    %get3A_1280 = tpu.vector_load %arg12[%get3A_1279] {strides = array<i32>} : memref<512xi32, #tpu.memory_space<vmem>>, vector<16xi32>,
    %get3A_1281 = vector.shape_cast %get3A_1280 : vector<16xi32> to vector<16xi32>
    %shift_right_arithmetic3A_1282 = arith.constant 14 : i32
    %shift_right_arithmetic3A_1283 = vector.broadcast %shift_right_arithmetic3A_1282 : i32 to vector<16xi32>
    %shift_right_arithmetic3A_1284 = arith.shrsi %get3A_1281, %shift_right_arithmetic3A_1283 : vector<16xi32>
    %mul3A_1285 = arith.constant 4096 : i32
    %mul3A_1286 = vector.broadcast %mul3A_1285 : i32 to vector<16xi32>
    %mul3A_1287 = arith.muli %shift_right_arithmetic3A_1284, %mul3A_1286 : vector<16xi32>
    %and3A_1288 = arith.constant 8191 : i32
    %and3A_1289 = vector.broadcast %and3A_1288 : i32 to vector<16xi32>
    %and3A_1290 = arith.andi %get3A_1281, %and3A_1289 : vector<16xi32>
    %shift_right_arithmetic3A_1291 = arith.constant 1 : i32
    %shift_right_arithmetic3A_1292 = vector.broadcast %shift_right_arithmetic3A_1291 : i32 to vector<16xi32>
    %shift_right_arithmetic3A_1293 = arith.shrsi %and3A_1290, %shift_right_arithmetic3A_1292 : vector<16xi32>
    %add3A_1294 = arith.addi %mul3A_1287, %shift_right_arithmetic3A_1293 : vector<16xi32>
    %swap3A_1295 = arith.constant 0 : index
    %swap3A_1296 = tpu.vector_load %arg12[%swap3A_1295] {strides = array<i32>} : memref<512xi32, #tpu.memory_space<vmem>>, vector<16xi32>,
    %swap3A_1297 = vector.shape_cast %swap3A_1296 : vector<16xi32> to vector<16xi32>
    %swap3A_1298 = vector.shape_cast %add3A_1294 : vector<16xi32> to vector<16xi32>
    tpu.vector_store %arg12[%swap3A_1295], %swap3A_1298 {strides = array<i32>} : memref<512xi32, #tpu.memory_space<vmem>>, vector<16xi32>,
    %get3A_1299 = arith.constant 16 : index
    %get3A_1300 = tpu.vector_load %arg12[%get3A_1299] {strides = array<i32>} : memref<512xi32, #tpu.memory_space<vmem>>, vector<16xi32>,
    %get3A_1301 = vector.shape_cast %get3A_1300 : vector<16xi32> to vector<16xi32>
    %shift_right_arithmetic3A_1302 = arith.constant 14 : i32
    %shift_right_arithmetic3A_1303 = vector.broadcast %shift_right_arithmetic3A_1302 : i32 to vector<16xi32>
    %shift_right_arithmetic3A_1304 = arith.shrsi %get3A_1301, %shift_right_arithmetic3A_1303 : vector<16xi32>
    %mul3A_1305 = arith.constant 4096 : i32
    %mul3A_1306 = vector.broadcast %mul3A_1305 : i32 to vector<16xi32>
    %mul3A_1307 = arith.muli %shift_right_arithmetic3A_1304, %mul3A_1306 : vector<16xi32>
    %and3A_1308 = arith.constant 8191 : i32
    %and3A_1309 = vector.broadcast %and3A_1308 : i32 to vector<16xi32>
    %and3A_1310 = arith.andi %get3A_1301, %and3A_1309 : vector<16xi32>
    %shift_right_arithmetic3A_1311 = arith.constant 1 : i32
    %shift_right_arithmetic3A_1312 = vector.broadcast %shift_right_arithmetic3A_1311 : i32 to vector<16xi32>
    %shift_right_arithmetic3A_1313 = arith.shrsi %and3A_1310, %shift_right_arithmetic3A_1312 : vector<16xi32>
    %add3A_1314 = arith.addi %mul3A_1307, %shift_right_arithmetic3A_1313 : vector<16xi32>
    %swap3A_1315 = arith.constant 16 : index
    %swap3A_1316 = tpu.vector_load %arg12[%swap3A_1315] {strides = array<i32>} : memref<512xi32, #tpu.memory_space<vmem>>, vector<16xi32>,
    %swap3A_1317 = vector.shape_cast %swap3A_1316 : vector<16xi32> to vector<16xi32>
    %swap3A_1318 = vector.shape_cast %add3A_1314 : vector<16xi32> to vector<16xi32>
    tpu.vector_store %arg12[%swap3A_1315], %swap3A_1318 {strides = array<i32>} : memref<512xi32, #tpu.memory_space<vmem>>, vector<16xi32>,
    %get3A_1319 = arith.constant 32 : index
    %get3A_1320 = tpu.vector_load %arg12[%get3A_1319] {strides = array<i32>} : memref<512xi32, #tpu.memory_space<vmem>>, vector<16xi32>,
    %get3A_1321 = vector.shape_cast %get3A_1320 : vector<16xi32> to vector<16xi32>
    %shift_right_arithmetic3A_1322 = arith.constant 14 : i32
    %shift_right_arithmetic3A_1323 = vector.broadcast %shift_right_arithmetic3A_1322 : i32 to vector<16xi32>
    %shift_right_arithmetic3A_1324 = arith.shrsi %get3A_1321, %shift_right_arithmetic3A_1323 : vector<16xi32>
    %mul3A_1325 = arith.constant 4096 : i32
    %mul3A_1326 = vector.broadcast %mul3A_1325 : i32 to vector<16xi32>
    %mul3A_1327 = arith.muli %shift_right_arithmetic3A_1324, %mul3A_1326 : vector<16xi32>
    %and3A_1328 = arith.constant 8191 : i32
    %and3A_1329 = vector.broadcast %and3A_1328 : i32 to vector<16xi32>
    %and3A_1330 = arith.andi %get3A_1321, %and3A_1329 : vector<16xi32>
    %shift_right_arithmetic3A_1331 = arith.constant 1 : i32
    %shift_right_arithmetic3A_1332 = vector.broadcast %shift_right_arithmetic3A_1331 : i32 to vector<16xi32>
    %shift_right_arithmetic3A_1333 = arith.shrsi %and3A_1330, %shift_right_arithmetic3A_1332 : vector<16xi32>
    %add3A_1334 = arith.addi %mul3A_1327, %shift_right_arithmetic3A_1333 : vector<16xi32>
    %swap3A_1335 = arith.constant 32 : index
    %swap3A_1336 = tpu.vector_load %arg12[%swap3A_1335] {strides = array<i32>} : memref<512xi32, #tpu.memory_space<vmem>>, vector<16xi32>,
    %swap3A_1337 = vector.shape_cast %swap3A_1336 : vector<16xi32> to vector<16xi32>
    %swap3A_1338 = vector.shape_cast %add3A_1334 : vector<16xi32> to vector<16xi32>
    tpu.vector_store %arg12[%swap3A_1335], %swap3A_1338 {strides = array<i32>} : memref<512xi32, #tpu.memory_space<vmem>>, vector<16xi32>,
    %get3A_1339 = arith.constant 48 : index
    %get3A_1340 = tpu.vector_load %arg12[%get3A_1339] {strides = array<i32>} : memref<512xi32, #tpu.memory_space<vmem>>, vector<16xi32>,
    %get3A_1341 = vector.shape_cast %get3A_1340 : vector<16xi32> to vector<16xi32>
    %shift_right_arithmetic3A_1342 = arith.constant 14 : i32
    %shift_right_arithmetic3A_1343 = vector.broadcast %shift_right_arithmetic3A_1342 : i32 to vector<16xi32>
    %shift_right_arithmetic3A_1344 = arith.shrsi %get3A_1341, %shift_right_arithmetic3A_1343 : vector<16xi32>
    %mul3A_1345 = arith.constant 4096 : i32
    %mul3A_1346 = vector.broadcast %mul3A_1345 : i32 to vector<16xi32>
    %mul3A_1347 = arith.muli %shift_right_arithmetic3A_1344, %mul3A_1346 : vector<16xi32>
    %and3A_1348 = arith.constant 8191 : i32
    %and3A_1349 = vector.broadcast %and3A_1348 : i32 to vector<16xi32>
    %and3A_1350 = arith.andi %get3A_1341, %and3A_1349 : vector<16xi32>
    %shift_right_arithmetic3A_1351 = arith.constant 1 : i32
    %shift_right_arithmetic3A_1352 = vector.broadcast %shift_right_arithmetic3A_1351 : i32 to vector<16xi32>
    %shift_right_arithmetic3A_1353 = arith.shrsi %and3A_1350, %shift_right_arithmetic3A_1352 : vector<16xi32>
    %add3A_1354 = arith.addi %mul3A_1347, %shift_right_arithmetic3A_1353 : vector<16xi32>
    %swap3A_1355 = arith.constant 48 : index
    %swap3A_1356 = tpu.vector_load %arg12[%swap3A_1355] {strides = array<i32>} : memref<512xi32, #tpu.memory_space<vmem>>, vector<16xi32>,
    %swap3A_1357 = vector.shape_cast %swap3A_1356 : vector<16xi32> to vector<16xi32>
    %swap3A_1358 = vector.shape_cast %add3A_1354 : vector<16xi32> to vector<16xi32>
    tpu.vector_store %arg12[%swap3A_1355], %swap3A_1358 {strides = array<i32>} : memref<512xi32, #tpu.memory_space<vmem>>, vector<16xi32>,
    %get3A_1359 = arith.constant 64 : index
    %get3A_1360 = tpu.vector_load %arg12[%get3A_1359] {strides = array<i32>} : memref<512xi32, #tpu.memory_space<vmem>>, vector<16xi32>,
    %get3A_1361 = vector.shape_cast %get3A_1360 : vector<16xi32> to vector<16xi32>
    %shift_right_arithmetic3A_1362 = arith.constant 14 : i32
    %shift_right_arithmetic3A_1363 = vector.broadcast %shift_right_arithmetic3A_1362 : i32 to vector<16xi32>
    %shift_right_arithmetic3A_1364 = arith.shrsi %get3A_1361, %shift_right_arithmetic3A_1363 : vector<16xi32>
    %mul3A_1365 = arith.constant 4096 : i32
    %mul3A_1366 = vector.broadcast %mul3A_1365 : i32 to vector<16xi32>
    %mul3A_1367 = arith.muli %shift_right_arithmetic3A_1364, %mul3A_1366 : vector<16xi32>
    %and3A_1368 = arith.constant 8191 : i32
    %and3A_1369 = vector.broadcast %and3A_1368 : i32 to vector<16xi32>
    %and3A_1370 = arith.andi %get3A_1361, %and3A_1369 : vector<16xi32>
    %shift_right_arithmetic3A_1371 = arith.constant 1 : i32
    %shift_right_arithmetic3A_1372 = vector.broadcast %shift_right_arithmetic3A_1371 : i32 to vector<16xi32>
    %shift_right_arithmetic3A_1373 = arith.shrsi %and3A_1370, %shift_right_arithmetic3A_1372 : vector<16xi32>
    %add3A_1374 = arith.addi %mul3A_1367, %shift_right_arithmetic3A_1373 : vector<16xi32>
    %swap3A_1375 = arith.constant 64 : index
    %swap3A_1376 = tpu.vector_load %arg12[%swap3A_1375] {strides = array<i32>} : memref<512xi32, #tpu.memory_space<vmem>>, vector<16xi32>,
    %swap3A_1377 = vector.shape_cast %swap3A_1376 : vector<16xi32> to vector<16xi32>
    %swap3A_1378 = vector.shape_cast %add3A_1374 : vector<16xi32> to vector<16xi32>
    tpu.vector_store %arg12[%swap3A_1375], %swap3A_1378 {strides = array<i32>} : memref<512xi32, #tpu.memory_space<vmem>>, vector<16xi32>,
    %get3A_1379 = arith.constant 80 : index
    %get3A_1380 = tpu.vector_load %arg12[%get3A_1379] {strides = array<i32>} : memref<512xi32, #tpu.memory_space<vmem>>, vector<16xi32>,
    %get3A_1381 = vector.shape_cast %get3A_1380 : vector<16xi32> to vector<16xi32>
    %shift_right_arithmetic3A_1382 = arith.constant 14 : i32
    %shift_right_arithmetic3A_1383 = vector.broadcast %shift_right_arithmetic3A_1382 : i32 to vector<16xi32>
    %shift_right_arithmetic3A_1384 = arith.shrsi %get3A_1381, %shift_right_arithmetic3A_1383 : vector<16xi32>
    %mul3A_1385 = arith.constant 4096 : i32
    %mul3A_1386 = vector.broadcast %mul3A_1385 : i32 to vector<16xi32>
    %mul3A_1387 = arith.muli %shift_right_arithmetic3A_1384, %mul3A_1386 : vector<16xi32>
    %and3A_1388 = arith.constant 8191 : i32
    %and3A_1389 = vector.broadcast %and3A_1388 : i32 to vector<16xi32>
    %and3A_1390 = arith.andi %get3A_1381, %and3A_1389 : vector<16xi32>
    %shift_right_arithmetic3A_1391 = arith.constant 1 : i32
    %shift_right_arithmetic3A_1392 = vector.broadcast %shift_right_arithmetic3A_1391 : i32 to vector<16xi32>
    %shift_right_arithmetic3A_1393 = arith.shrsi %and3A_1390, %shift_right_arithmetic3A_1392 : vector<16xi32>
    %add3A_1394 = arith.addi %mul3A_1387, %shift_right_arithmetic3A_1393 : vector<16xi32>
    %swap3A_1395 = arith.constant 80 : index
    %swap3A_1396 = tpu.vector_load %arg12[%swap3A_1395] {strides = array<i32>} : memref<512xi32, #tpu.memory_space<vmem>>, vector<16xi32>,
    %swap3A_1397 = vector.shape_cast %swap3A_1396 : vector<16xi32> to vector<16xi32>
    %swap3A_1398 = vector.shape_cast %add3A_1394 : vector<16xi32> to vector<16xi32>
    tpu.vector_store %arg12[%swap3A_1395], %swap3A_1398 {strides = array<i32>} : memref<512xi32, #tpu.memory_space<vmem>>, vector<16xi32>,
    %get3A_1399 = arith.constant 96 : index
    %get3A_1400 = tpu.vector_load %arg12[%get3A_1399] {strides = array<i32>} : memref<512xi32, #tpu.memory_space<vmem>>, vector<16xi32>,
    %get3A_1401 = vector.shape_cast %get3A_1400 : vector<16xi32> to vector<16xi32>
    %shift_right_arithmetic3A_1402 = arith.constant 14 : i32
    %shift_right_arithmetic3A_1403 = vector.broadcast %shift_right_arithmetic3A_1402 : i32 to vector<16xi32>
    %shift_right_arithmetic3A_1404 = arith.shrsi %get3A_1401, %shift_right_arithmetic3A_1403 : vector<16xi32>
    %mul3A_1405 = arith.constant 4096 : i32
    %mul3A_1406 = vector.broadcast %mul3A_1405 : i32 to vector<16xi32>
    %mul3A_1407 = arith.muli %shift_right_arithmetic3A_1404, %mul3A_1406 : vector<16xi32>
    %and3A_1408 = arith.constant 8191 : i32
    %and3A_1409 = vector.broadcast %and3A_1408 : i32 to vector<16xi32>
    %and3A_1410 = arith.andi %get3A_1401, %and3A_1409 : vector<16xi32>
    %shift_right_arithmetic3A_1411 = arith.constant 1 : i32
    %shift_right_arithmetic3A_1412 = vector.broadcast %shift_right_arithmetic3A_1411 : i32 to vector<16xi32>
    %shift_right_arithmetic3A_1413 = arith.shrsi %and3A_1410, %shift_right_arithmetic3A_1412 : vector<16xi32>
    %add3A_1414 = arith.addi %mul3A_1407, %shift_right_arithmetic3A_1413 : vector<16xi32>
    %swap3A_1415 = arith.constant 96 : index
    %swap3A_1416 = tpu.vector_load %arg12[%swap3A_1415] {strides = array<i32>} : memref<512xi32, #tpu.memory_space<vmem>>, vector<16xi32>,
    %swap3A_1417 = vector.shape_cast %swap3A_1416 : vector<16xi32> to vector<16xi32>
    %swap3A_1418 = vector.shape_cast %add3A_1414 : vector<16xi32> to vector<16xi32>
    tpu.vector_store %arg12[%swap3A_1415], %swap3A_1418 {strides = array<i32>} : memref<512xi32, #tpu.memory_space<vmem>>, vector<16xi32>,
    %get3A_1419 = arith.constant 112 : index
    %get3A_1420 = tpu.vector_load %arg12[%get3A_1419] {strides = array<i32>} : memref<512xi32, #tpu.memory_space<vmem>>, vector<16xi32>,
    %get3A_1421 = vector.shape_cast %get3A_1420 : vector<16xi32> to vector<16xi32>
    %shift_right_arithmetic3A_1422 = arith.constant 14 : i32
    %shift_right_arithmetic3A_1423 = vector.broadcast %shift_right_arithmetic3A_1422 : i32 to vector<16xi32>
    %shift_right_arithmetic3A_1424 = arith.shrsi %get3A_1421, %shift_right_arithmetic3A_1423 : vector<16xi32>
    %mul3A_1425 = arith.constant 4096 : i32
    %mul3A_1426 = vector.broadcast %mul3A_1425 : i32 to vector<16xi32>
    %mul3A_1427 = arith.muli %shift_right_arithmetic3A_1424, %mul3A_1426 : vector<16xi32>
    %and3A_1428 = arith.constant 8191 : i32
    %and3A_1429 = vector.broadcast %and3A_1428 : i32 to vector<16xi32>
    %and3A_1430 = arith.andi %get3A_1421, %and3A_1429 : vector<16xi32>
    %shift_right_arithmetic3A_1431 = arith.constant 1 : i32
    %shift_right_arithmetic3A_1432 = vector.broadcast %shift_right_arithmetic3A_1431 : i32 to vector<16xi32>
    %shift_right_arithmetic3A_1433 = arith.shrsi %and3A_1430, %shift_right_arithmetic3A_1432 : vector<16xi32>
    %add3A_1434 = arith.addi %mul3A_1427, %shift_right_arithmetic3A_1433 : vector<16xi32>
    %swap3A_1435 = arith.constant 112 : index
    %swap3A_1436 = tpu.vector_load %arg12[%swap3A_1435] {strides = array<i32>} : memref<512xi32, #tpu.memory_space<vmem>>, vector<16xi32>,
    %swap3A_1437 = vector.shape_cast %swap3A_1436 : vector<16xi32> to vector<16xi32>
    %swap3A_1438 = vector.shape_cast %add3A_1434 : vector<16xi32> to vector<16xi32>
    tpu.vector_store %arg12[%swap3A_1435], %swap3A_1438 {strides = array<i32>} : memref<512xi32, #tpu.memory_space<vmem>>, vector<16xi32>,
    %get3A_1439 = arith.constant 128 : index
    %get3A_1440 = tpu.vector_load %arg12[%get3A_1439] {strides = array<i32>} : memref<512xi32, #tpu.memory_space<vmem>>, vector<16xi32>,
    %get3A_1441 = vector.shape_cast %get3A_1440 : vector<16xi32> to vector<16xi32>
    %shift_right_arithmetic3A_1442 = arith.constant 14 : i32
    %shift_right_arithmetic3A_1443 = vector.broadcast %shift_right_arithmetic3A_1442 : i32 to vector<16xi32>
    %shift_right_arithmetic3A_1444 = arith.shrsi %get3A_1441, %shift_right_arithmetic3A_1443 : vector<16xi32>
    %mul3A_1445 = arith.constant 4096 : i32
    %mul3A_1446 = vector.broadcast %mul3A_1445 : i32 to vector<16xi32>
    %mul3A_1447 = arith.muli %shift_right_arithmetic3A_1444, %mul3A_1446 : vector<16xi32>
    %and3A_1448 = arith.constant 8191 : i32
    %and3A_1449 = vector.broadcast %and3A_1448 : i32 to vector<16xi32>
    %and3A_1450 = arith.andi %get3A_1441, %and3A_1449 : vector<16xi32>
    %shift_right_arithmetic3A_1451 = arith.constant 1 : i32
    %shift_right_arithmetic3A_1452 = vector.broadcast %shift_right_arithmetic3A_1451 : i32 to vector<16xi32>
    %shift_right_arithmetic3A_1453 = arith.shrsi %and3A_1450, %shift_right_arithmetic3A_1452 : vector<16xi32>
    %add3A_1454 = arith.addi %mul3A_1447, %shift_right_arithmetic3A_1453 : vector<16xi32>
    %swap3A_1455 = arith.constant 128 : index
    %swap3A_1456 = tpu.vector_load %arg12[%swap3A_1455] {strides = array<i32>} : memref<512xi32, #tpu.memory_space<vmem>>, vector<16xi32>,
    %swap3A_1457 = vector.shape_cast %swap3A_1456 : vector<16xi32> to vector<16xi32>
    %swap3A_1458 = vector.shape_cast %add3A_1454 : vector<16xi32> to vector<16xi32>
    tpu.vector_store %arg12[%swap3A_1455], %swap3A_1458 {strides = array<i32>} : memref<512xi32, #tpu.memory_space<vmem>>, vector<16xi32>,
    %get3A_1459 = arith.constant 144 : index
    %get3A_1460 = tpu.vector_load %arg12[%get3A_1459] {strides = array<i32>} : memref<512xi32, #tpu.memory_space<vmem>>, vector<16xi32>,
    %get3A_1461 = vector.shape_cast %get3A_1460 : vector<16xi32> to vector<16xi32>
    %shift_right_arithmetic3A_1462 = arith.constant 14 : i32
    %shift_right_arithmetic3A_1463 = vector.broadcast %shift_right_arithmetic3A_1462 : i32 to vector<16xi32>
    %shift_right_arithmetic3A_1464 = arith.shrsi %get3A_1461, %shift_right_arithmetic3A_1463 : vector<16xi32>
    %mul3A_1465 = arith.constant 4096 : i32
    %mul3A_1466 = vector.broadcast %mul3A_1465 : i32 to vector<16xi32>
    %mul3A_1467 = arith.muli %shift_right_arithmetic3A_1464, %mul3A_1466 : vector<16xi32>
    %and3A_1468 = arith.constant 8191 : i32
    %and3A_1469 = vector.broadcast %and3A_1468 : i32 to vector<16xi32>
    %and3A_1470 = arith.andi %get3A_1461, %and3A_1469 : vector<16xi32>
    %shift_right_arithmetic3A_1471 = arith.constant 1 : i32
    %shift_right_arithmetic3A_1472 = vector.broadcast %shift_right_arithmetic3A_1471 : i32 to vector<16xi32>
    %shift_right_arithmetic3A_1473 = arith.shrsi %and3A_1470, %shift_right_arithmetic3A_1472 : vector<16xi32>
    %add3A_1474 = arith.addi %mul3A_1467, %shift_right_arithmetic3A_1473 : vector<16xi32>
    %swap3A_1475 = arith.constant 144 : index
    %swap3A_1476 = tpu.vector_load %arg12[%swap3A_1475] {strides = array<i32>} : memref<512xi32, #tpu.memory_space<vmem>>, vector<16xi32>,
    %swap3A_1477 = vector.shape_cast %swap3A_1476 : vector<16xi32> to vector<16xi32>
    %swap3A_1478 = vector.shape_cast %add3A_1474 : vector<16xi32> to vector<16xi32>
    tpu.vector_store %arg12[%swap3A_1475], %swap3A_1478 {strides = array<i32>} : memref<512xi32, #tpu.memory_space<vmem>>, vector<16xi32>,
    %get3A_1479 = arith.constant 160 : index
    %get3A_1480 = tpu.vector_load %arg12[%get3A_1479] {strides = array<i32>} : memref<512xi32, #tpu.memory_space<vmem>>, vector<16xi32>,
    %get3A_1481 = vector.shape_cast %get3A_1480 : vector<16xi32> to vector<16xi32>
    %shift_right_arithmetic3A_1482 = arith.constant 14 : i32
    %shift_right_arithmetic3A_1483 = vector.broadcast %shift_right_arithmetic3A_1482 : i32 to vector<16xi32>
    %shift_right_arithmetic3A_1484 = arith.shrsi %get3A_1481, %shift_right_arithmetic3A_1483 : vector<16xi32>
    %mul3A_1485 = arith.constant 4096 : i32
    %mul3A_1486 = vector.broadcast %mul3A_1485 : i32 to vector<16xi32>
    %mul3A_1487 = arith.muli %shift_right_arithmetic3A_1484, %mul3A_1486 : vector<16xi32>
    %and3A_1488 = arith.constant 8191 : i32
    %and3A_1489 = vector.broadcast %and3A_1488 : i32 to vector<16xi32>
    %and3A_1490 = arith.andi %get3A_1481, %and3A_1489 : vector<16xi32>
    %shift_right_arithmetic3A_1491 = arith.constant 1 : i32
    %shift_right_arithmetic3A_1492 = vector.broadcast %shift_right_arithmetic3A_1491 : i32 to vector<16xi32>
    %shift_right_arithmetic3A_1493 = arith.shrsi %and3A_1490, %shift_right_arithmetic3A_1492 : vector<16xi32>
    %add3A_1494 = arith.addi %mul3A_1487, %shift_right_arithmetic3A_1493 : vector<16xi32>
    %swap3A_1495 = arith.constant 160 : index
    %swap3A_1496 = tpu.vector_load %arg12[%swap3A_1495] {strides = array<i32>} : memref<512xi32, #tpu.memory_space<vmem>>, vector<16xi32>,
    %swap3A_1497 = vector.shape_cast %swap3A_1496 : vector<16xi32> to vector<16xi32>
    %swap3A_1498 = vector.shape_cast %add3A_1494 : vector<16xi32> to vector<16xi32>
    tpu.vector_store %arg12[%swap3A_1495], %swap3A_1498 {strides = array<i32>} : memref<512xi32, #tpu.memory_space<vmem>>, vector<16xi32>,
    %get3A_1499 = arith.constant 176 : index
    %get3A_1500 = tpu.vector_load %arg12[%get3A_1499] {strides = array<i32>} : memref<512xi32, #tpu.memory_space<vmem>>, vector<16xi32>,
    %get3A_1501 = vector.shape_cast %get3A_1500 : vector<16xi32> to vector<16xi32>
    %shift_right_arithmetic3A_1502 = arith.constant 14 : i32
    %shift_right_arithmetic3A_1503 = vector.broadcast %shift_right_arithmetic3A_1502 : i32 to vector<16xi32>
    %shift_right_arithmetic3A_1504 = arith.shrsi %get3A_1501, %shift_right_arithmetic3A_1503 : vector<16xi32>
    %mul3A_1505 = arith.constant 4096 : i32
    %mul3A_1506 = vector.broadcast %mul3A_1505 : i32 to vector<16xi32>
    %mul3A_1507 = arith.muli %shift_right_arithmetic3A_1504, %mul3A_1506 : vector<16xi32>
    %and3A_1508 = arith.constant 8191 : i32
    %and3A_1509 = vector.broadcast %and3A_1508 : i32 to vector<16xi32>
    %and3A_1510 = arith.andi %get3A_1501, %and3A_1509 : vector<16xi32>
    %shift_right_arithmetic3A_1511 = arith.constant 1 : i32
    %shift_right_arithmetic3A_1512 = vector.broadcast %shift_right_arithmetic3A_1511 : i32 to vector<16xi32>
    %shift_right_arithmetic3A_1513 = arith.shrsi %and3A_1510, %shift_right_arithmetic3A_1512 : vector<16xi32>
    %add3A_1514 = arith.addi %mul3A_1507, %shift_right_arithmetic3A_1513 : vector<16xi32>
    %swap3A_1515 = arith.constant 176 : index
    %swap3A_1516 = tpu.vector_load %arg12[%swap3A_1515] {strides = array<i32>} : memref<512xi32, #tpu.memory_space<vmem>>, vector<16xi32>,
    %swap3A_1517 = vector.shape_cast %swap3A_1516 : vector<16xi32> to vector<16xi32>
    %swap3A_1518 = vector.shape_cast %add3A_1514 : vector<16xi32> to vector<16xi32>
    tpu.vector_store %arg12[%swap3A_1515], %swap3A_1518 {strides = array<i32>} : memref<512xi32, #tpu.memory_space<vmem>>, vector<16xi32>,
    %get3A_1519 = arith.constant 192 : index
    %get3A_1520 = tpu.vector_load %arg12[%get3A_1519] {strides = array<i32>} : memref<512xi32, #tpu.memory_space<vmem>>, vector<16xi32>,
    %get3A_1521 = vector.shape_cast %get3A_1520 : vector<16xi32> to vector<16xi32>
    %shift_right_arithmetic3A_1522 = arith.constant 14 : i32
    %shift_right_arithmetic3A_1523 = vector.broadcast %shift_right_arithmetic3A_1522 : i32 to vector<16xi32>
    %shift_right_arithmetic3A_1524 = arith.shrsi %get3A_1521, %shift_right_arithmetic3A_1523 : vector<16xi32>
    %mul3A_1525 = arith.constant 4096 : i32
    %mul3A_1526 = vector.broadcast %mul3A_1525 : i32 to vector<16xi32>
    %mul3A_1527 = arith.muli %shift_right_arithmetic3A_1524, %mul3A_1526 : vector<16xi32>
    %and3A_1528 = arith.constant 8191 : i32
    %and3A_1529 = vector.broadcast %and3A_1528 : i32 to vector<16xi32>
    %and3A_1530 = arith.andi %get3A_1521, %and3A_1529 : vector<16xi32>
    %shift_right_arithmetic3A_1531 = arith.constant 1 : i32
    %shift_right_arithmetic3A_1532 = vector.broadcast %shift_right_arithmetic3A_1531 : i32 to vector<16xi32>
    %shift_right_arithmetic3A_1533 = arith.shrsi %and3A_1530, %shift_right_arithmetic3A_1532 : vector<16xi32>
    %add3A_1534 = arith.addi %mul3A_1527, %shift_right_arithmetic3A_1533 : vector<16xi32>
    %swap3A_1535 = arith.constant 192 : index
    %swap3A_1536 = tpu.vector_load %arg12[%swap3A_1535] {strides = array<i32>} : memref<512xi32, #tpu.memory_space<vmem>>, vector<16xi32>,
    %swap3A_1537 = vector.shape_cast %swap3A_1536 : vector<16xi32> to vector<16xi32>
    %swap3A_1538 = vector.shape_cast %add3A_1534 : vector<16xi32> to vector<16xi32>
    tpu.vector_store %arg12[%swap3A_1535], %swap3A_1538 {strides = array<i32>} : memref<512xi32, #tpu.memory_space<vmem>>, vector<16xi32>,
    %get3A_1539 = arith.constant 208 : index
    %get3A_1540 = tpu.vector_load %arg12[%get3A_1539] {strides = array<i32>} : memref<512xi32, #tpu.memory_space<vmem>>, vector<16xi32>,
    %get3A_1541 = vector.shape_cast %get3A_1540 : vector<16xi32> to vector<16xi32>
    %shift_right_arithmetic3A_1542 = arith.constant 14 : i32
    %shift_right_arithmetic3A_1543 = vector.broadcast %shift_right_arithmetic3A_1542 : i32 to vector<16xi32>
    %shift_right_arithmetic3A_1544 = arith.shrsi %get3A_1541, %shift_right_arithmetic3A_1543 : vector<16xi32>
    %mul3A_1545 = arith.constant 4096 : i32
    %mul3A_1546 = vector.broadcast %mul3A_1545 : i32 to vector<16xi32>
    %mul3A_1547 = arith.muli %shift_right_arithmetic3A_1544, %mul3A_1546 : vector<16xi32>
    %and3A_1548 = arith.constant 8191 : i32
    %and3A_1549 = vector.broadcast %and3A_1548 : i32 to vector<16xi32>
    %and3A_1550 = arith.andi %get3A_1541, %and3A_1549 : vector<16xi32>
    %shift_right_arithmetic3A_1551 = arith.constant 1 : i32
    %shift_right_arithmetic3A_1552 = vector.broadcast %shift_right_arithmetic3A_1551 : i32 to vector<16xi32>
    %shift_right_arithmetic3A_1553 = arith.shrsi %and3A_1550, %shift_right_arithmetic3A_1552 : vector<16xi32>
    %add3A_1554 = arith.addi %mul3A_1547, %shift_right_arithmetic3A_1553 : vector<16xi32>
    %swap3A_1555 = arith.constant 208 : index
    %swap3A_1556 = tpu.vector_load %arg12[%swap3A_1555] {strides = array<i32>} : memref<512xi32, #tpu.memory_space<vmem>>, vector<16xi32>,
    %swap3A_1557 = vector.shape_cast %swap3A_1556 : vector<16xi32> to vector<16xi32>
    %swap3A_1558 = vector.shape_cast %add3A_1554 : vector<16xi32> to vector<16xi32>
    tpu.vector_store %arg12[%swap3A_1555], %swap3A_1558 {strides = array<i32>} : memref<512xi32, #tpu.memory_space<vmem>>, vector<16xi32>,
    %get3A_1559 = arith.constant 224 : index
    %get3A_1560 = tpu.vector_load %arg12[%get3A_1559] {strides = array<i32>} : memref<512xi32, #tpu.memory_space<vmem>>, vector<16xi32>,
    %get3A_1561 = vector.shape_cast %get3A_1560 : vector<16xi32> to vector<16xi32>
    %shift_right_arithmetic3A_1562 = arith.constant 14 : i32
    %shift_right_arithmetic3A_1563 = vector.broadcast %shift_right_arithmetic3A_1562 : i32 to vector<16xi32>
    %shift_right_arithmetic3A_1564 = arith.shrsi %get3A_1561, %shift_right_arithmetic3A_1563 : vector<16xi32>
    %mul3A_1565 = arith.constant 4096 : i32
    %mul3A_1566 = vector.broadcast %mul3A_1565 : i32 to vector<16xi32>
    %mul3A_1567 = arith.muli %shift_right_arithmetic3A_1564, %mul3A_1566 : vector<16xi32>
    %and3A_1568 = arith.constant 8191 : i32
    %and3A_1569 = vector.broadcast %and3A_1568 : i32 to vector<16xi32>
    %and3A_1570 = arith.andi %get3A_1561, %and3A_1569 : vector<16xi32>
    %shift_right_arithmetic3A_1571 = arith.constant 1 : i32
    %shift_right_arithmetic3A_1572 = vector.broadcast %shift_right_arithmetic3A_1571 : i32 to vector<16xi32>
    %shift_right_arithmetic3A_1573 = arith.shrsi %and3A_1570, %shift_right_arithmetic3A_1572 : vector<16xi32>
    %add3A_1574 = arith.addi %mul3A_1567, %shift_right_arithmetic3A_1573 : vector<16xi32>
    %swap3A_1575 = arith.constant 224 : index
    %swap3A_1576 = tpu.vector_load %arg12[%swap3A_1575] {strides = array<i32>} : memref<512xi32, #tpu.memory_space<vmem>>, vector<16xi32>,
    %swap3A_1577 = vector.shape_cast %swap3A_1576 : vector<16xi32> to vector<16xi32>
    %swap3A_1578 = vector.shape_cast %add3A_1574 : vector<16xi32> to vector<16xi32>
    tpu.vector_store %arg12[%swap3A_1575], %swap3A_1578 {strides = array<i32>} : memref<512xi32, #tpu.memory_space<vmem>>, vector<16xi32>,
    %get3A_1579 = arith.constant 240 : index
    %get3A_1580 = tpu.vector_load %arg12[%get3A_1579] {strides = array<i32>} : memref<512xi32, #tpu.memory_space<vmem>>, vector<16xi32>,
    %get3A_1581 = vector.shape_cast %get3A_1580 : vector<16xi32> to vector<16xi32>
    %shift_right_arithmetic3A_1582 = arith.constant 14 : i32
    %shift_right_arithmetic3A_1583 = vector.broadcast %shift_right_arithmetic3A_1582 : i32 to vector<16xi32>
    %shift_right_arithmetic3A_1584 = arith.shrsi %get3A_1581, %shift_right_arithmetic3A_1583 : vector<16xi32>
    %mul3A_1585 = arith.constant 4096 : i32
    %mul3A_1586 = vector.broadcast %mul3A_1585 : i32 to vector<16xi32>
    %mul3A_1587 = arith.muli %shift_right_arithmetic3A_1584, %mul3A_1586 : vector<16xi32>
    %and3A_1588 = arith.constant 8191 : i32
    %and3A_1589 = vector.broadcast %and3A_1588 : i32 to vector<16xi32>
    %and3A_1590 = arith.andi %get3A_1581, %and3A_1589 : vector<16xi32>
    %shift_right_arithmetic3A_1591 = arith.constant 1 : i32
    %shift_right_arithmetic3A_1592 = vector.broadcast %shift_right_arithmetic3A_1591 : i32 to vector<16xi32>
    %shift_right_arithmetic3A_1593 = arith.shrsi %and3A_1590, %shift_right_arithmetic3A_1592 : vector<16xi32>
    %add3A_1594 = arith.addi %mul3A_1587, %shift_right_arithmetic3A_1593 : vector<16xi32>
    %swap3A_1595 = arith.constant 240 : index
    %swap3A_1596 = tpu.vector_load %arg12[%swap3A_1595] {strides = array<i32>} : memref<512xi32, #tpu.memory_space<vmem>>, vector<16xi32>,
    %swap3A_1597 = vector.shape_cast %swap3A_1596 : vector<16xi32> to vector<16xi32>
    %swap3A_1598 = vector.shape_cast %add3A_1594 : vector<16xi32> to vector<16xi32>
    tpu.vector_store %arg12[%swap3A_1595], %swap3A_1598 {strides = array<i32>} : memref<512xi32, #tpu.memory_space<vmem>>, vector<16xi32>,
    %get3A_1599 = arith.constant 256 : index
    %get3A_1600 = tpu.vector_load %arg12[%get3A_1599] {strides = array<i32>} : memref<512xi32, #tpu.memory_space<vmem>>, vector<16xi32>,
    %get3A_1601 = vector.shape_cast %get3A_1600 : vector<16xi32> to vector<16xi32>
    %shift_right_arithmetic3A_1602 = arith.constant 14 : i32
    %shift_right_arithmetic3A_1603 = vector.broadcast %shift_right_arithmetic3A_1602 : i32 to vector<16xi32>
    %shift_right_arithmetic3A_1604 = arith.shrsi %get3A_1601, %shift_right_arithmetic3A_1603 : vector<16xi32>
    %mul3A_1605 = arith.constant 4096 : i32
    %mul3A_1606 = vector.broadcast %mul3A_1605 : i32 to vector<16xi32>
    %mul3A_1607 = arith.muli %shift_right_arithmetic3A_1604, %mul3A_1606 : vector<16xi32>
    %and3A_1608 = arith.constant 8191 : i32
    %and3A_1609 = vector.broadcast %and3A_1608 : i32 to vector<16xi32>
    %and3A_1610 = arith.andi %get3A_1601, %and3A_1609 : vector<16xi32>
    %shift_right_arithmetic3A_1611 = arith.constant 1 : i32
    %shift_right_arithmetic3A_1612 = vector.broadcast %shift_right_arithmetic3A_1611 : i32 to vector<16xi32>
    %shift_right_arithmetic3A_1613 = arith.shrsi %and3A_1610, %shift_right_arithmetic3A_1612 : vector<16xi32>
    %add3A_1614 = arith.addi %mul3A_1607, %shift_right_arithmetic3A_1613 : vector<16xi32>
    %swap3A_1615 = arith.constant 256 : index
    %swap3A_1616 = tpu.vector_load %arg12[%swap3A_1615] {strides = array<i32>} : memref<512xi32, #tpu.memory_space<vmem>>, vector<16xi32>,
    %swap3A_1617 = vector.shape_cast %swap3A_1616 : vector<16xi32> to vector<16xi32>
    %swap3A_1618 = vector.shape_cast %add3A_1614 : vector<16xi32> to vector<16xi32>
    tpu.vector_store %arg12[%swap3A_1615], %swap3A_1618 {strides = array<i32>} : memref<512xi32, #tpu.memory_space<vmem>>, vector<16xi32>,
    %get3A_1619 = arith.constant 272 : index
    %get3A_1620 = tpu.vector_load %arg12[%get3A_1619] {strides = array<i32>} : memref<512xi32, #tpu.memory_space<vmem>>, vector<16xi32>,
    %get3A_1621 = vector.shape_cast %get3A_1620 : vector<16xi32> to vector<16xi32>
    %shift_right_arithmetic3A_1622 = arith.constant 14 : i32
    %shift_right_arithmetic3A_1623 = vector.broadcast %shift_right_arithmetic3A_1622 : i32 to vector<16xi32>
    %shift_right_arithmetic3A_1624 = arith.shrsi %get3A_1621, %shift_right_arithmetic3A_1623 : vector<16xi32>
    %mul3A_1625 = arith.constant 4096 : i32
    %mul3A_1626 = vector.broadcast %mul3A_1625 : i32 to vector<16xi32>
    %mul3A_1627 = arith.muli %shift_right_arithmetic3A_1624, %mul3A_1626 : vector<16xi32>
    %and3A_1628 = arith.constant 8191 : i32
    %and3A_1629 = vector.broadcast %and3A_1628 : i32 to vector<16xi32>
    %and3A_1630 = arith.andi %get3A_1621, %and3A_1629 : vector<16xi32>
    %shift_right_arithmetic3A_1631 = arith.constant 1 : i32
    %shift_right_arithmetic3A_1632 = vector.broadcast %shift_right_arithmetic3A_1631 : i32 to vector<16xi32>
    %shift_right_arithmetic3A_1633 = arith.shrsi %and3A_1630, %shift_right_arithmetic3A_1632 : vector<16xi32>
    %add3A_1634 = arith.addi %mul3A_1627, %shift_right_arithmetic3A_1633 : vector<16xi32>
    %swap3A_1635 = arith.constant 272 : index
    %swap3A_1636 = tpu.vector_load %arg12[%swap3A_1635] {strides = array<i32>} : memref<512xi32, #tpu.memory_space<vmem>>, vector<16xi32>,
    %swap3A_1637 = vector.shape_cast %swap3A_1636 : vector<16xi32> to vector<16xi32>
    %swap3A_1638 = vector.shape_cast %add3A_1634 : vector<16xi32> to vector<16xi32>
    tpu.vector_store %arg12[%swap3A_1635], %swap3A_1638 {strides = array<i32>} : memref<512xi32, #tpu.memory_space<vmem>>, vector<16xi32>,
    %get3A_1639 = arith.constant 288 : index
    %get3A_1640 = tpu.vector_load %arg12[%get3A_1639] {strides = array<i32>} : memref<512xi32, #tpu.memory_space<vmem>>, vector<16xi32>,
    %get3A_1641 = vector.shape_cast %get3A_1640 : vector<16xi32> to vector<16xi32>
    %shift_right_arithmetic3A_1642 = arith.constant 14 : i32
    %shift_right_arithmetic3A_1643 = vector.broadcast %shift_right_arithmetic3A_1642 : i32 to vector<16xi32>
    %shift_right_arithmetic3A_1644 = arith.shrsi %get3A_1641, %shift_right_arithmetic3A_1643 : vector<16xi32>
    %mul3A_1645 = arith.constant 4096 : i32
    %mul3A_1646 = vector.broadcast %mul3A_1645 : i32 to vector<16xi32>
    %mul3A_1647 = arith.muli %shift_right_arithmetic3A_1644, %mul3A_1646 : vector<16xi32>
    %and3A_1648 = arith.constant 8191 : i32
    %and3A_1649 = vector.broadcast %and3A_1648 : i32 to vector<16xi32>
    %and3A_1650 = arith.andi %get3A_1641, %and3A_1649 : vector<16xi32>
    %shift_right_arithmetic3A_1651 = arith.constant 1 : i32
    %shift_right_arithmetic3A_1652 = vector.broadcast %shift_right_arithmetic3A_1651 : i32 to vector<16xi32>
    %shift_right_arithmetic3A_1653 = arith.shrsi %and3A_1650, %shift_right_arithmetic3A_1652 : vector<16xi32>
    %add3A_1654 = arith.addi %mul3A_1647, %shift_right_arithmetic3A_1653 : vector<16xi32>
    %swap3A_1655 = arith.constant 288 : index
    %swap3A_1656 = tpu.vector_load %arg12[%swap3A_1655] {strides = array<i32>} : memref<512xi32, #tpu.memory_space<vmem>>, vector<16xi32>,
    %swap3A_1657 = vector.shape_cast %swap3A_1656 : vector<16xi32> to vector<16xi32>
    %swap3A_1658 = vector.shape_cast %add3A_1654 : vector<16xi32> to vector<16xi32>
    tpu.vector_store %arg12[%swap3A_1655], %swap3A_1658 {strides = array<i32>} : memref<512xi32, #tpu.memory_space<vmem>>, vector<16xi32>,
    %get3A_1659 = arith.constant 304 : index
    %get3A_1660 = tpu.vector_load %arg12[%get3A_1659] {strides = array<i32>} : memref<512xi32, #tpu.memory_space<vmem>>, vector<16xi32>,
    %get3A_1661 = vector.shape_cast %get3A_1660 : vector<16xi32> to vector<16xi32>
    %shift_right_arithmetic3A_1662 = arith.constant 14 : i32
    %shift_right_arithmetic3A_1663 = vector.broadcast %shift_right_arithmetic3A_1662 : i32 to vector<16xi32>
    %shift_right_arithmetic3A_1664 = arith.shrsi %get3A_1661, %shift_right_arithmetic3A_1663 : vector<16xi32>
    %mul3A_1665 = arith.constant 4096 : i32
    %mul3A_1666 = vector.broadcast %mul3A_1665 : i32 to vector<16xi32>
    %mul3A_1667 = arith.muli %shift_right_arithmetic3A_1664, %mul3A_1666 : vector<16xi32>
    %and3A_1668 = arith.constant 8191 : i32
    %and3A_1669 = vector.broadcast %and3A_1668 : i32 to vector<16xi32>
    %and3A_1670 = arith.andi %get3A_1661, %and3A_1669 : vector<16xi32>
    %shift_right_arithmetic3A_1671 = arith.constant 1 : i32
    %shift_right_arithmetic3A_1672 = vector.broadcast %shift_right_arithmetic3A_1671 : i32 to vector<16xi32>
    %shift_right_arithmetic3A_1673 = arith.shrsi %and3A_1670, %shift_right_arithmetic3A_1672 : vector<16xi32>
    %add3A_1674 = arith.addi %mul3A_1667, %shift_right_arithmetic3A_1673 : vector<16xi32>
    %swap3A_1675 = arith.constant 304 : index
    %swap3A_1676 = tpu.vector_load %arg12[%swap3A_1675] {strides = array<i32>} : memref<512xi32, #tpu.memory_space<vmem>>, vector<16xi32>,
    %swap3A_1677 = vector.shape_cast %swap3A_1676 : vector<16xi32> to vector<16xi32>
    %swap3A_1678 = vector.shape_cast %add3A_1674 : vector<16xi32> to vector<16xi32>
    tpu.vector_store %arg12[%swap3A_1675], %swap3A_1678 {strides = array<i32>} : memref<512xi32, #tpu.memory_space<vmem>>, vector<16xi32>,
    %get3A_1679 = arith.constant 320 : index
    %get3A_1680 = tpu.vector_load %arg12[%get3A_1679] {strides = array<i32>} : memref<512xi32, #tpu.memory_space<vmem>>, vector<16xi32>,
    %get3A_1681 = vector.shape_cast %get3A_1680 : vector<16xi32> to vector<16xi32>
    %shift_right_arithmetic3A_1682 = arith.constant 14 : i32
    %shift_right_arithmetic3A_1683 = vector.broadcast %shift_right_arithmetic3A_1682 : i32 to vector<16xi32>
    %shift_right_arithmetic3A_1684 = arith.shrsi %get3A_1681, %shift_right_arithmetic3A_1683 : vector<16xi32>
    %mul3A_1685 = arith.constant 4096 : i32
    %mul3A_1686 = vector.broadcast %mul3A_1685 : i32 to vector<16xi32>
    %mul3A_1687 = arith.muli %shift_right_arithmetic3A_1684, %mul3A_1686 : vector<16xi32>
    %and3A_1688 = arith.constant 8191 : i32
    %and3A_1689 = vector.broadcast %and3A_1688 : i32 to vector<16xi32>
    %and3A_1690 = arith.andi %get3A_1681, %and3A_1689 : vector<16xi32>
    %shift_right_arithmetic3A_1691 = arith.constant 1 : i32
    %shift_right_arithmetic3A_1692 = vector.broadcast %shift_right_arithmetic3A_1691 : i32 to vector<16xi32>
    %shift_right_arithmetic3A_1693 = arith.shrsi %and3A_1690, %shift_right_arithmetic3A_1692 : vector<16xi32>
    %add3A_1694 = arith.addi %mul3A_1687, %shift_right_arithmetic3A_1693 : vector<16xi32>
    %swap3A_1695 = arith.constant 320 : index
    %swap3A_1696 = tpu.vector_load %arg12[%swap3A_1695] {strides = array<i32>} : memref<512xi32, #tpu.memory_space<vmem>>, vector<16xi32>,
    %swap3A_1697 = vector.shape_cast %swap3A_1696 : vector<16xi32> to vector<16xi32>
    %swap3A_1698 = vector.shape_cast %add3A_1694 : vector<16xi32> to vector<16xi32>
    tpu.vector_store %arg12[%swap3A_1695], %swap3A_1698 {strides = array<i32>} : memref<512xi32, #tpu.memory_space<vmem>>, vector<16xi32>,
    %get3A_1699 = arith.constant 336 : index
    %get3A_1700 = tpu.vector_load %arg12[%get3A_1699] {strides = array<i32>} : memref<512xi32, #tpu.memory_space<vmem>>, vector<16xi32>,
    %get3A_1701 = vector.shape_cast %get3A_1700 : vector<16xi32> to vector<16xi32>
    %shift_right_arithmetic3A_1702 = arith.constant 14 : i32
    %shift_right_arithmetic3A_1703 = vector.broadcast %shift_right_arithmetic3A_1702 : i32 to vector<16xi32>
    %shift_right_arithmetic3A_1704 = arith.shrsi %get3A_1701, %shift_right_arithmetic3A_1703 : vector<16xi32>
    %mul3A_1705 = arith.constant 4096 : i32
    %mul3A_1706 = vector.broadcast %mul3A_1705 : i32 to vector<16xi32>
    %mul3A_1707 = arith.muli %shift_right_arithmetic3A_1704, %mul3A_1706 : vector<16xi32>
    %and3A_1708 = arith.constant 8191 : i32
    %and3A_1709 = vector.broadcast %and3A_1708 : i32 to vector<16xi32>
    %and3A_1710 = arith.andi %get3A_1701, %and3A_1709 : vector<16xi32>
    %shift_right_arithmetic3A_1711 = arith.constant 1 : i32
    %shift_right_arithmetic3A_1712 = vector.broadcast %shift_right_arithmetic3A_1711 : i32 to vector<16xi32>
    %shift_right_arithmetic3A_1713 = arith.shrsi %and3A_1710, %shift_right_arithmetic3A_1712 : vector<16xi32>
    %add3A_1714 = arith.addi %mul3A_1707, %shift_right_arithmetic3A_1713 : vector<16xi32>
    %swap3A_1715 = arith.constant 336 : index
    %swap3A_1716 = tpu.vector_load %arg12[%swap3A_1715] {strides = array<i32>} : memref<512xi32, #tpu.memory_space<vmem>>, vector<16xi32>,
    %swap3A_1717 = vector.shape_cast %swap3A_1716 : vector<16xi32> to vector<16xi32>
    %swap3A_1718 = vector.shape_cast %add3A_1714 : vector<16xi32> to vector<16xi32>
    tpu.vector_store %arg12[%swap3A_1715], %swap3A_1718 {strides = array<i32>} : memref<512xi32, #tpu.memory_space<vmem>>, vector<16xi32>,
    %get3A_1719 = arith.constant 352 : index
    %get3A_1720 = tpu.vector_load %arg12[%get3A_1719] {strides = array<i32>} : memref<512xi32, #tpu.memory_space<vmem>>, vector<16xi32>,
    %get3A_1721 = vector.shape_cast %get3A_1720 : vector<16xi32> to vector<16xi32>
    %shift_right_arithmetic3A_1722 = arith.constant 14 : i32
    %shift_right_arithmetic3A_1723 = vector.broadcast %shift_right_arithmetic3A_1722 : i32 to vector<16xi32>
    %shift_right_arithmetic3A_1724 = arith.shrsi %get3A_1721, %shift_right_arithmetic3A_1723 : vector<16xi32>
    %mul3A_1725 = arith.constant 4096 : i32
    %mul3A_1726 = vector.broadcast %mul3A_1725 : i32 to vector<16xi32>
    %mul3A_1727 = arith.muli %shift_right_arithmetic3A_1724, %mul3A_1726 : vector<16xi32>
    %and3A_1728 = arith.constant 8191 : i32
    %and3A_1729 = vector.broadcast %and3A_1728 : i32 to vector<16xi32>
    %and3A_1730 = arith.andi %get3A_1721, %and3A_1729 : vector<16xi32>
    %shift_right_arithmetic3A_1731 = arith.constant 1 : i32
    %shift_right_arithmetic3A_1732 = vector.broadcast %shift_right_arithmetic3A_1731 : i32 to vector<16xi32>
    %shift_right_arithmetic3A_1733 = arith.shrsi %and3A_1730, %shift_right_arithmetic3A_1732 : vector<16xi32>
    %add3A_1734 = arith.addi %mul3A_1727, %shift_right_arithmetic3A_1733 : vector<16xi32>
    %swap3A_1735 = arith.constant 352 : index
    %swap3A_1736 = tpu.vector_load %arg12[%swap3A_1735] {strides = array<i32>} : memref<512xi32, #tpu.memory_space<vmem>>, vector<16xi32>,
    %swap3A_1737 = vector.shape_cast %swap3A_1736 : vector<16xi32> to vector<16xi32>
    %swap3A_1738 = vector.shape_cast %add3A_1734 : vector<16xi32> to vector<16xi32>
    tpu.vector_store %arg12[%swap3A_1735], %swap3A_1738 {strides = array<i32>} : memref<512xi32, #tpu.memory_space<vmem>>, vector<16xi32>,
    %get3A_1739 = arith.constant 368 : index
    %get3A_1740 = tpu.vector_load %arg12[%get3A_1739] {strides = array<i32>} : memref<512xi32, #tpu.memory_space<vmem>>, vector<16xi32>,
    %get3A_1741 = vector.shape_cast %get3A_1740 : vector<16xi32> to vector<16xi32>
    %shift_right_arithmetic3A_1742 = arith.constant 14 : i32
    %shift_right_arithmetic3A_1743 = vector.broadcast %shift_right_arithmetic3A_1742 : i32 to vector<16xi32>
    %shift_right_arithmetic3A_1744 = arith.shrsi %get3A_1741, %shift_right_arithmetic3A_1743 : vector<16xi32>
    %mul3A_1745 = arith.constant 4096 : i32
    %mul3A_1746 = vector.broadcast %mul3A_1745 : i32 to vector<16xi32>
    %mul3A_1747 = arith.muli %shift_right_arithmetic3A_1744, %mul3A_1746 : vector<16xi32>
    %and3A_1748 = arith.constant 8191 : i32
    %and3A_1749 = vector.broadcast %and3A_1748 : i32 to vector<16xi32>
    %and3A_1750 = arith.andi %get3A_1741, %and3A_1749 : vector<16xi32>
    %shift_right_arithmetic3A_1751 = arith.constant 1 : i32
    %shift_right_arithmetic3A_1752 = vector.broadcast %shift_right_arithmetic3A_1751 : i32 to vector<16xi32>
    %shift_right_arithmetic3A_1753 = arith.shrsi %and3A_1750, %shift_right_arithmetic3A_1752 : vector<16xi32>
    %add3A_1754 = arith.addi %mul3A_1747, %shift_right_arithmetic3A_1753 : vector<16xi32>
    %swap3A_1755 = arith.constant 368 : index
    %swap3A_1756 = tpu.vector_load %arg12[%swap3A_1755] {strides = array<i32>} : memref<512xi32, #tpu.memory_space<vmem>>, vector<16xi32>,
    %swap3A_1757 = vector.shape_cast %swap3A_1756 : vector<16xi32> to vector<16xi32>
    %swap3A_1758 = vector.shape_cast %add3A_1754 : vector<16xi32> to vector<16xi32>
    tpu.vector_store %arg12[%swap3A_1755], %swap3A_1758 {strides = array<i32>} : memref<512xi32, #tpu.memory_space<vmem>>, vector<16xi32>,
    %get3A_1759 = arith.constant 384 : index
    %get3A_1760 = tpu.vector_load %arg12[%get3A_1759] {strides = array<i32>} : memref<512xi32, #tpu.memory_space<vmem>>, vector<16xi32>,
    %get3A_1761 = vector.shape_cast %get3A_1760 : vector<16xi32> to vector<16xi32>
    %shift_right_arithmetic3A_1762 = arith.constant 14 : i32
    %shift_right_arithmetic3A_1763 = vector.broadcast %shift_right_arithmetic3A_1762 : i32 to vector<16xi32>
    %shift_right_arithmetic3A_1764 = arith.shrsi %get3A_1761, %shift_right_arithmetic3A_1763 : vector<16xi32>
    %mul3A_1765 = arith.constant 4096 : i32
    %mul3A_1766 = vector.broadcast %mul3A_1765 : i32 to vector<16xi32>
    %mul3A_1767 = arith.muli %shift_right_arithmetic3A_1764, %mul3A_1766 : vector<16xi32>
    %and3A_1768 = arith.constant 8191 : i32
    %and3A_1769 = vector.broadcast %and3A_1768 : i32 to vector<16xi32>
    %and3A_1770 = arith.andi %get3A_1761, %and3A_1769 : vector<16xi32>
    %shift_right_arithmetic3A_1771 = arith.constant 1 : i32
    %shift_right_arithmetic3A_1772 = vector.broadcast %shift_right_arithmetic3A_1771 : i32 to vector<16xi32>
    %shift_right_arithmetic3A_1773 = arith.shrsi %and3A_1770, %shift_right_arithmetic3A_1772 : vector<16xi32>
    %add3A_1774 = arith.addi %mul3A_1767, %shift_right_arithmetic3A_1773 : vector<16xi32>
    %swap3A_1775 = arith.constant 384 : index
    %swap3A_1776 = tpu.vector_load %arg12[%swap3A_1775] {strides = array<i32>} : memref<512xi32, #tpu.memory_space<vmem>>, vector<16xi32>,
    %swap3A_1777 = vector.shape_cast %swap3A_1776 : vector<16xi32> to vector<16xi32>
    %swap3A_1778 = vector.shape_cast %add3A_1774 : vector<16xi32> to vector<16xi32>
    tpu.vector_store %arg12[%swap3A_1775], %swap3A_1778 {strides = array<i32>} : memref<512xi32, #tpu.memory_space<vmem>>, vector<16xi32>,
    %get3A_1779 = arith.constant 400 : index
    %get3A_1780 = tpu.vector_load %arg12[%get3A_1779] {strides = array<i32>} : memref<512xi32, #tpu.memory_space<vmem>>, vector<16xi32>,
    %get3A_1781 = vector.shape_cast %get3A_1780 : vector<16xi32> to vector<16xi32>
    %shift_right_arithmetic3A_1782 = arith.constant 14 : i32
    %shift_right_arithmetic3A_1783 = vector.broadcast %shift_right_arithmetic3A_1782 : i32 to vector<16xi32>
    %shift_right_arithmetic3A_1784 = arith.shrsi %get3A_1781, %shift_right_arithmetic3A_1783 : vector<16xi32>
    %mul3A_1785 = arith.constant 4096 : i32
    %mul3A_1786 = vector.broadcast %mul3A_1785 : i32 to vector<16xi32>
    %mul3A_1787 = arith.muli %shift_right_arithmetic3A_1784, %mul3A_1786 : vector<16xi32>
    %and3A_1788 = arith.constant 8191 : i32
    %and3A_1789 = vector.broadcast %and3A_1788 : i32 to vector<16xi32>
    %and3A_1790 = arith.andi %get3A_1781, %and3A_1789 : vector<16xi32>
    %shift_right_arithmetic3A_1791 = arith.constant 1 : i32
    %shift_right_arithmetic3A_1792 = vector.broadcast %shift_right_arithmetic3A_1791 : i32 to vector<16xi32>
    %shift_right_arithmetic3A_1793 = arith.shrsi %and3A_1790, %shift_right_arithmetic3A_1792 : vector<16xi32>
    %add3A_1794 = arith.addi %mul3A_1787, %shift_right_arithmetic3A_1793 : vector<16xi32>
    %swap3A_1795 = arith.constant 400 : index
    %swap3A_1796 = tpu.vector_load %arg12[%swap3A_1795] {strides = array<i32>} : memref<512xi32, #tpu.memory_space<vmem>>, vector<16xi32>,
    %swap3A_1797 = vector.shape_cast %swap3A_1796 : vector<16xi32> to vector<16xi32>
    %swap3A_1798 = vector.shape_cast %add3A_1794 : vector<16xi32> to vector<16xi32>
    tpu.vector_store %arg12[%swap3A_1795], %swap3A_1798 {strides = array<i32>} : memref<512xi32, #tpu.memory_space<vmem>>, vector<16xi32>,
    %get3A_1799 = arith.constant 416 : index
    %get3A_1800 = tpu.vector_load %arg12[%get3A_1799] {strides = array<i32>} : memref<512xi32, #tpu.memory_space<vmem>>, vector<16xi32>,
    %get3A_1801 = vector.shape_cast %get3A_1800 : vector<16xi32> to vector<16xi32>
    %shift_right_arithmetic3A_1802 = arith.constant 14 : i32
    %shift_right_arithmetic3A_1803 = vector.broadcast %shift_right_arithmetic3A_1802 : i32 to vector<16xi32>
    %shift_right_arithmetic3A_1804 = arith.shrsi %get3A_1801, %shift_right_arithmetic3A_1803 : vector<16xi32>
    %mul3A_1805 = arith.constant 4096 : i32
    %mul3A_1806 = vector.broadcast %mul3A_1805 : i32 to vector<16xi32>
    %mul3A_1807 = arith.muli %shift_right_arithmetic3A_1804, %mul3A_1806 : vector<16xi32>
    %and3A_1808 = arith.constant 8191 : i32
    %and3A_1809 = vector.broadcast %and3A_1808 : i32 to vector<16xi32>
    %and3A_1810 = arith.andi %get3A_1801, %and3A_1809 : vector<16xi32>
    %shift_right_arithmetic3A_1811 = arith.constant 1 : i32
    %shift_right_arithmetic3A_1812 = vector.broadcast %shift_right_arithmetic3A_1811 : i32 to vector<16xi32>
    %shift_right_arithmetic3A_1813 = arith.shrsi %and3A_1810, %shift_right_arithmetic3A_1812 : vector<16xi32>
    %add3A_1814 = arith.addi %mul3A_1807, %shift_right_arithmetic3A_1813 : vector<16xi32>
    %swap3A_1815 = arith.constant 416 : index
    %swap3A_1816 = tpu.vector_load %arg12[%swap3A_1815] {strides = array<i32>} : memref<512xi32, #tpu.memory_space<vmem>>, vector<16xi32>,
    %swap3A_1817 = vector.shape_cast %swap3A_1816 : vector<16xi32> to vector<16xi32>
    %swap3A_1818 = vector.shape_cast %add3A_1814 : vector<16xi32> to vector<16xi32>
    tpu.vector_store %arg12[%swap3A_1815], %swap3A_1818 {strides = array<i32>} : memref<512xi32, #tpu.memory_space<vmem>>, vector<16xi32>,
    %get3A_1819 = arith.constant 432 : index
    %get3A_1820 = tpu.vector_load %arg12[%get3A_1819] {strides = array<i32>} : memref<512xi32, #tpu.memory_space<vmem>>, vector<16xi32>,
    %get3A_1821 = vector.shape_cast %get3A_1820 : vector<16xi32> to vector<16xi32>
    %shift_right_arithmetic3A_1822 = arith.constant 14 : i32
    %shift_right_arithmetic3A_1823 = vector.broadcast %shift_right_arithmetic3A_1822 : i32 to vector<16xi32>
    %shift_right_arithmetic3A_1824 = arith.shrsi %get3A_1821, %shift_right_arithmetic3A_1823 : vector<16xi32>
    %mul3A_1825 = arith.constant 4096 : i32
    %mul3A_1826 = vector.broadcast %mul3A_1825 : i32 to vector<16xi32>
    %mul3A_1827 = arith.muli %shift_right_arithmetic3A_1824, %mul3A_1826 : vector<16xi32>
    %and3A_1828 = arith.constant 8191 : i32
    %and3A_1829 = vector.broadcast %and3A_1828 : i32 to vector<16xi32>
    %and3A_1830 = arith.andi %get3A_1821, %and3A_1829 : vector<16xi32>
    %shift_right_arithmetic3A_1831 = arith.constant 1 : i32
    %shift_right_arithmetic3A_1832 = vector.broadcast %shift_right_arithmetic3A_1831 : i32 to vector<16xi32>
    %shift_right_arithmetic3A_1833 = arith.shrsi %and3A_1830, %shift_right_arithmetic3A_1832 : vector<16xi32>
    %add3A_1834 = arith.addi %mul3A_1827, %shift_right_arithmetic3A_1833 : vector<16xi32>
    %swap3A_1835 = arith.constant 432 : index
    %swap3A_1836 = tpu.vector_load %arg12[%swap3A_1835] {strides = array<i32>} : memref<512xi32, #tpu.memory_space<vmem>>, vector<16xi32>,
    %swap3A_1837 = vector.shape_cast %swap3A_1836 : vector<16xi32> to vector<16xi32>
    %swap3A_1838 = vector.shape_cast %add3A_1834 : vector<16xi32> to vector<16xi32>
    tpu.vector_store %arg12[%swap3A_1835], %swap3A_1838 {strides = array<i32>} : memref<512xi32, #tpu.memory_space<vmem>>, vector<16xi32>,
    %get3A_1839 = arith.constant 448 : index
    %get3A_1840 = tpu.vector_load %arg12[%get3A_1839] {strides = array<i32>} : memref<512xi32, #tpu.memory_space<vmem>>, vector<16xi32>,
    %get3A_1841 = vector.shape_cast %get3A_1840 : vector<16xi32> to vector<16xi32>
    %shift_right_arithmetic3A_1842 = arith.constant 14 : i32
    %shift_right_arithmetic3A_1843 = vector.broadcast %shift_right_arithmetic3A_1842 : i32 to vector<16xi32>
    %shift_right_arithmetic3A_1844 = arith.shrsi %get3A_1841, %shift_right_arithmetic3A_1843 : vector<16xi32>
    %mul3A_1845 = arith.constant 4096 : i32
    %mul3A_1846 = vector.broadcast %mul3A_1845 : i32 to vector<16xi32>
    %mul3A_1847 = arith.muli %shift_right_arithmetic3A_1844, %mul3A_1846 : vector<16xi32>
    %and3A_1848 = arith.constant 8191 : i32
    %and3A_1849 = vector.broadcast %and3A_1848 : i32 to vector<16xi32>
    %and3A_1850 = arith.andi %get3A_1841, %and3A_1849 : vector<16xi32>
    %shift_right_arithmetic3A_1851 = arith.constant 1 : i32
    %shift_right_arithmetic3A_1852 = vector.broadcast %shift_right_arithmetic3A_1851 : i32 to vector<16xi32>
    %shift_right_arithmetic3A_1853 = arith.shrsi %and3A_1850, %shift_right_arithmetic3A_1852 : vector<16xi32>
    %add3A_1854 = arith.addi %mul3A_1847, %shift_right_arithmetic3A_1853 : vector<16xi32>
    %swap3A_1855 = arith.constant 448 : index
    %swap3A_1856 = tpu.vector_load %arg12[%swap3A_1855] {strides = array<i32>} : memref<512xi32, #tpu.memory_space<vmem>>, vector<16xi32>,
    %swap3A_1857 = vector.shape_cast %swap3A_1856 : vector<16xi32> to vector<16xi32>
    %swap3A_1858 = vector.shape_cast %add3A_1854 : vector<16xi32> to vector<16xi32>
    tpu.vector_store %arg12[%swap3A_1855], %swap3A_1858 {strides = array<i32>} : memref<512xi32, #tpu.memory_space<vmem>>, vector<16xi32>,
    %get3A_1859 = arith.constant 464 : index
    %get3A_1860 = tpu.vector_load %arg12[%get3A_1859] {strides = array<i32>} : memref<512xi32, #tpu.memory_space<vmem>>, vector<16xi32>,
    %get3A_1861 = vector.shape_cast %get3A_1860 : vector<16xi32> to vector<16xi32>
    %shift_right_arithmetic3A_1862 = arith.constant 14 : i32
    %shift_right_arithmetic3A_1863 = vector.broadcast %shift_right_arithmetic3A_1862 : i32 to vector<16xi32>
    %shift_right_arithmetic3A_1864 = arith.shrsi %get3A_1861, %shift_right_arithmetic3A_1863 : vector<16xi32>
    %mul3A_1865 = arith.constant 4096 : i32
    %mul3A_1866 = vector.broadcast %mul3A_1865 : i32 to vector<16xi32>
    %mul3A_1867 = arith.muli %shift_right_arithmetic3A_1864, %mul3A_1866 : vector<16xi32>
    %and3A_1868 = arith.constant 8191 : i32
    %and3A_1869 = vector.broadcast %and3A_1868 : i32 to vector<16xi32>
    %and3A_1870 = arith.andi %get3A_1861, %and3A_1869 : vector<16xi32>
    %shift_right_arithmetic3A_1871 = arith.constant 1 : i32
    %shift_right_arithmetic3A_1872 = vector.broadcast %shift_right_arithmetic3A_1871 : i32 to vector<16xi32>
    %shift_right_arithmetic3A_1873 = arith.shrsi %and3A_1870, %shift_right_arithmetic3A_1872 : vector<16xi32>
    %add3A_1874 = arith.addi %mul3A_1867, %shift_right_arithmetic3A_1873 : vector<16xi32>
    %swap3A_1875 = arith.constant 464 : index
    %swap3A_1876 = tpu.vector_load %arg12[%swap3A_1875] {strides = array<i32>} : memref<512xi32, #tpu.memory_space<vmem>>, vector<16xi32>,
    %swap3A_1877 = vector.shape_cast %swap3A_1876 : vector<16xi32> to vector<16xi32>
    %swap3A_1878 = vector.shape_cast %add3A_1874 : vector<16xi32> to vector<16xi32>
    tpu.vector_store %arg12[%swap3A_1875], %swap3A_1878 {strides = array<i32>} : memref<512xi32, #tpu.memory_space<vmem>>, vector<16xi32>,
    %get3A_1879 = arith.constant 480 : index
    %get3A_1880 = tpu.vector_load %arg12[%get3A_1879] {strides = array<i32>} : memref<512xi32, #tpu.memory_space<vmem>>, vector<16xi32>,
    %get3A_1881 = vector.shape_cast %get3A_1880 : vector<16xi32> to vector<16xi32>
    %shift_right_arithmetic3A_1882 = arith.constant 14 : i32
    %shift_right_arithmetic3A_1883 = vector.broadcast %shift_right_arithmetic3A_1882 : i32 to vector<16xi32>
    %shift_right_arithmetic3A_1884 = arith.shrsi %get3A_1881, %shift_right_arithmetic3A_1883 : vector<16xi32>
    %mul3A_1885 = arith.constant 4096 : i32
    %mul3A_1886 = vector.broadcast %mul3A_1885 : i32 to vector<16xi32>
    %mul3A_1887 = arith.muli %shift_right_arithmetic3A_1884, %mul3A_1886 : vector<16xi32>
    %and3A_1888 = arith.constant 8191 : i32
    %and3A_1889 = vector.broadcast %and3A_1888 : i32 to vector<16xi32>
    %and3A_1890 = arith.andi %get3A_1881, %and3A_1889 : vector<16xi32>
    %shift_right_arithmetic3A_1891 = arith.constant 1 : i32
    %shift_right_arithmetic3A_1892 = vector.broadcast %shift_right_arithmetic3A_1891 : i32 to vector<16xi32>
    %shift_right_arithmetic3A_1893 = arith.shrsi %and3A_1890, %shift_right_arithmetic3A_1892 : vector<16xi32>
    %add3A_1894 = arith.addi %mul3A_1887, %shift_right_arithmetic3A_1893 : vector<16xi32>
    %swap3A_1895 = arith.constant 480 : index
    %swap3A_1896 = tpu.vector_load %arg12[%swap3A_1895] {strides = array<i32>} : memref<512xi32, #tpu.memory_space<vmem>>, vector<16xi32>,
    %swap3A_1897 = vector.shape_cast %swap3A_1896 : vector<16xi32> to vector<16xi32>
    %swap3A_1898 = vector.shape_cast %add3A_1894 : vector<16xi32> to vector<16xi32>
    tpu.vector_store %arg12[%swap3A_1895], %swap3A_1898 {strides = array<i32>} : memref<512xi32, #tpu.memory_space<vmem>>, vector<16xi32>,
    %get3A_1899 = arith.constant 496 : index
    %get3A_1900 = tpu.vector_load %arg12[%get3A_1899] {strides = array<i32>} : memref<512xi32, #tpu.memory_space<vmem>>, vector<16xi32>,
    %get3A_1901 = vector.shape_cast %get3A_1900 : vector<16xi32> to vector<16xi32>
    %shift_right_arithmetic3A_1902 = arith.constant 14 : i32
    %shift_right_arithmetic3A_1903 = vector.broadcast %shift_right_arithmetic3A_1902 : i32 to vector<16xi32>
    %shift_right_arithmetic3A_1904 = arith.shrsi %get3A_1901, %shift_right_arithmetic3A_1903 : vector<16xi32>
    %mul3A_1905 = arith.constant 4096 : i32
    %mul3A_1906 = vector.broadcast %mul3A_1905 : i32 to vector<16xi32>
    %mul3A_1907 = arith.muli %shift_right_arithmetic3A_1904, %mul3A_1906 : vector<16xi32>
    %and3A_1908 = arith.constant 8191 : i32
    %and3A_1909 = vector.broadcast %and3A_1908 : i32 to vector<16xi32>
    %and3A_1910 = arith.andi %get3A_1901, %and3A_1909 : vector<16xi32>
    %shift_right_arithmetic3A_1911 = arith.constant 1 : i32
    %shift_right_arithmetic3A_1912 = vector.broadcast %shift_right_arithmetic3A_1911 : i32 to vector<16xi32>
    %shift_right_arithmetic3A_1913 = arith.shrsi %and3A_1910, %shift_right_arithmetic3A_1912 : vector<16xi32>
    %add3A_1914 = arith.addi %mul3A_1907, %shift_right_arithmetic3A_1913 : vector<16xi32>
    %swap3A_1915 = arith.constant 496 : index
    %swap3A_1916 = tpu.vector_load %arg12[%swap3A_1915] {strides = array<i32>} : memref<512xi32, #tpu.memory_space<vmem>>, vector<16xi32>,
    %swap3A_1917 = vector.shape_cast %swap3A_1916 : vector<16xi32> to vector<16xi32>
    %swap3A_1918 = vector.shape_cast %add3A_1914 : vector<16xi32> to vector<16xi32>
    tpu.vector_store %arg12[%swap3A_1915], %swap3A_1918 {strides = array<i32>} : memref<512xi32, #tpu.memory_space<vmem>>, vector<16xi32>,
    %dma_start3A = arith.constant 0 : i32
    %dma_start3A_1919 = arith.constant 0 : i32
    %dma_start3A_1920 = arith.constant 0 : i32
    %dma_start3A_1921 = tpu.memref_slice %arg13[%dma_start3A, %dma_start3A_1919, %dma_start3A_1920] : memref<2x128x128xf32, #tpu.memory_space<vmem>> -> memref<1x128x128xf32, #tpu.memory_space<vmem>>
    %dma_start3A_1922 = tpu.memref_squeeze %dma_start3A_1921 : memref<1x128x128xf32, #tpu.memory_space<vmem>> -> memref<128x128xf32, #tpu.memory_space<vmem>>
    %dma_start3A_1923 = arith.constant 0 : i32
    %dma_start3A_1924 = tpu.memref_slice %arg10[%dma_start3A_1923] : memref<512xi32, #tpu.memory_space<vmem>> -> memref<128xi32, #tpu.memory_space<vmem>>
    %dma_start3A_1925 = arith.constant 0 : i32
    %dma_start3A_1926 = arith.constant 0 : i32
    %dma_start3A_1927 = tpu.memref_slice %arg5[%dma_start3A_1925, %dma_start3A_1926] : memref<253952x128xf32, #tpu.memory_space<hbm>> -> memref<253952x128xf32, #tpu.memory_space<hbm>>
    tpu.enqueue_indirect_dma source(%dma_start3A_1927 : memref<253952x128xf32, #tpu.memory_space<hbm>>) target(%dma_start3A_1922 : memref<128x128xf32, #tpu.memory_space<vmem>>) offsets(%dma_start3A_1924 : memref<128xi32, #tpu.memory_space<vmem>>) semaphore(%arg14 : memref<!tpu.dma_semaphore, #tpu.memory_space<semaphore_mem>>)
    %dma_wait3A = arith.constant 0 : i32
    %dma_wait3A_1928 = arith.constant 0 : i32
    %dma_wait3A_1929 = arith.constant 0 : i32
    %dma_wait3A_1930 = tpu.memref_slice %arg13[%dma_wait3A, %dma_wait3A_1928, %dma_wait3A_1929] : memref<2x128x128xf32, #tpu.memory_space<vmem>> -> memref<1x128x128xf32, #tpu.memory_space<vmem>>
    %dma_wait3A_1931 = tpu.memref_squeeze %dma_wait3A_1930 : memref<1x128x128xf32, #tpu.memory_space<vmem>> -> memref<128x128xf32, #tpu.memory_space<vmem>>
    %dma_wait3A_1932 = arith.constant 0 : i32
    %dma_wait3A_1933 = tpu.memref_slice %arg10[%dma_wait3A_1932] : memref<512xi32, #tpu.memory_space<vmem>> -> memref<128xi32, #tpu.memory_space<vmem>>
    %dma_wait3A_1934 = arith.constant 0 : i32
    %dma_wait3A_1935 = arith.constant 0 : i32
    %dma_wait3A_1936 = tpu.memref_slice %arg5[%dma_wait3A_1934, %dma_wait3A_1935] : memref<253952x128xf32, #tpu.memory_space<hbm>> -> memref<253952x128xf32, #tpu.memory_space<hbm>>
    tpu.wait_indirect_dma semaphore(%arg14 : memref<!tpu.dma_semaphore, #tpu.memory_space<semaphore_mem>>) src(%dma_wait3A_1936 : memref<253952x128xf32, #tpu.memory_space<hbm>>) dst(%dma_wait3A_1931 : memref<128x128xf32, #tpu.memory_space<vmem>>)
    %add3A_1937 = arith.constant 0 : i32
    %add3A_1938 = arith.addi %mul3A_2, %add3A_1937 : i32
    %dma_start3A_1939 = arith.constant 0 : i32
    %dma_start3A_1940 = arith.constant 0 : i32
    %dma_start3A_1941 = arith.constant 0 : i32
    %dma_start3A_1942 = tpu.memref_slice %arg13[%dma_start3A_1939, %dma_start3A_1940, %dma_start3A_1941] : memref<2x128x128xf32, #tpu.memory_space<vmem>> -> memref<1x128x128xf32, #tpu.memory_space<vmem>>
    %dma_start3A_1943 = tpu.memref_squeeze %dma_start3A_1942 : memref<1x128x128xf32, #tpu.memory_space<vmem>> -> memref<128x128xf32, #tpu.memory_space<vmem>>
    %dma_start3A_1944 = arith.constant 0 : i32
    %dma_start3A_1945 = tpu.memref_slice %arg7[%add3A_1938, %dma_start3A_1944] : memref<16384x128xf32, #tpu.memory_space<hbm>> -> memref<128x128xf32, #tpu.memory_space<hbm>>
    %dma_start3A_1946 = arith.constant 0 : i32
    %dma_start3A_1947 = tpu.memref_slice %arg7[%add3A_1938, %dma_start3A_1946] : memref<16384x128xf32, #tpu.memory_space<hbm>> -> memref<128x128xf32, #tpu.memory_space<hbm>>
    %dma_start3A_1948 = arith.constant 0 : i32
    %dma_start3A_1949 = arith.constant 0 : i32
    %dma_start3A_1950 = tpu.memref_slice %arg13[%dma_start3A_1939, %dma_start3A_1948, %dma_start3A_1949] : memref<2x128x128xf32, #tpu.memory_space<vmem>> -> memref<1x128x128xf32, #tpu.memory_space<vmem>>
    %dma_start3A_1951 = tpu.memref_squeeze %dma_start3A_1950 : memref<1x128x128xf32, #tpu.memory_space<vmem>> -> memref<128x128xf32, #tpu.memory_space<vmem>>
    tpu.enqueue_dma source(%dma_start3A_1951 : memref<128x128xf32, #tpu.memory_space<vmem>>) target(%dma_start3A_1947 : memref<128x128xf32, #tpu.memory_space<hbm>>) target_semaphore(%arg15 : memref<!tpu.dma_semaphore, #tpu.memory_space<semaphore_mem>>)
    %dma_start3A_1952 = arith.constant 1 : i32
    %dma_start3A_1953 = arith.constant 0 : i32
    %dma_start3A_1954 = arith.constant 0 : i32
    %dma_start3A_1955 = tpu.memref_slice %arg13[%dma_start3A_1952, %dma_start3A_1953, %dma_start3A_1954] : memref<2x128x128xf32, #tpu.memory_space<vmem>> -> memref<1x128x128xf32, #tpu.memory_space<vmem>>
    %dma_start3A_1956 = tpu.memref_squeeze %dma_start3A_1955 : memref<1x128x128xf32, #tpu.memory_space<vmem>> -> memref<128x128xf32, #tpu.memory_space<vmem>>
    %dma_start3A_1957 = arith.constant 128 : i32
    %dma_start3A_1958 = tpu.memref_slice %arg10[%dma_start3A_1957] : memref<512xi32, #tpu.memory_space<vmem>> -> memref<128xi32, #tpu.memory_space<vmem>>
    %dma_start3A_1959 = arith.constant 0 : i32
    %dma_start3A_1960 = arith.constant 0 : i32
    %dma_start3A_1961 = tpu.memref_slice %arg5[%dma_start3A_1959, %dma_start3A_1960] : memref<253952x128xf32, #tpu.memory_space<hbm>> -> memref<253952x128xf32, #tpu.memory_space<hbm>>
    tpu.enqueue_indirect_dma source(%dma_start3A_1961 : memref<253952x128xf32, #tpu.memory_space<hbm>>) target(%dma_start3A_1956 : memref<128x128xf32, #tpu.memory_space<vmem>>) offsets(%dma_start3A_1958 : memref<128xi32, #tpu.memory_space<vmem>>) semaphore(%arg14 : memref<!tpu.dma_semaphore, #tpu.memory_space<semaphore_mem>>)
    %dma_wait3A_1962 = arith.constant 1 : i32
    %dma_wait3A_1963 = arith.constant 0 : i32
    %dma_wait3A_1964 = arith.constant 0 : i32
    %dma_wait3A_1965 = tpu.memref_slice %arg13[%dma_wait3A_1962, %dma_wait3A_1963, %dma_wait3A_1964] : memref<2x128x128xf32, #tpu.memory_space<vmem>> -> memref<1x128x128xf32, #tpu.memory_space<vmem>>
    %dma_wait3A_1966 = tpu.memref_squeeze %dma_wait3A_1965 : memref<1x128x128xf32, #tpu.memory_space<vmem>> -> memref<128x128xf32, #tpu.memory_space<vmem>>
    %dma_wait3A_1967 = arith.constant 128 : i32
    %dma_wait3A_1968 = tpu.memref_slice %arg10[%dma_wait3A_1967] : memref<512xi32, #tpu.memory_space<vmem>> -> memref<128xi32, #tpu.memory_space<vmem>>
    %dma_wait3A_1969 = arith.constant 0 : i32
    %dma_wait3A_1970 = arith.constant 0 : i32
    %dma_wait3A_1971 = tpu.memref_slice %arg5[%dma_wait3A_1969, %dma_wait3A_1970] : memref<253952x128xf32, #tpu.memory_space<hbm>> -> memref<253952x128xf32, #tpu.memory_space<hbm>>
    tpu.wait_indirect_dma semaphore(%arg14 : memref<!tpu.dma_semaphore, #tpu.memory_space<semaphore_mem>>) src(%dma_wait3A_1971 : memref<253952x128xf32, #tpu.memory_space<hbm>>) dst(%dma_wait3A_1966 : memref<128x128xf32, #tpu.memory_space<vmem>>)
    %add3A_1972 = arith.constant 128 : i32
    %add3A_1973 = arith.addi %mul3A_2, %add3A_1972 : i32
    %dma_start3A_1974 = arith.constant 1 : i32
    %dma_start3A_1975 = arith.constant 0 : i32
    %dma_start3A_1976 = arith.constant 0 : i32
    %dma_start3A_1977 = tpu.memref_slice %arg13[%dma_start3A_1974, %dma_start3A_1975, %dma_start3A_1976] : memref<2x128x128xf32, #tpu.memory_space<vmem>> -> memref<1x128x128xf32, #tpu.memory_space<vmem>>
    %dma_start3A_1978 = tpu.memref_squeeze %dma_start3A_1977 : memref<1x128x128xf32, #tpu.memory_space<vmem>> -> memref<128x128xf32, #tpu.memory_space<vmem>>
    %dma_start3A_1979 = arith.constant 0 : i32
    %dma_start3A_1980 = tpu.memref_slice %arg7[%add3A_1973, %dma_start3A_1979] : memref<16384x128xf32, #tpu.memory_space<hbm>> -> memref<128x128xf32, #tpu.memory_space<hbm>>
    %dma_start3A_1981 = arith.constant 0 : i32
    %dma_start3A_1982 = tpu.memref_slice %arg7[%add3A_1973, %dma_start3A_1981] : memref<16384x128xf32, #tpu.memory_space<hbm>> -> memref<128x128xf32, #tpu.memory_space<hbm>>
    %dma_start3A_1983 = arith.constant 0 : i32
    %dma_start3A_1984 = arith.constant 0 : i32
    %dma_start3A_1985 = tpu.memref_slice %arg13[%dma_start3A_1974, %dma_start3A_1983, %dma_start3A_1984] : memref<2x128x128xf32, #tpu.memory_space<vmem>> -> memref<1x128x128xf32, #tpu.memory_space<vmem>>
    %dma_start3A_1986 = tpu.memref_squeeze %dma_start3A_1985 : memref<1x128x128xf32, #tpu.memory_space<vmem>> -> memref<128x128xf32, #tpu.memory_space<vmem>>
    tpu.enqueue_dma source(%dma_start3A_1986 : memref<128x128xf32, #tpu.memory_space<vmem>>) target(%dma_start3A_1982 : memref<128x128xf32, #tpu.memory_space<hbm>>) target_semaphore(%arg15 : memref<!tpu.dma_semaphore, #tpu.memory_space<semaphore_mem>>)
    %dma_wait3A_1987 = arith.constant 0 : i32
    %dma_wait3A_1988 = arith.constant 0 : i32
    %dma_wait3A_1989 = arith.constant 0 : i32
    %dma_wait3A_1990 = tpu.memref_slice %arg13[%dma_wait3A_1987, %dma_wait3A_1988, %dma_wait3A_1989] : memref<2x128x128xf32, #tpu.memory_space<vmem>> -> memref<1x128x128xf32, #tpu.memory_space<vmem>>
    %dma_wait3A_1991 = tpu.memref_squeeze %dma_wait3A_1990 : memref<1x128x128xf32, #tpu.memory_space<vmem>> -> memref<128x128xf32, #tpu.memory_space<vmem>>
    %dma_wait3A_1992 = arith.constant 0 : i32
    %dma_wait3A_1993 = tpu.memref_slice %arg7[%add3A_1938, %dma_wait3A_1992] : memref<16384x128xf32, #tpu.memory_space<hbm>> -> memref<128x128xf32, #tpu.memory_space<hbm>>
    %dma_wait3A_1994 = arith.constant 0 : i32
    %dma_wait3A_1995 = tpu.memref_slice %arg7[%add3A_1938, %dma_wait3A_1994] : memref<16384x128xf32, #tpu.memory_space<hbm>> -> memref<128x128xf32, #tpu.memory_space<hbm>>
    %dma_wait3A_1996 = arith.constant 0 : i32
    %dma_wait3A_1997 = arith.constant 0 : i32
    %dma_wait3A_1998 = tpu.memref_slice %arg13[%dma_wait3A_1987, %dma_wait3A_1996, %dma_wait3A_1997] : memref<2x128x128xf32, #tpu.memory_space<vmem>> -> memref<1x128x128xf32, #tpu.memory_space<vmem>>
    %dma_wait3A_1999 = tpu.memref_squeeze %dma_wait3A_1998 : memref<1x128x128xf32, #tpu.memory_space<vmem>> -> memref<128x128xf32, #tpu.memory_space<vmem>>
    tpu.wait_dma2 semaphore(%arg15 : memref<!tpu.dma_semaphore, #tpu.memory_space<semaphore_mem>>) src(%dma_wait3A_1999 : memref<128x128xf32, #tpu.memory_space<vmem>>) dst(%dma_wait3A_1995 : memref<128x128xf32, #tpu.memory_space<hbm>>)
    %dma_start3A_2000 = arith.constant 0 : i32
    %dma_start3A_2001 = arith.constant 0 : i32
    %dma_start3A_2002 = arith.constant 0 : i32
    %dma_start3A_2003 = tpu.memref_slice %arg13[%dma_start3A_2000, %dma_start3A_2001, %dma_start3A_2002] : memref<2x128x128xf32, #tpu.memory_space<vmem>> -> memref<1x128x128xf32, #tpu.memory_space<vmem>>
    %dma_start3A_2004 = tpu.memref_squeeze %dma_start3A_2003 : memref<1x128x128xf32, #tpu.memory_space<vmem>> -> memref<128x128xf32, #tpu.memory_space<vmem>>
    %dma_start3A_2005 = arith.constant 256 : i32
    %dma_start3A_2006 = tpu.memref_slice %arg10[%dma_start3A_2005] : memref<512xi32, #tpu.memory_space<vmem>> -> memref<128xi32, #tpu.memory_space<vmem>>
    %dma_start3A_2007 = arith.constant 0 : i32
    %dma_start3A_2008 = arith.constant 0 : i32
    %dma_start3A_2009 = tpu.memref_slice %arg5[%dma_start3A_2007, %dma_start3A_2008] : memref<253952x128xf32, #tpu.memory_space<hbm>> -> memref<253952x128xf32, #tpu.memory_space<hbm>>
    tpu.enqueue_indirect_dma source(%dma_start3A_2009 : memref<253952x128xf32, #tpu.memory_space<hbm>>) target(%dma_start3A_2004 : memref<128x128xf32, #tpu.memory_space<vmem>>) offsets(%dma_start3A_2006 : memref<128xi32, #tpu.memory_space<vmem>>) semaphore(%arg14 : memref<!tpu.dma_semaphore, #tpu.memory_space<semaphore_mem>>)
    %dma_wait3A_2010 = arith.constant 0 : i32
    %dma_wait3A_2011 = arith.constant 0 : i32
    %dma_wait3A_2012 = arith.constant 0 : i32
    %dma_wait3A_2013 = tpu.memref_slice %arg13[%dma_wait3A_2010, %dma_wait3A_2011, %dma_wait3A_2012] : memref<2x128x128xf32, #tpu.memory_space<vmem>> -> memref<1x128x128xf32, #tpu.memory_space<vmem>>
    %dma_wait3A_2014 = tpu.memref_squeeze %dma_wait3A_2013 : memref<1x128x128xf32, #tpu.memory_space<vmem>> -> memref<128x128xf32, #tpu.memory_space<vmem>>
    %dma_wait3A_2015 = arith.constant 256 : i32
    %dma_wait3A_2016 = tpu.memref_slice %arg10[%dma_wait3A_2015] : memref<512xi32, #tpu.memory_space<vmem>> -> memref<128xi32, #tpu.memory_space<vmem>>
    %dma_wait3A_2017 = arith.constant 0 : i32
    %dma_wait3A_2018 = arith.constant 0 : i32
    %dma_wait3A_2019 = tpu.memref_slice %arg5[%dma_wait3A_2017, %dma_wait3A_2018] : memref<253952x128xf32, #tpu.memory_space<hbm>> -> memref<253952x128xf32, #tpu.memory_space<hbm>>
    tpu.wait_indirect_dma semaphore(%arg14 : memref<!tpu.dma_semaphore, #tpu.memory_space<semaphore_mem>>) src(%dma_wait3A_2019 : memref<253952x128xf32, #tpu.memory_space<hbm>>) dst(%dma_wait3A_2014 : memref<128x128xf32, #tpu.memory_space<vmem>>)
    %add3A_2020 = arith.constant 256 : i32
    %add3A_2021 = arith.addi %mul3A_2, %add3A_2020 : i32
    %dma_start3A_2022 = arith.constant 0 : i32
    %dma_start3A_2023 = arith.constant 0 : i32
    %dma_start3A_2024 = arith.constant 0 : i32
    %dma_start3A_2025 = tpu.memref_slice %arg13[%dma_start3A_2022, %dma_start3A_2023, %dma_start3A_2024] : memref<2x128x128xf32, #tpu.memory_space<vmem>> -> memref<1x128x128xf32, #tpu.memory_space<vmem>>
    %dma_start3A_2026 = tpu.memref_squeeze %dma_start3A_2025 : memref<1x128x128xf32, #tpu.memory_space<vmem>> -> memref<128x128xf32, #tpu.memory_space<vmem>>
    %dma_start3A_2027 = arith.constant 0 : i32
    %dma_start3A_2028 = tpu.memref_slice %arg7[%add3A_2021, %dma_start3A_2027] : memref<16384x128xf32, #tpu.memory_space<hbm>> -> memref<128x128xf32, #tpu.memory_space<hbm>>
    %dma_start3A_2029 = arith.constant 0 : i32
    %dma_start3A_2030 = tpu.memref_slice %arg7[%add3A_2021, %dma_start3A_2029] : memref<16384x128xf32, #tpu.memory_space<hbm>> -> memref<128x128xf32, #tpu.memory_space<hbm>>
    %dma_start3A_2031 = arith.constant 0 : i32
    %dma_start3A_2032 = arith.constant 0 : i32
    %dma_start3A_2033 = tpu.memref_slice %arg13[%dma_start3A_2022, %dma_start3A_2031, %dma_start3A_2032] : memref<2x128x128xf32, #tpu.memory_space<vmem>> -> memref<1x128x128xf32, #tpu.memory_space<vmem>>
    %dma_start3A_2034 = tpu.memref_squeeze %dma_start3A_2033 : memref<1x128x128xf32, #tpu.memory_space<vmem>> -> memref<128x128xf32, #tpu.memory_space<vmem>>
    tpu.enqueue_dma source(%dma_start3A_2034 : memref<128x128xf32, #tpu.memory_space<vmem>>) target(%dma_start3A_2030 : memref<128x128xf32, #tpu.memory_space<hbm>>) target_semaphore(%arg15 : memref<!tpu.dma_semaphore, #tpu.memory_space<semaphore_mem>>)
    %dma_wait3A_2035 = arith.constant 1 : i32
    %dma_wait3A_2036 = arith.constant 0 : i32
    %dma_wait3A_2037 = arith.constant 0 : i32
    %dma_wait3A_2038 = tpu.memref_slice %arg13[%dma_wait3A_2035, %dma_wait3A_2036, %dma_wait3A_2037] : memref<2x128x128xf32, #tpu.memory_space<vmem>> -> memref<1x128x128xf32, #tpu.memory_space<vmem>>
    %dma_wait3A_2039 = tpu.memref_squeeze %dma_wait3A_2038 : memref<1x128x128xf32, #tpu.memory_space<vmem>> -> memref<128x128xf32, #tpu.memory_space<vmem>>
    %dma_wait3A_2040 = arith.constant 0 : i32
    %dma_wait3A_2041 = tpu.memref_slice %arg7[%add3A_1973, %dma_wait3A_2040] : memref<16384x128xf32, #tpu.memory_space<hbm>> -> memref<128x128xf32, #tpu.memory_space<hbm>>
    %dma_wait3A_2042 = arith.constant 0 : i32
    %dma_wait3A_2043 = tpu.memref_slice %arg7[%add3A_1973, %dma_wait3A_2042] : memref<16384x128xf32, #tpu.memory_space<hbm>> -> memref<128x128xf32, #tpu.memory_space<hbm>>
    %dma_wait3A_2044 = arith.constant 0 : i32
    %dma_wait3A_2045 = arith.constant 0 : i32
    %dma_wait3A_2046 = tpu.memref_slice %arg13[%dma_wait3A_2035, %dma_wait3A_2044, %dma_wait3A_2045] : memref<2x128x128xf32, #tpu.memory_space<vmem>> -> memref<1x128x128xf32, #tpu.memory_space<vmem>>
    %dma_wait3A_2047 = tpu.memref_squeeze %dma_wait3A_2046 : memref<1x128x128xf32, #tpu.memory_space<vmem>> -> memref<128x128xf32, #tpu.memory_space<vmem>>
    tpu.wait_dma2 semaphore(%arg15 : memref<!tpu.dma_semaphore, #tpu.memory_space<semaphore_mem>>) src(%dma_wait3A_2047 : memref<128x128xf32, #tpu.memory_space<vmem>>) dst(%dma_wait3A_2043 : memref<128x128xf32, #tpu.memory_space<hbm>>)
    %dma_start3A_2048 = arith.constant 1 : i32
    %dma_start3A_2049 = arith.constant 0 : i32
    %dma_start3A_2050 = arith.constant 0 : i32
    %dma_start3A_2051 = tpu.memref_slice %arg13[%dma_start3A_2048, %dma_start3A_2049, %dma_start3A_2050] : memref<2x128x128xf32, #tpu.memory_space<vmem>> -> memref<1x128x128xf32, #tpu.memory_space<vmem>>
    %dma_start3A_2052 = tpu.memref_squeeze %dma_start3A_2051 : memref<1x128x128xf32, #tpu.memory_space<vmem>> -> memref<128x128xf32, #tpu.memory_space<vmem>>
    %dma_start3A_2053 = arith.constant 384 : i32
    %dma_start3A_2054 = tpu.memref_slice %arg10[%dma_start3A_2053] : memref<512xi32, #tpu.memory_space<vmem>> -> memref<128xi32, #tpu.memory_space<vmem>>
    %dma_start3A_2055 = arith.constant 0 : i32
    %dma_start3A_2056 = arith.constant 0 : i32
    %dma_start3A_2057 = tpu.memref_slice %arg5[%dma_start3A_2055, %dma_start3A_2056] : memref<253952x128xf32, #tpu.memory_space<hbm>> -> memref<253952x128xf32, #tpu.memory_space<hbm>>
    tpu.enqueue_indirect_dma source(%dma_start3A_2057 : memref<253952x128xf32, #tpu.memory_space<hbm>>) target(%dma_start3A_2052 : memref<128x128xf32, #tpu.memory_space<vmem>>) offsets(%dma_start3A_2054 : memref<128xi32, #tpu.memory_space<vmem>>) semaphore(%arg14 : memref<!tpu.dma_semaphore, #tpu.memory_space<semaphore_mem>>)
    %dma_wait3A_2058 = arith.constant 1 : i32
    %dma_wait3A_2059 = arith.constant 0 : i32
    %dma_wait3A_2060 = arith.constant 0 : i32
    %dma_wait3A_2061 = tpu.memref_slice %arg13[%dma_wait3A_2058, %dma_wait3A_2059, %dma_wait3A_2060] : memref<2x128x128xf32, #tpu.memory_space<vmem>> -> memref<1x128x128xf32, #tpu.memory_space<vmem>>
    %dma_wait3A_2062 = tpu.memref_squeeze %dma_wait3A_2061 : memref<1x128x128xf32, #tpu.memory_space<vmem>> -> memref<128x128xf32, #tpu.memory_space<vmem>>
    %dma_wait3A_2063 = arith.constant 384 : i32
    %dma_wait3A_2064 = tpu.memref_slice %arg10[%dma_wait3A_2063] : memref<512xi32, #tpu.memory_space<vmem>> -> memref<128xi32, #tpu.memory_space<vmem>>
    %dma_wait3A_2065 = arith.constant 0 : i32
    %dma_wait3A_2066 = arith.constant 0 : i32
    %dma_wait3A_2067 = tpu.memref_slice %arg5[%dma_wait3A_2065, %dma_wait3A_2066] : memref<253952x128xf32, #tpu.memory_space<hbm>> -> memref<253952x128xf32, #tpu.memory_space<hbm>>
    tpu.wait_indirect_dma semaphore(%arg14 : memref<!tpu.dma_semaphore, #tpu.memory_space<semaphore_mem>>) src(%dma_wait3A_2067 : memref<253952x128xf32, #tpu.memory_space<hbm>>) dst(%dma_wait3A_2062 : memref<128x128xf32, #tpu.memory_space<vmem>>)
    %add3A_2068 = arith.constant 384 : i32
    %add3A_2069 = arith.addi %mul3A_2, %add3A_2068 : i32
    %dma_start3A_2070 = arith.constant 1 : i32
    %dma_start3A_2071 = arith.constant 0 : i32
    %dma_start3A_2072 = arith.constant 0 : i32
    %dma_start3A_2073 = tpu.memref_slice %arg13[%dma_start3A_2070, %dma_start3A_2071, %dma_start3A_2072] : memref<2x128x128xf32, #tpu.memory_space<vmem>> -> memref<1x128x128xf32, #tpu.memory_space<vmem>>
    %dma_start3A_2074 = tpu.memref_squeeze %dma_start3A_2073 : memref<1x128x128xf32, #tpu.memory_space<vmem>> -> memref<128x128xf32, #tpu.memory_space<vmem>>
    %dma_start3A_2075 = arith.constant 0 : i32
    %dma_start3A_2076 = tpu.memref_slice %arg7[%add3A_2069, %dma_start3A_2075] : memref<16384x128xf32, #tpu.memory_space<hbm>> -> memref<128x128xf32, #tpu.memory_space<hbm>>
    %dma_start3A_2077 = arith.constant 0 : i32
    %dma_start3A_2078 = tpu.memref_slice %arg7[%add3A_2069, %dma_start3A_2077] : memref<16384x128xf32, #tpu.memory_space<hbm>> -> memref<128x128xf32, #tpu.memory_space<hbm>>
    %dma_start3A_2079 = arith.constant 0 : i32
    %dma_start3A_2080 = arith.constant 0 : i32
    %dma_start3A_2081 = tpu.memref_slice %arg13[%dma_start3A_2070, %dma_start3A_2079, %dma_start3A_2080] : memref<2x128x128xf32, #tpu.memory_space<vmem>> -> memref<1x128x128xf32, #tpu.memory_space<vmem>>
    %dma_start3A_2082 = tpu.memref_squeeze %dma_start3A_2081 : memref<1x128x128xf32, #tpu.memory_space<vmem>> -> memref<128x128xf32, #tpu.memory_space<vmem>>
    tpu.enqueue_dma source(%dma_start3A_2082 : memref<128x128xf32, #tpu.memory_space<vmem>>) target(%dma_start3A_2078 : memref<128x128xf32, #tpu.memory_space<hbm>>) target_semaphore(%arg15 : memref<!tpu.dma_semaphore, #tpu.memory_space<semaphore_mem>>)
    %dma_wait3A_2083 = arith.constant 0 : i32
    %dma_wait3A_2084 = arith.constant 0 : i32
    %dma_wait3A_2085 = arith.constant 0 : i32
    %dma_wait3A_2086 = tpu.memref_slice %arg13[%dma_wait3A_2083, %dma_wait3A_2084, %dma_wait3A_2085] : memref<2x128x128xf32, #tpu.memory_space<vmem>> -> memref<1x128x128xf32, #tpu.memory_space<vmem>>
    %dma_wait3A_2087 = tpu.memref_squeeze %dma_wait3A_2086 : memref<1x128x128xf32, #tpu.memory_space<vmem>> -> memref<128x128xf32, #tpu.memory_space<vmem>>
    %dma_wait3A_2088 = arith.constant 0 : i32
    %dma_wait3A_2089 = tpu.memref_slice %arg7[%add3A_2021, %dma_wait3A_2088] : memref<16384x128xf32, #tpu.memory_space<hbm>> -> memref<128x128xf32, #tpu.memory_space<hbm>>
    %dma_wait3A_2090 = arith.constant 0 : i32
    %dma_wait3A_2091 = tpu.memref_slice %arg7[%add3A_2021, %dma_wait3A_2090] : memref<16384x128xf32, #tpu.memory_space<hbm>> -> memref<128x128xf32, #tpu.memory_space<hbm>>
    %dma_wait3A_2092 = arith.constant 0 : i32
    %dma_wait3A_2093 = arith.constant 0 : i32
    %dma_wait3A_2094 = tpu.memref_slice %arg13[%dma_wait3A_2083, %dma_wait3A_2092, %dma_wait3A_2093] : memref<2x128x128xf32, #tpu.memory_space<vmem>> -> memref<1x128x128xf32, #tpu.memory_space<vmem>>
    %dma_wait3A_2095 = tpu.memref_squeeze %dma_wait3A_2094 : memref<1x128x128xf32, #tpu.memory_space<vmem>> -> memref<128x128xf32, #tpu.memory_space<vmem>>
    tpu.wait_dma2 semaphore(%arg15 : memref<!tpu.dma_semaphore, #tpu.memory_space<semaphore_mem>>) src(%dma_wait3A_2095 : memref<128x128xf32, #tpu.memory_space<vmem>>) dst(%dma_wait3A_2091 : memref<128x128xf32, #tpu.memory_space<hbm>>)
    %dma_start3A_2096 = arith.constant 0 : i32
    %dma_start3A_2097 = arith.constant 0 : i32
    %dma_start3A_2098 = arith.constant 0 : i32
    %dma_start3A_2099 = tpu.memref_slice %arg13[%dma_start3A_2096, %dma_start3A_2097, %dma_start3A_2098] : memref<2x128x128xf32, #tpu.memory_space<vmem>> -> memref<1x128x128xf32, #tpu.memory_space<vmem>>
    %dma_start3A_2100 = tpu.memref_squeeze %dma_start3A_2099 : memref<1x128x128xf32, #tpu.memory_space<vmem>> -> memref<128x128xf32, #tpu.memory_space<vmem>>
    %dma_start3A_2101 = arith.constant 0 : i32
    %dma_start3A_2102 = tpu.memref_slice %arg11[%dma_start3A_2101] : memref<512xi32, #tpu.memory_space<vmem>> -> memref<128xi32, #tpu.memory_space<vmem>>
    %dma_start3A_2103 = arith.constant 0 : i32
    %dma_start3A_2104 = arith.constant 0 : i32
    %dma_start3A_2105 = tpu.memref_slice %arg6[%dma_start3A_2103, %dma_start3A_2104] : memref<253952x128xf32, #tpu.memory_space<hbm>> -> memref<253952x128xf32, #tpu.memory_space<hbm>>
    tpu.enqueue_indirect_dma source(%dma_start3A_2105 : memref<253952x128xf32, #tpu.memory_space<hbm>>) target(%dma_start3A_2100 : memref<128x128xf32, #tpu.memory_space<vmem>>) offsets(%dma_start3A_2102 : memref<128xi32, #tpu.memory_space<vmem>>) semaphore(%arg14 : memref<!tpu.dma_semaphore, #tpu.memory_space<semaphore_mem>>)
    %dma_wait3A_2106 = arith.constant 0 : i32
    %dma_wait3A_2107 = arith.constant 0 : i32
    %dma_wait3A_2108 = arith.constant 0 : i32
    %dma_wait3A_2109 = tpu.memref_slice %arg13[%dma_wait3A_2106, %dma_wait3A_2107, %dma_wait3A_2108] : memref<2x128x128xf32, #tpu.memory_space<vmem>> -> memref<1x128x128xf32, #tpu.memory_space<vmem>>
    %dma_wait3A_2110 = tpu.memref_squeeze %dma_wait3A_2109 : memref<1x128x128xf32, #tpu.memory_space<vmem>> -> memref<128x128xf32, #tpu.memory_space<vmem>>
    %dma_wait3A_2111 = arith.constant 0 : i32
    %dma_wait3A_2112 = tpu.memref_slice %arg11[%dma_wait3A_2111] : memref<512xi32, #tpu.memory_space<vmem>> -> memref<128xi32, #tpu.memory_space<vmem>>
    %dma_wait3A_2113 = arith.constant 0 : i32
    %dma_wait3A_2114 = arith.constant 0 : i32
    %dma_wait3A_2115 = tpu.memref_slice %arg6[%dma_wait3A_2113, %dma_wait3A_2114] : memref<253952x128xf32, #tpu.memory_space<hbm>> -> memref<253952x128xf32, #tpu.memory_space<hbm>>
    tpu.wait_indirect_dma semaphore(%arg14 : memref<!tpu.dma_semaphore, #tpu.memory_space<semaphore_mem>>) src(%dma_wait3A_2115 : memref<253952x128xf32, #tpu.memory_space<hbm>>) dst(%dma_wait3A_2110 : memref<128x128xf32, #tpu.memory_space<vmem>>)
    %add3A_2116 = arith.constant 0 : i32
    %add3A_2117 = arith.addi %mul3A_2, %add3A_2116 : i32
    %dma_start3A_2118 = arith.constant 0 : i32
    %dma_start3A_2119 = arith.constant 0 : i32
    %dma_start3A_2120 = arith.constant 0 : i32
    %dma_start3A_2121 = tpu.memref_slice %arg13[%dma_start3A_2118, %dma_start3A_2119, %dma_start3A_2120] : memref<2x128x128xf32, #tpu.memory_space<vmem>> -> memref<1x128x128xf32, #tpu.memory_space<vmem>>
    %dma_start3A_2122 = tpu.memref_squeeze %dma_start3A_2121 : memref<1x128x128xf32, #tpu.memory_space<vmem>> -> memref<128x128xf32, #tpu.memory_space<vmem>>
    %dma_start3A_2123 = arith.constant 0 : i32
    %dma_start3A_2124 = tpu.memref_slice %arg8[%add3A_2117, %dma_start3A_2123] : memref<16384x128xf32, #tpu.memory_space<hbm>> -> memref<128x128xf32, #tpu.memory_space<hbm>>
    %dma_start3A_2125 = arith.constant 0 : i32
    %dma_start3A_2126 = tpu.memref_slice %arg8[%add3A_2117, %dma_start3A_2125] : memref<16384x128xf32, #tpu.memory_space<hbm>> -> memref<128x128xf32, #tpu.memory_space<hbm>>
    %dma_start3A_2127 = arith.constant 0 : i32
    %dma_start3A_2128 = arith.constant 0 : i32
    %dma_start3A_2129 = tpu.memref_slice %arg13[%dma_start3A_2118, %dma_start3A_2127, %dma_start3A_2128] : memref<2x128x128xf32, #tpu.memory_space<vmem>> -> memref<1x128x128xf32, #tpu.memory_space<vmem>>
    %dma_start3A_2130 = tpu.memref_squeeze %dma_start3A_2129 : memref<1x128x128xf32, #tpu.memory_space<vmem>> -> memref<128x128xf32, #tpu.memory_space<vmem>>
    tpu.enqueue_dma source(%dma_start3A_2130 : memref<128x128xf32, #tpu.memory_space<vmem>>) target(%dma_start3A_2126 : memref<128x128xf32, #tpu.memory_space<hbm>>) target_semaphore(%arg15 : memref<!tpu.dma_semaphore, #tpu.memory_space<semaphore_mem>>)
    %dma_wait3A_2131 = arith.constant 1 : i32
    %dma_wait3A_2132 = arith.constant 0 : i32
    %dma_wait3A_2133 = arith.constant 0 : i32
    %dma_wait3A_2134 = tpu.memref_slice %arg13[%dma_wait3A_2131, %dma_wait3A_2132, %dma_wait3A_2133] : memref<2x128x128xf32, #tpu.memory_space<vmem>> -> memref<1x128x128xf32, #tpu.memory_space<vmem>>
    %dma_wait3A_2135 = tpu.memref_squeeze %dma_wait3A_2134 : memref<1x128x128xf32, #tpu.memory_space<vmem>> -> memref<128x128xf32, #tpu.memory_space<vmem>>
    %dma_wait3A_2136 = arith.constant 0 : i32
    %dma_wait3A_2137 = tpu.memref_slice %arg7[%add3A_2069, %dma_wait3A_2136] : memref<16384x128xf32, #tpu.memory_space<hbm>> -> memref<128x128xf32, #tpu.memory_space<hbm>>
    %dma_wait3A_2138 = arith.constant 0 : i32
    %dma_wait3A_2139 = tpu.memref_slice %arg7[%add3A_2069, %dma_wait3A_2138] : memref<16384x128xf32, #tpu.memory_space<hbm>> -> memref<128x128xf32, #tpu.memory_space<hbm>>
    %dma_wait3A_2140 = arith.constant 0 : i32
    %dma_wait3A_2141 = arith.constant 0 : i32
    %dma_wait3A_2142 = tpu.memref_slice %arg13[%dma_wait3A_2131, %dma_wait3A_2140, %dma_wait3A_2141] : memref<2x128x128xf32, #tpu.memory_space<vmem>> -> memref<1x128x128xf32, #tpu.memory_space<vmem>>
    %dma_wait3A_2143 = tpu.memref_squeeze %dma_wait3A_2142 : memref<1x128x128xf32, #tpu.memory_space<vmem>> -> memref<128x128xf32, #tpu.memory_space<vmem>>
    tpu.wait_dma2 semaphore(%arg15 : memref<!tpu.dma_semaphore, #tpu.memory_space<semaphore_mem>>) src(%dma_wait3A_2143 : memref<128x128xf32, #tpu.memory_space<vmem>>) dst(%dma_wait3A_2139 : memref<128x128xf32, #tpu.memory_space<hbm>>)
    %dma_start3A_2144 = arith.constant 1 : i32
    %dma_start3A_2145 = arith.constant 0 : i32
    %dma_start3A_2146 = arith.constant 0 : i32
    %dma_start3A_2147 = tpu.memref_slice %arg13[%dma_start3A_2144, %dma_start3A_2145, %dma_start3A_2146] : memref<2x128x128xf32, #tpu.memory_space<vmem>> -> memref<1x128x128xf32, #tpu.memory_space<vmem>>
    %dma_start3A_2148 = tpu.memref_squeeze %dma_start3A_2147 : memref<1x128x128xf32, #tpu.memory_space<vmem>> -> memref<128x128xf32, #tpu.memory_space<vmem>>
    %dma_start3A_2149 = arith.constant 128 : i32
    %dma_start3A_2150 = tpu.memref_slice %arg11[%dma_start3A_2149] : memref<512xi32, #tpu.memory_space<vmem>> -> memref<128xi32, #tpu.memory_space<vmem>>
    %dma_start3A_2151 = arith.constant 0 : i32
    %dma_start3A_2152 = arith.constant 0 : i32
    %dma_start3A_2153 = tpu.memref_slice %arg6[%dma_start3A_2151, %dma_start3A_2152] : memref<253952x128xf32, #tpu.memory_space<hbm>> -> memref<253952x128xf32, #tpu.memory_space<hbm>>
    tpu.enqueue_indirect_dma source(%dma_start3A_2153 : memref<253952x128xf32, #tpu.memory_space<hbm>>) target(%dma_start3A_2148 : memref<128x128xf32, #tpu.memory_space<vmem>>) offsets(%dma_start3A_2150 : memref<128xi32, #tpu.memory_space<vmem>>) semaphore(%arg14 : memref<!tpu.dma_semaphore, #tpu.memory_space<semaphore_mem>>)
    %dma_wait3A_2154 = arith.constant 1 : i32
    %dma_wait3A_2155 = arith.constant 0 : i32
    %dma_wait3A_2156 = arith.constant 0 : i32
    %dma_wait3A_2157 = tpu.memref_slice %arg13[%dma_wait3A_2154, %dma_wait3A_2155, %dma_wait3A_2156] : memref<2x128x128xf32, #tpu.memory_space<vmem>> -> memref<1x128x128xf32, #tpu.memory_space<vmem>>
    %dma_wait3A_2158 = tpu.memref_squeeze %dma_wait3A_2157 : memref<1x128x128xf32, #tpu.memory_space<vmem>> -> memref<128x128xf32, #tpu.memory_space<vmem>>
    %dma_wait3A_2159 = arith.constant 128 : i32
    %dma_wait3A_2160 = tpu.memref_slice %arg11[%dma_wait3A_2159] : memref<512xi32, #tpu.memory_space<vmem>> -> memref<128xi32, #tpu.memory_space<vmem>>
    %dma_wait3A_2161 = arith.constant 0 : i32
    %dma_wait3A_2162 = arith.constant 0 : i32
    %dma_wait3A_2163 = tpu.memref_slice %arg6[%dma_wait3A_2161, %dma_wait3A_2162] : memref<253952x128xf32, #tpu.memory_space<hbm>> -> memref<253952x128xf32, #tpu.memory_space<hbm>>
    tpu.wait_indirect_dma semaphore(%arg14 : memref<!tpu.dma_semaphore, #tpu.memory_space<semaphore_mem>>) src(%dma_wait3A_2163 : memref<253952x128xf32, #tpu.memory_space<hbm>>) dst(%dma_wait3A_2158 : memref<128x128xf32, #tpu.memory_space<vmem>>)
    %add3A_2164 = arith.constant 128 : i32
    %add3A_2165 = arith.addi %mul3A_2, %add3A_2164 : i32
    %dma_start3A_2166 = arith.constant 1 : i32
    %dma_start3A_2167 = arith.constant 0 : i32
    %dma_start3A_2168 = arith.constant 0 : i32
    %dma_start3A_2169 = tpu.memref_slice %arg13[%dma_start3A_2166, %dma_start3A_2167, %dma_start3A_2168] : memref<2x128x128xf32, #tpu.memory_space<vmem>> -> memref<1x128x128xf32, #tpu.memory_space<vmem>>
    %dma_start3A_2170 = tpu.memref_squeeze %dma_start3A_2169 : memref<1x128x128xf32, #tpu.memory_space<vmem>> -> memref<128x128xf32, #tpu.memory_space<vmem>>
    %dma_start3A_2171 = arith.constant 0 : i32
    %dma_start3A_2172 = tpu.memref_slice %arg8[%add3A_2165, %dma_start3A_2171] : memref<16384x128xf32, #tpu.memory_space<hbm>> -> memref<128x128xf32, #tpu.memory_space<hbm>>
    %dma_start3A_2173 = arith.constant 0 : i32
    %dma_start3A_2174 = tpu.memref_slice %arg8[%add3A_2165, %dma_start3A_2173] : memref<16384x128xf32, #tpu.memory_space<hbm>> -> memref<128x128xf32, #tpu.memory_space<hbm>>
    %dma_start3A_2175 = arith.constant 0 : i32
    %dma_start3A_2176 = arith.constant 0 : i32
    %dma_start3A_2177 = tpu.memref_slice %arg13[%dma_start3A_2166, %dma_start3A_2175, %dma_start3A_2176] : memref<2x128x128xf32, #tpu.memory_space<vmem>> -> memref<1x128x128xf32, #tpu.memory_space<vmem>>
    %dma_start3A_2178 = tpu.memref_squeeze %dma_start3A_2177 : memref<1x128x128xf32, #tpu.memory_space<vmem>> -> memref<128x128xf32, #tpu.memory_space<vmem>>
    tpu.enqueue_dma source(%dma_start3A_2178 : memref<128x128xf32, #tpu.memory_space<vmem>>) target(%dma_start3A_2174 : memref<128x128xf32, #tpu.memory_space<hbm>>) target_semaphore(%arg15 : memref<!tpu.dma_semaphore, #tpu.memory_space<semaphore_mem>>)
    %dma_wait3A_2179 = arith.constant 0 : i32
    %dma_wait3A_2180 = arith.constant 0 : i32
    %dma_wait3A_2181 = arith.constant 0 : i32
    %dma_wait3A_2182 = tpu.memref_slice %arg13[%dma_wait3A_2179, %dma_wait3A_2180, %dma_wait3A_2181] : memref<2x128x128xf32, #tpu.memory_space<vmem>> -> memref<1x128x128xf32, #tpu.memory_space<vmem>>
    %dma_wait3A_2183 = tpu.memref_squeeze %dma_wait3A_2182 : memref<1x128x128xf32, #tpu.memory_space<vmem>> -> memref<128x128xf32, #tpu.memory_space<vmem>>
    %dma_wait3A_2184 = arith.constant 0 : i32
    %dma_wait3A_2185 = tpu.memref_slice %arg8[%add3A_2117, %dma_wait3A_2184] : memref<16384x128xf32, #tpu.memory_space<hbm>> -> memref<128x128xf32, #tpu.memory_space<hbm>>
    %dma_wait3A_2186 = arith.constant 0 : i32
    %dma_wait3A_2187 = tpu.memref_slice %arg8[%add3A_2117, %dma_wait3A_2186] : memref<16384x128xf32, #tpu.memory_space<hbm>> -> memref<128x128xf32, #tpu.memory_space<hbm>>
    %dma_wait3A_2188 = arith.constant 0 : i32
    %dma_wait3A_2189 = arith.constant 0 : i32
    %dma_wait3A_2190 = tpu.memref_slice %arg13[%dma_wait3A_2179, %dma_wait3A_2188, %dma_wait3A_2189] : memref<2x128x128xf32, #tpu.memory_space<vmem>> -> memref<1x128x128xf32, #tpu.memory_space<vmem>>
    %dma_wait3A_2191 = tpu.memref_squeeze %dma_wait3A_2190 : memref<1x128x128xf32, #tpu.memory_space<vmem>> -> memref<128x128xf32, #tpu.memory_space<vmem>>
    tpu.wait_dma2 semaphore(%arg15 : memref<!tpu.dma_semaphore, #tpu.memory_space<semaphore_mem>>) src(%dma_wait3A_2191 : memref<128x128xf32, #tpu.memory_space<vmem>>) dst(%dma_wait3A_2187 : memref<128x128xf32, #tpu.memory_space<hbm>>)
    %dma_start3A_2192 = arith.constant 0 : i32
    %dma_start3A_2193 = arith.constant 0 : i32
    %dma_start3A_2194 = arith.constant 0 : i32
    %dma_start3A_2195 = tpu.memref_slice %arg13[%dma_start3A_2192, %dma_start3A_2193, %dma_start3A_2194] : memref<2x128x128xf32, #tpu.memory_space<vmem>> -> memref<1x128x128xf32, #tpu.memory_space<vmem>>
    %dma_start3A_2196 = tpu.memref_squeeze %dma_start3A_2195 : memref<1x128x128xf32, #tpu.memory_space<vmem>> -> memref<128x128xf32, #tpu.memory_space<vmem>>
    %dma_start3A_2197 = arith.constant 256 : i32
    %dma_start3A_2198 = tpu.memref_slice %arg11[%dma_start3A_2197] : memref<512xi32, #tpu.memory_space<vmem>> -> memref<128xi32, #tpu.memory_space<vmem>>
    %dma_start3A_2199 = arith.constant 0 : i32
    %dma_start3A_2200 = arith.constant 0 : i32
    %dma_start3A_2201 = tpu.memref_slice %arg6[%dma_start3A_2199, %dma_start3A_2200] : memref<253952x128xf32, #tpu.memory_space<hbm>> -> memref<253952x128xf32, #tpu.memory_space<hbm>>
    tpu.enqueue_indirect_dma source(%dma_start3A_2201 : memref<253952x128xf32, #tpu.memory_space<hbm>>) target(%dma_start3A_2196 : memref<128x128xf32, #tpu.memory_space<vmem>>) offsets(%dma_start3A_2198 : memref<128xi32, #tpu.memory_space<vmem>>) semaphore(%arg14 : memref<!tpu.dma_semaphore, #tpu.memory_space<semaphore_mem>>)
    %dma_wait3A_2202 = arith.constant 0 : i32
    %dma_wait3A_2203 = arith.constant 0 : i32
    %dma_wait3A_2204 = arith.constant 0 : i32
    %dma_wait3A_2205 = tpu.memref_slice %arg13[%dma_wait3A_2202, %dma_wait3A_2203, %dma_wait3A_2204] : memref<2x128x128xf32, #tpu.memory_space<vmem>> -> memref<1x128x128xf32, #tpu.memory_space<vmem>>
    %dma_wait3A_2206 = tpu.memref_squeeze %dma_wait3A_2205 : memref<1x128x128xf32, #tpu.memory_space<vmem>> -> memref<128x128xf32, #tpu.memory_space<vmem>>
    %dma_wait3A_2207 = arith.constant 256 : i32
    %dma_wait3A_2208 = tpu.memref_slice %arg11[%dma_wait3A_2207] : memref<512xi32, #tpu.memory_space<vmem>> -> memref<128xi32, #tpu.memory_space<vmem>>
    %dma_wait3A_2209 = arith.constant 0 : i32
    %dma_wait3A_2210 = arith.constant 0 : i32
    %dma_wait3A_2211 = tpu.memref_slice %arg6[%dma_wait3A_2209, %dma_wait3A_2210] : memref<253952x128xf32, #tpu.memory_space<hbm>> -> memref<253952x128xf32, #tpu.memory_space<hbm>>
    tpu.wait_indirect_dma semaphore(%arg14 : memref<!tpu.dma_semaphore, #tpu.memory_space<semaphore_mem>>) src(%dma_wait3A_2211 : memref<253952x128xf32, #tpu.memory_space<hbm>>) dst(%dma_wait3A_2206 : memref<128x128xf32, #tpu.memory_space<vmem>>)
    %add3A_2212 = arith.constant 256 : i32
    %add3A_2213 = arith.addi %mul3A_2, %add3A_2212 : i32
    %dma_start3A_2214 = arith.constant 0 : i32
    %dma_start3A_2215 = arith.constant 0 : i32
    %dma_start3A_2216 = arith.constant 0 : i32
    %dma_start3A_2217 = tpu.memref_slice %arg13[%dma_start3A_2214, %dma_start3A_2215, %dma_start3A_2216] : memref<2x128x128xf32, #tpu.memory_space<vmem>> -> memref<1x128x128xf32, #tpu.memory_space<vmem>>
    %dma_start3A_2218 = tpu.memref_squeeze %dma_start3A_2217 : memref<1x128x128xf32, #tpu.memory_space<vmem>> -> memref<128x128xf32, #tpu.memory_space<vmem>>
    %dma_start3A_2219 = arith.constant 0 : i32
    %dma_start3A_2220 = tpu.memref_slice %arg8[%add3A_2213, %dma_start3A_2219] : memref<16384x128xf32, #tpu.memory_space<hbm>> -> memref<128x128xf32, #tpu.memory_space<hbm>>
    %dma_start3A_2221 = arith.constant 0 : i32
    %dma_start3A_2222 = tpu.memref_slice %arg8[%add3A_2213, %dma_start3A_2221] : memref<16384x128xf32, #tpu.memory_space<hbm>> -> memref<128x128xf32, #tpu.memory_space<hbm>>
    %dma_start3A_2223 = arith.constant 0 : i32
    %dma_start3A_2224 = arith.constant 0 : i32
    %dma_start3A_2225 = tpu.memref_slice %arg13[%dma_start3A_2214, %dma_start3A_2223, %dma_start3A_2224] : memref<2x128x128xf32, #tpu.memory_space<vmem>> -> memref<1x128x128xf32, #tpu.memory_space<vmem>>
    %dma_start3A_2226 = tpu.memref_squeeze %dma_start3A_2225 : memref<1x128x128xf32, #tpu.memory_space<vmem>> -> memref<128x128xf32, #tpu.memory_space<vmem>>
    tpu.enqueue_dma source(%dma_start3A_2226 : memref<128x128xf32, #tpu.memory_space<vmem>>) target(%dma_start3A_2222 : memref<128x128xf32, #tpu.memory_space<hbm>>) target_semaphore(%arg15 : memref<!tpu.dma_semaphore, #tpu.memory_space<semaphore_mem>>)
    %dma_wait3A_2227 = arith.constant 1 : i32
    %dma_wait3A_2228 = arith.constant 0 : i32
    %dma_wait3A_2229 = arith.constant 0 : i32
    %dma_wait3A_2230 = tpu.memref_slice %arg13[%dma_wait3A_2227, %dma_wait3A_2228, %dma_wait3A_2229] : memref<2x128x128xf32, #tpu.memory_space<vmem>> -> memref<1x128x128xf32, #tpu.memory_space<vmem>>
    %dma_wait3A_2231 = tpu.memref_squeeze %dma_wait3A_2230 : memref<1x128x128xf32, #tpu.memory_space<vmem>> -> memref<128x128xf32, #tpu.memory_space<vmem>>
    %dma_wait3A_2232 = arith.constant 0 : i32
    %dma_wait3A_2233 = tpu.memref_slice %arg8[%add3A_2165, %dma_wait3A_2232] : memref<16384x128xf32, #tpu.memory_space<hbm>> -> memref<128x128xf32, #tpu.memory_space<hbm>>
    %dma_wait3A_2234 = arith.constant 0 : i32
    %dma_wait3A_2235 = tpu.memref_slice %arg8[%add3A_2165, %dma_wait3A_2234] : memref<16384x128xf32, #tpu.memory_space<hbm>> -> memref<128x128xf32, #tpu.memory_space<hbm>>
    %dma_wait3A_2236 = arith.constant 0 : i32
    %dma_wait3A_2237 = arith.constant 0 : i32
    %dma_wait3A_2238 = tpu.memref_slice %arg13[%dma_wait3A_2227, %dma_wait3A_2236, %dma_wait3A_2237] : memref<2x128x128xf32, #tpu.memory_space<vmem>> -> memref<1x128x128xf32, #tpu.memory_space<vmem>>
    %dma_wait3A_2239 = tpu.memref_squeeze %dma_wait3A_2238 : memref<1x128x128xf32, #tpu.memory_space<vmem>> -> memref<128x128xf32, #tpu.memory_space<vmem>>
    tpu.wait_dma2 semaphore(%arg15 : memref<!tpu.dma_semaphore, #tpu.memory_space<semaphore_mem>>) src(%dma_wait3A_2239 : memref<128x128xf32, #tpu.memory_space<vmem>>) dst(%dma_wait3A_2235 : memref<128x128xf32, #tpu.memory_space<hbm>>)
    %dma_start3A_2240 = arith.constant 1 : i32
    %dma_start3A_2241 = arith.constant 0 : i32
    %dma_start3A_2242 = arith.constant 0 : i32
    %dma_start3A_2243 = tpu.memref_slice %arg13[%dma_start3A_2240, %dma_start3A_2241, %dma_start3A_2242] : memref<2x128x128xf32, #tpu.memory_space<vmem>> -> memref<1x128x128xf32, #tpu.memory_space<vmem>>
    %dma_start3A_2244 = tpu.memref_squeeze %dma_start3A_2243 : memref<1x128x128xf32, #tpu.memory_space<vmem>> -> memref<128x128xf32, #tpu.memory_space<vmem>>
    %dma_start3A_2245 = arith.constant 384 : i32
    %dma_start3A_2246 = tpu.memref_slice %arg11[%dma_start3A_2245] : memref<512xi32, #tpu.memory_space<vmem>> -> memref<128xi32, #tpu.memory_space<vmem>>
    %dma_start3A_2247 = arith.constant 0 : i32
    %dma_start3A_2248 = arith.constant 0 : i32
    %dma_start3A_2249 = tpu.memref_slice %arg6[%dma_start3A_2247, %dma_start3A_2248] : memref<253952x128xf32, #tpu.memory_space<hbm>> -> memref<253952x128xf32, #tpu.memory_space<hbm>>
    tpu.enqueue_indirect_dma source(%dma_start3A_2249 : memref<253952x128xf32, #tpu.memory_space<hbm>>) target(%dma_start3A_2244 : memref<128x128xf32, #tpu.memory_space<vmem>>) offsets(%dma_start3A_2246 : memref<128xi32, #tpu.memory_space<vmem>>) semaphore(%arg14 : memref<!tpu.dma_semaphore, #tpu.memory_space<semaphore_mem>>)
    %dma_wait3A_2250 = arith.constant 1 : i32
    %dma_wait3A_2251 = arith.constant 0 : i32
    %dma_wait3A_2252 = arith.constant 0 : i32
    %dma_wait3A_2253 = tpu.memref_slice %arg13[%dma_wait3A_2250, %dma_wait3A_2251, %dma_wait3A_2252] : memref<2x128x128xf32, #tpu.memory_space<vmem>> -> memref<1x128x128xf32, #tpu.memory_space<vmem>>
    %dma_wait3A_2254 = tpu.memref_squeeze %dma_wait3A_2253 : memref<1x128x128xf32, #tpu.memory_space<vmem>> -> memref<128x128xf32, #tpu.memory_space<vmem>>
    %dma_wait3A_2255 = arith.constant 384 : i32
    %dma_wait3A_2256 = tpu.memref_slice %arg11[%dma_wait3A_2255] : memref<512xi32, #tpu.memory_space<vmem>> -> memref<128xi32, #tpu.memory_space<vmem>>
    %dma_wait3A_2257 = arith.constant 0 : i32
    %dma_wait3A_2258 = arith.constant 0 : i32
    %dma_wait3A_2259 = tpu.memref_slice %arg6[%dma_wait3A_2257, %dma_wait3A_2258] : memref<253952x128xf32, #tpu.memory_space<hbm>> -> memref<253952x128xf32, #tpu.memory_space<hbm>>
    tpu.wait_indirect_dma semaphore(%arg14 : memref<!tpu.dma_semaphore, #tpu.memory_space<semaphore_mem>>) src(%dma_wait3A_2259 : memref<253952x128xf32, #tpu.memory_space<hbm>>) dst(%dma_wait3A_2254 : memref<128x128xf32, #tpu.memory_space<vmem>>)
    %add3A_2260 = arith.constant 384 : i32
    %add3A_2261 = arith.addi %mul3A_2, %add3A_2260 : i32
    %dma_start3A_2262 = arith.constant 1 : i32
    %dma_start3A_2263 = arith.constant 0 : i32
    %dma_start3A_2264 = arith.constant 0 : i32
    %dma_start3A_2265 = tpu.memref_slice %arg13[%dma_start3A_2262, %dma_start3A_2263, %dma_start3A_2264] : memref<2x128x128xf32, #tpu.memory_space<vmem>> -> memref<1x128x128xf32, #tpu.memory_space<vmem>>
    %dma_start3A_2266 = tpu.memref_squeeze %dma_start3A_2265 : memref<1x128x128xf32, #tpu.memory_space<vmem>> -> memref<128x128xf32, #tpu.memory_space<vmem>>
    %dma_start3A_2267 = arith.constant 0 : i32
    %dma_start3A_2268 = tpu.memref_slice %arg8[%add3A_2261, %dma_start3A_2267] : memref<16384x128xf32, #tpu.memory_space<hbm>> -> memref<128x128xf32, #tpu.memory_space<hbm>>
    %dma_start3A_2269 = arith.constant 0 : i32
    %dma_start3A_2270 = tpu.memref_slice %arg8[%add3A_2261, %dma_start3A_2269] : memref<16384x128xf32, #tpu.memory_space<hbm>> -> memref<128x128xf32, #tpu.memory_space<hbm>>
    %dma_start3A_2271 = arith.constant 0 : i32
    %dma_start3A_2272 = arith.constant 0 : i32
    %dma_start3A_2273 = tpu.memref_slice %arg13[%dma_start3A_2262, %dma_start3A_2271, %dma_start3A_2272] : memref<2x128x128xf32, #tpu.memory_space<vmem>> -> memref<1x128x128xf32, #tpu.memory_space<vmem>>
    %dma_start3A_2274 = tpu.memref_squeeze %dma_start3A_2273 : memref<1x128x128xf32, #tpu.memory_space<vmem>> -> memref<128x128xf32, #tpu.memory_space<vmem>>
    tpu.enqueue_dma source(%dma_start3A_2274 : memref<128x128xf32, #tpu.memory_space<vmem>>) target(%dma_start3A_2270 : memref<128x128xf32, #tpu.memory_space<hbm>>) target_semaphore(%arg15 : memref<!tpu.dma_semaphore, #tpu.memory_space<semaphore_mem>>)
    %dma_wait3A_2275 = arith.constant 0 : i32
    %dma_wait3A_2276 = arith.constant 0 : i32
    %dma_wait3A_2277 = arith.constant 0 : i32
    %dma_wait3A_2278 = tpu.memref_slice %arg13[%dma_wait3A_2275, %dma_wait3A_2276, %dma_wait3A_2277] : memref<2x128x128xf32, #tpu.memory_space<vmem>> -> memref<1x128x128xf32, #tpu.memory_space<vmem>>
    %dma_wait3A_2279 = tpu.memref_squeeze %dma_wait3A_2278 : memref<1x128x128xf32, #tpu.memory_space<vmem>> -> memref<128x128xf32, #tpu.memory_space<vmem>>
    %dma_wait3A_2280 = arith.constant 0 : i32
    %dma_wait3A_2281 = tpu.memref_slice %arg8[%add3A_2213, %dma_wait3A_2280] : memref<16384x128xf32, #tpu.memory_space<hbm>> -> memref<128x128xf32, #tpu.memory_space<hbm>>
    %dma_wait3A_2282 = arith.constant 0 : i32
    %dma_wait3A_2283 = tpu.memref_slice %arg8[%add3A_2213, %dma_wait3A_2282] : memref<16384x128xf32, #tpu.memory_space<hbm>> -> memref<128x128xf32, #tpu.memory_space<hbm>>
    %dma_wait3A_2284 = arith.constant 0 : i32
    %dma_wait3A_2285 = arith.constant 0 : i32
    %dma_wait3A_2286 = tpu.memref_slice %arg13[%dma_wait3A_2275, %dma_wait3A_2284, %dma_wait3A_2285] : memref<2x128x128xf32, #tpu.memory_space<vmem>> -> memref<1x128x128xf32, #tpu.memory_space<vmem>>
    %dma_wait3A_2287 = tpu.memref_squeeze %dma_wait3A_2286 : memref<1x128x128xf32, #tpu.memory_space<vmem>> -> memref<128x128xf32, #tpu.memory_space<vmem>>
    tpu.wait_dma2 semaphore(%arg15 : memref<!tpu.dma_semaphore, #tpu.memory_space<semaphore_mem>>) src(%dma_wait3A_2287 : memref<128x128xf32, #tpu.memory_space<vmem>>) dst(%dma_wait3A_2283 : memref<128x128xf32, #tpu.memory_space<hbm>>)
    %dma_start3A_2288 = arith.constant 0 : i32
    %dma_start3A_2289 = arith.constant 0 : i32
    %dma_start3A_2290 = arith.constant 0 : i32
    %dma_start3A_2291 = tpu.memref_slice %arg13[%dma_start3A_2288, %dma_start3A_2289, %dma_start3A_2290] : memref<2x128x128xf32, #tpu.memory_space<vmem>> -> memref<1x128x128xf32, #tpu.memory_space<vmem>>
    %dma_start3A_2292 = tpu.memref_squeeze %dma_start3A_2291 : memref<1x128x128xf32, #tpu.memory_space<vmem>> -> memref<128x128xf32, #tpu.memory_space<vmem>>
    %dma_start3A_2293 = arith.constant 0 : i32
    %dma_start3A_2294 = tpu.memref_slice %arg12[%dma_start3A_2293] : memref<512xi32, #tpu.memory_space<vmem>> -> memref<128xi32, #tpu.memory_space<vmem>>
    %dma_start3A_2295 = arith.constant 0 : i32
    %dma_start3A_2296 = arith.constant 0 : i32
    %dma_start3A_2297 = tpu.memref_slice %arg5[%dma_start3A_2295, %dma_start3A_2296] : memref<253952x128xf32, #tpu.memory_space<hbm>> -> memref<253952x128xf32, #tpu.memory_space<hbm>>
    tpu.enqueue_indirect_dma source(%dma_start3A_2297 : memref<253952x128xf32, #tpu.memory_space<hbm>>) target(%dma_start3A_2292 : memref<128x128xf32, #tpu.memory_space<vmem>>) offsets(%dma_start3A_2294 : memref<128xi32, #tpu.memory_space<vmem>>) semaphore(%arg14 : memref<!tpu.dma_semaphore, #tpu.memory_space<semaphore_mem>>)
    %dma_wait3A_2298 = arith.constant 0 : i32
    %dma_wait3A_2299 = arith.constant 0 : i32
    %dma_wait3A_2300 = arith.constant 0 : i32
    %dma_wait3A_2301 = tpu.memref_slice %arg13[%dma_wait3A_2298, %dma_wait3A_2299, %dma_wait3A_2300] : memref<2x128x128xf32, #tpu.memory_space<vmem>> -> memref<1x128x128xf32, #tpu.memory_space<vmem>>
    %dma_wait3A_2302 = tpu.memref_squeeze %dma_wait3A_2301 : memref<1x128x128xf32, #tpu.memory_space<vmem>> -> memref<128x128xf32, #tpu.memory_space<vmem>>
    %dma_wait3A_2303 = arith.constant 0 : i32
    %dma_wait3A_2304 = tpu.memref_slice %arg12[%dma_wait3A_2303] : memref<512xi32, #tpu.memory_space<vmem>> -> memref<128xi32, #tpu.memory_space<vmem>>
    %dma_wait3A_2305 = arith.constant 0 : i32
    %dma_wait3A_2306 = arith.constant 0 : i32
    %dma_wait3A_2307 = tpu.memref_slice %arg5[%dma_wait3A_2305, %dma_wait3A_2306] : memref<253952x128xf32, #tpu.memory_space<hbm>> -> memref<253952x128xf32, #tpu.memory_space<hbm>>
    tpu.wait_indirect_dma semaphore(%arg14 : memref<!tpu.dma_semaphore, #tpu.memory_space<semaphore_mem>>) src(%dma_wait3A_2307 : memref<253952x128xf32, #tpu.memory_space<hbm>>) dst(%dma_wait3A_2302 : memref<128x128xf32, #tpu.memory_space<vmem>>)
    %add3A_2308 = arith.constant 0 : i32
    %add3A_2309 = arith.addi %mul3A_2, %add3A_2308 : i32
    %dma_start3A_2310 = arith.constant 0 : i32
    %dma_start3A_2311 = arith.constant 0 : i32
    %dma_start3A_2312 = arith.constant 0 : i32
    %dma_start3A_2313 = tpu.memref_slice %arg13[%dma_start3A_2310, %dma_start3A_2311, %dma_start3A_2312] : memref<2x128x128xf32, #tpu.memory_space<vmem>> -> memref<1x128x128xf32, #tpu.memory_space<vmem>>
    %dma_start3A_2314 = tpu.memref_squeeze %dma_start3A_2313 : memref<1x128x128xf32, #tpu.memory_space<vmem>> -> memref<128x128xf32, #tpu.memory_space<vmem>>
    %dma_start3A_2315 = arith.constant 0 : i32
    %dma_start3A_2316 = tpu.memref_slice %arg9[%add3A_2309, %dma_start3A_2315] : memref<16384x128xf32, #tpu.memory_space<hbm>> -> memref<128x128xf32, #tpu.memory_space<hbm>>
    %dma_start3A_2317 = arith.constant 0 : i32
    %dma_start3A_2318 = tpu.memref_slice %arg9[%add3A_2309, %dma_start3A_2317] : memref<16384x128xf32, #tpu.memory_space<hbm>> -> memref<128x128xf32, #tpu.memory_space<hbm>>
    %dma_start3A_2319 = arith.constant 0 : i32
    %dma_start3A_2320 = arith.constant 0 : i32
    %dma_start3A_2321 = tpu.memref_slice %arg13[%dma_start3A_2310, %dma_start3A_2319, %dma_start3A_2320] : memref<2x128x128xf32, #tpu.memory_space<vmem>> -> memref<1x128x128xf32, #tpu.memory_space<vmem>>
    %dma_start3A_2322 = tpu.memref_squeeze %dma_start3A_2321 : memref<1x128x128xf32, #tpu.memory_space<vmem>> -> memref<128x128xf32, #tpu.memory_space<vmem>>
    tpu.enqueue_dma source(%dma_start3A_2322 : memref<128x128xf32, #tpu.memory_space<vmem>>) target(%dma_start3A_2318 : memref<128x128xf32, #tpu.memory_space<hbm>>) target_semaphore(%arg15 : memref<!tpu.dma_semaphore, #tpu.memory_space<semaphore_mem>>)
    %dma_wait3A_2323 = arith.constant 1 : i32
    %dma_wait3A_2324 = arith.constant 0 : i32
    %dma_wait3A_2325 = arith.constant 0 : i32
    %dma_wait3A_2326 = tpu.memref_slice %arg13[%dma_wait3A_2323, %dma_wait3A_2324, %dma_wait3A_2325] : memref<2x128x128xf32, #tpu.memory_space<vmem>> -> memref<1x128x128xf32, #tpu.memory_space<vmem>>
    %dma_wait3A_2327 = tpu.memref_squeeze %dma_wait3A_2326 : memref<1x128x128xf32, #tpu.memory_space<vmem>> -> memref<128x128xf32, #tpu.memory_space<vmem>>
    %dma_wait3A_2328 = arith.constant 0 : i32
    %dma_wait3A_2329 = tpu.memref_slice %arg8[%add3A_2261, %dma_wait3A_2328] : memref<16384x128xf32, #tpu.memory_space<hbm>> -> memref<128x128xf32, #tpu.memory_space<hbm>>
    %dma_wait3A_2330 = arith.constant 0 : i32
    %dma_wait3A_2331 = tpu.memref_slice %arg8[%add3A_2261, %dma_wait3A_2330] : memref<16384x128xf32, #tpu.memory_space<hbm>> -> memref<128x128xf32, #tpu.memory_space<hbm>>
    %dma_wait3A_2332 = arith.constant 0 : i32
    %dma_wait3A_2333 = arith.constant 0 : i32
    %dma_wait3A_2334 = tpu.memref_slice %arg13[%dma_wait3A_2323, %dma_wait3A_2332, %dma_wait3A_2333] : memref<2x128x128xf32, #tpu.memory_space<vmem>> -> memref<1x128x128xf32, #tpu.memory_space<vmem>>
    %dma_wait3A_2335 = tpu.memref_squeeze %dma_wait3A_2334 : memref<1x128x128xf32, #tpu.memory_space<vmem>> -> memref<128x128xf32, #tpu.memory_space<vmem>>
    tpu.wait_dma2 semaphore(%arg15 : memref<!tpu.dma_semaphore, #tpu.memory_space<semaphore_mem>>) src(%dma_wait3A_2335 : memref<128x128xf32, #tpu.memory_space<vmem>>) dst(%dma_wait3A_2331 : memref<128x128xf32, #tpu.memory_space<hbm>>)
    %dma_start3A_2336 = arith.constant 1 : i32
    %dma_start3A_2337 = arith.constant 0 : i32
    %dma_start3A_2338 = arith.constant 0 : i32
    %dma_start3A_2339 = tpu.memref_slice %arg13[%dma_start3A_2336, %dma_start3A_2337, %dma_start3A_2338] : memref<2x128x128xf32, #tpu.memory_space<vmem>> -> memref<1x128x128xf32, #tpu.memory_space<vmem>>
    %dma_start3A_2340 = tpu.memref_squeeze %dma_start3A_2339 : memref<1x128x128xf32, #tpu.memory_space<vmem>> -> memref<128x128xf32, #tpu.memory_space<vmem>>
    %dma_start3A_2341 = arith.constant 128 : i32
    %dma_start3A_2342 = tpu.memref_slice %arg12[%dma_start3A_2341] : memref<512xi32, #tpu.memory_space<vmem>> -> memref<128xi32, #tpu.memory_space<vmem>>
    %dma_start3A_2343 = arith.constant 0 : i32
    %dma_start3A_2344 = arith.constant 0 : i32
    %dma_start3A_2345 = tpu.memref_slice %arg5[%dma_start3A_2343, %dma_start3A_2344] : memref<253952x128xf32, #tpu.memory_space<hbm>> -> memref<253952x128xf32, #tpu.memory_space<hbm>>
    tpu.enqueue_indirect_dma source(%dma_start3A_2345 : memref<253952x128xf32, #tpu.memory_space<hbm>>) target(%dma_start3A_2340 : memref<128x128xf32, #tpu.memory_space<vmem>>) offsets(%dma_start3A_2342 : memref<128xi32, #tpu.memory_space<vmem>>) semaphore(%arg14 : memref<!tpu.dma_semaphore, #tpu.memory_space<semaphore_mem>>)
    %dma_wait3A_2346 = arith.constant 1 : i32
    %dma_wait3A_2347 = arith.constant 0 : i32
    %dma_wait3A_2348 = arith.constant 0 : i32
    %dma_wait3A_2349 = tpu.memref_slice %arg13[%dma_wait3A_2346, %dma_wait3A_2347, %dma_wait3A_2348] : memref<2x128x128xf32, #tpu.memory_space<vmem>> -> memref<1x128x128xf32, #tpu.memory_space<vmem>>
    %dma_wait3A_2350 = tpu.memref_squeeze %dma_wait3A_2349 : memref<1x128x128xf32, #tpu.memory_space<vmem>> -> memref<128x128xf32, #tpu.memory_space<vmem>>
    %dma_wait3A_2351 = arith.constant 128 : i32
    %dma_wait3A_2352 = tpu.memref_slice %arg12[%dma_wait3A_2351] : memref<512xi32, #tpu.memory_space<vmem>> -> memref<128xi32, #tpu.memory_space<vmem>>
    %dma_wait3A_2353 = arith.constant 0 : i32
    %dma_wait3A_2354 = arith.constant 0 : i32
    %dma_wait3A_2355 = tpu.memref_slice %arg5[%dma_wait3A_2353, %dma_wait3A_2354] : memref<253952x128xf32, #tpu.memory_space<hbm>> -> memref<253952x128xf32, #tpu.memory_space<hbm>>
    tpu.wait_indirect_dma semaphore(%arg14 : memref<!tpu.dma_semaphore, #tpu.memory_space<semaphore_mem>>) src(%dma_wait3A_2355 : memref<253952x128xf32, #tpu.memory_space<hbm>>) dst(%dma_wait3A_2350 : memref<128x128xf32, #tpu.memory_space<vmem>>)
    %add3A_2356 = arith.constant 128 : i32
    %add3A_2357 = arith.addi %mul3A_2, %add3A_2356 : i32
    %dma_start3A_2358 = arith.constant 1 : i32
    %dma_start3A_2359 = arith.constant 0 : i32
    %dma_start3A_2360 = arith.constant 0 : i32
    %dma_start3A_2361 = tpu.memref_slice %arg13[%dma_start3A_2358, %dma_start3A_2359, %dma_start3A_2360] : memref<2x128x128xf32, #tpu.memory_space<vmem>> -> memref<1x128x128xf32, #tpu.memory_space<vmem>>
    %dma_start3A_2362 = tpu.memref_squeeze %dma_start3A_2361 : memref<1x128x128xf32, #tpu.memory_space<vmem>> -> memref<128x128xf32, #tpu.memory_space<vmem>>
    %dma_start3A_2363 = arith.constant 0 : i32
    %dma_start3A_2364 = tpu.memref_slice %arg9[%add3A_2357, %dma_start3A_2363] : memref<16384x128xf32, #tpu.memory_space<hbm>> -> memref<128x128xf32, #tpu.memory_space<hbm>>
    %dma_start3A_2365 = arith.constant 0 : i32
    %dma_start3A_2366 = tpu.memref_slice %arg9[%add3A_2357, %dma_start3A_2365] : memref<16384x128xf32, #tpu.memory_space<hbm>> -> memref<128x128xf32, #tpu.memory_space<hbm>>
    %dma_start3A_2367 = arith.constant 0 : i32
    %dma_start3A_2368 = arith.constant 0 : i32
    %dma_start3A_2369 = tpu.memref_slice %arg13[%dma_start3A_2358, %dma_start3A_2367, %dma_start3A_2368] : memref<2x128x128xf32, #tpu.memory_space<vmem>> -> memref<1x128x128xf32, #tpu.memory_space<vmem>>
    %dma_start3A_2370 = tpu.memref_squeeze %dma_start3A_2369 : memref<1x128x128xf32, #tpu.memory_space<vmem>> -> memref<128x128xf32, #tpu.memory_space<vmem>>
    tpu.enqueue_dma source(%dma_start3A_2370 : memref<128x128xf32, #tpu.memory_space<vmem>>) target(%dma_start3A_2366 : memref<128x128xf32, #tpu.memory_space<hbm>>) target_semaphore(%arg15 : memref<!tpu.dma_semaphore, #tpu.memory_space<semaphore_mem>>)
    %dma_wait3A_2371 = arith.constant 0 : i32
    %dma_wait3A_2372 = arith.constant 0 : i32
    %dma_wait3A_2373 = arith.constant 0 : i32
    %dma_wait3A_2374 = tpu.memref_slice %arg13[%dma_wait3A_2371, %dma_wait3A_2372, %dma_wait3A_2373] : memref<2x128x128xf32, #tpu.memory_space<vmem>> -> memref<1x128x128xf32, #tpu.memory_space<vmem>>
    %dma_wait3A_2375 = tpu.memref_squeeze %dma_wait3A_2374 : memref<1x128x128xf32, #tpu.memory_space<vmem>> -> memref<128x128xf32, #tpu.memory_space<vmem>>
    %dma_wait3A_2376 = arith.constant 0 : i32
    %dma_wait3A_2377 = tpu.memref_slice %arg9[%add3A_2309, %dma_wait3A_2376] : memref<16384x128xf32, #tpu.memory_space<hbm>> -> memref<128x128xf32, #tpu.memory_space<hbm>>
    %dma_wait3A_2378 = arith.constant 0 : i32
    %dma_wait3A_2379 = tpu.memref_slice %arg9[%add3A_2309, %dma_wait3A_2378] : memref<16384x128xf32, #tpu.memory_space<hbm>> -> memref<128x128xf32, #tpu.memory_space<hbm>>
    %dma_wait3A_2380 = arith.constant 0 : i32
    %dma_wait3A_2381 = arith.constant 0 : i32
    %dma_wait3A_2382 = tpu.memref_slice %arg13[%dma_wait3A_2371, %dma_wait3A_2380, %dma_wait3A_2381] : memref<2x128x128xf32, #tpu.memory_space<vmem>> -> memref<1x128x128xf32, #tpu.memory_space<vmem>>
    %dma_wait3A_2383 = tpu.memref_squeeze %dma_wait3A_2382 : memref<1x128x128xf32, #tpu.memory_space<vmem>> -> memref<128x128xf32, #tpu.memory_space<vmem>>
    tpu.wait_dma2 semaphore(%arg15 : memref<!tpu.dma_semaphore, #tpu.memory_space<semaphore_mem>>) src(%dma_wait3A_2383 : memref<128x128xf32, #tpu.memory_space<vmem>>) dst(%dma_wait3A_2379 : memref<128x128xf32, #tpu.memory_space<hbm>>)
    %dma_start3A_2384 = arith.constant 0 : i32
    %dma_start3A_2385 = arith.constant 0 : i32
    %dma_start3A_2386 = arith.constant 0 : i32
    %dma_start3A_2387 = tpu.memref_slice %arg13[%dma_start3A_2384, %dma_start3A_2385, %dma_start3A_2386] : memref<2x128x128xf32, #tpu.memory_space<vmem>> -> memref<1x128x128xf32, #tpu.memory_space<vmem>>
    %dma_start3A_2388 = tpu.memref_squeeze %dma_start3A_2387 : memref<1x128x128xf32, #tpu.memory_space<vmem>> -> memref<128x128xf32, #tpu.memory_space<vmem>>
    %dma_start3A_2389 = arith.constant 256 : i32
    %dma_start3A_2390 = tpu.memref_slice %arg12[%dma_start3A_2389] : memref<512xi32, #tpu.memory_space<vmem>> -> memref<128xi32, #tpu.memory_space<vmem>>
    %dma_start3A_2391 = arith.constant 0 : i32
    %dma_start3A_2392 = arith.constant 0 : i32
    %dma_start3A_2393 = tpu.memref_slice %arg5[%dma_start3A_2391, %dma_start3A_2392] : memref<253952x128xf32, #tpu.memory_space<hbm>> -> memref<253952x128xf32, #tpu.memory_space<hbm>>
    tpu.enqueue_indirect_dma source(%dma_start3A_2393 : memref<253952x128xf32, #tpu.memory_space<hbm>>) target(%dma_start3A_2388 : memref<128x128xf32, #tpu.memory_space<vmem>>) offsets(%dma_start3A_2390 : memref<128xi32, #tpu.memory_space<vmem>>) semaphore(%arg14 : memref<!tpu.dma_semaphore, #tpu.memory_space<semaphore_mem>>)
    %dma_wait3A_2394 = arith.constant 0 : i32
    %dma_wait3A_2395 = arith.constant 0 : i32
    %dma_wait3A_2396 = arith.constant 0 : i32
    %dma_wait3A_2397 = tpu.memref_slice %arg13[%dma_wait3A_2394, %dma_wait3A_2395, %dma_wait3A_2396] : memref<2x128x128xf32, #tpu.memory_space<vmem>> -> memref<1x128x128xf32, #tpu.memory_space<vmem>>
    %dma_wait3A_2398 = tpu.memref_squeeze %dma_wait3A_2397 : memref<1x128x128xf32, #tpu.memory_space<vmem>> -> memref<128x128xf32, #tpu.memory_space<vmem>>
    %dma_wait3A_2399 = arith.constant 256 : i32
    %dma_wait3A_2400 = tpu.memref_slice %arg12[%dma_wait3A_2399] : memref<512xi32, #tpu.memory_space<vmem>> -> memref<128xi32, #tpu.memory_space<vmem>>
    %dma_wait3A_2401 = arith.constant 0 : i32
    %dma_wait3A_2402 = arith.constant 0 : i32
    %dma_wait3A_2403 = tpu.memref_slice %arg5[%dma_wait3A_2401, %dma_wait3A_2402] : memref<253952x128xf32, #tpu.memory_space<hbm>> -> memref<253952x128xf32, #tpu.memory_space<hbm>>
    tpu.wait_indirect_dma semaphore(%arg14 : memref<!tpu.dma_semaphore, #tpu.memory_space<semaphore_mem>>) src(%dma_wait3A_2403 : memref<253952x128xf32, #tpu.memory_space<hbm>>) dst(%dma_wait3A_2398 : memref<128x128xf32, #tpu.memory_space<vmem>>)
    %add3A_2404 = arith.constant 256 : i32
    %add3A_2405 = arith.addi %mul3A_2, %add3A_2404 : i32
    %dma_start3A_2406 = arith.constant 0 : i32
    %dma_start3A_2407 = arith.constant 0 : i32
    %dma_start3A_2408 = arith.constant 0 : i32
    %dma_start3A_2409 = tpu.memref_slice %arg13[%dma_start3A_2406, %dma_start3A_2407, %dma_start3A_2408] : memref<2x128x128xf32, #tpu.memory_space<vmem>> -> memref<1x128x128xf32, #tpu.memory_space<vmem>>
    %dma_start3A_2410 = tpu.memref_squeeze %dma_start3A_2409 : memref<1x128x128xf32, #tpu.memory_space<vmem>> -> memref<128x128xf32, #tpu.memory_space<vmem>>
    %dma_start3A_2411 = arith.constant 0 : i32
    %dma_start3A_2412 = tpu.memref_slice %arg9[%add3A_2405, %dma_start3A_2411] : memref<16384x128xf32, #tpu.memory_space<hbm>> -> memref<128x128xf32, #tpu.memory_space<hbm>>
    %dma_start3A_2413 = arith.constant 0 : i32
    %dma_start3A_2414 = tpu.memref_slice %arg9[%add3A_2405, %dma_start3A_2413] : memref<16384x128xf32, #tpu.memory_space<hbm>> -> memref<128x128xf32, #tpu.memory_space<hbm>>
    %dma_start3A_2415 = arith.constant 0 : i32
    %dma_start3A_2416 = arith.constant 0 : i32
    %dma_start3A_2417 = tpu.memref_slice %arg13[%dma_start3A_2406, %dma_start3A_2415, %dma_start3A_2416] : memref<2x128x128xf32, #tpu.memory_space<vmem>> -> memref<1x128x128xf32, #tpu.memory_space<vmem>>
    %dma_start3A_2418 = tpu.memref_squeeze %dma_start3A_2417 : memref<1x128x128xf32, #tpu.memory_space<vmem>> -> memref<128x128xf32, #tpu.memory_space<vmem>>
    tpu.enqueue_dma source(%dma_start3A_2418 : memref<128x128xf32, #tpu.memory_space<vmem>>) target(%dma_start3A_2414 : memref<128x128xf32, #tpu.memory_space<hbm>>) target_semaphore(%arg15 : memref<!tpu.dma_semaphore, #tpu.memory_space<semaphore_mem>>)
    %dma_wait3A_2419 = arith.constant 1 : i32
    %dma_wait3A_2420 = arith.constant 0 : i32
    %dma_wait3A_2421 = arith.constant 0 : i32
    %dma_wait3A_2422 = tpu.memref_slice %arg13[%dma_wait3A_2419, %dma_wait3A_2420, %dma_wait3A_2421] : memref<2x128x128xf32, #tpu.memory_space<vmem>> -> memref<1x128x128xf32, #tpu.memory_space<vmem>>
    %dma_wait3A_2423 = tpu.memref_squeeze %dma_wait3A_2422 : memref<1x128x128xf32, #tpu.memory_space<vmem>> -> memref<128x128xf32, #tpu.memory_space<vmem>>
    %dma_wait3A_2424 = arith.constant 0 : i32
    %dma_wait3A_2425 = tpu.memref_slice %arg9[%add3A_2357, %dma_wait3A_2424] : memref<16384x128xf32, #tpu.memory_space<hbm>> -> memref<128x128xf32, #tpu.memory_space<hbm>>
    %dma_wait3A_2426 = arith.constant 0 : i32
    %dma_wait3A_2427 = tpu.memref_slice %arg9[%add3A_2357, %dma_wait3A_2426] : memref<16384x128xf32, #tpu.memory_space<hbm>> -> memref<128x128xf32, #tpu.memory_space<hbm>>
    %dma_wait3A_2428 = arith.constant 0 : i32
    %dma_wait3A_2429 = arith.constant 0 : i32
    %dma_wait3A_2430 = tpu.memref_slice %arg13[%dma_wait3A_2419, %dma_wait3A_2428, %dma_wait3A_2429] : memref<2x128x128xf32, #tpu.memory_space<vmem>> -> memref<1x128x128xf32, #tpu.memory_space<vmem>>
    %dma_wait3A_2431 = tpu.memref_squeeze %dma_wait3A_2430 : memref<1x128x128xf32, #tpu.memory_space<vmem>> -> memref<128x128xf32, #tpu.memory_space<vmem>>
    tpu.wait_dma2 semaphore(%arg15 : memref<!tpu.dma_semaphore, #tpu.memory_space<semaphore_mem>>) src(%dma_wait3A_2431 : memref<128x128xf32, #tpu.memory_space<vmem>>) dst(%dma_wait3A_2427 : memref<128x128xf32, #tpu.memory_space<hbm>>)
    %dma_start3A_2432 = arith.constant 1 : i32
    %dma_start3A_2433 = arith.constant 0 : i32
    %dma_start3A_2434 = arith.constant 0 : i32
    %dma_start3A_2435 = tpu.memref_slice %arg13[%dma_start3A_2432, %dma_start3A_2433, %dma_start3A_2434] : memref<2x128x128xf32, #tpu.memory_space<vmem>> -> memref<1x128x128xf32, #tpu.memory_space<vmem>>
    %dma_start3A_2436 = tpu.memref_squeeze %dma_start3A_2435 : memref<1x128x128xf32, #tpu.memory_space<vmem>> -> memref<128x128xf32, #tpu.memory_space<vmem>>
    %dma_start3A_2437 = arith.constant 384 : i32
    %dma_start3A_2438 = tpu.memref_slice %arg12[%dma_start3A_2437] : memref<512xi32, #tpu.memory_space<vmem>> -> memref<128xi32, #tpu.memory_space<vmem>>
    %dma_start3A_2439 = arith.constant 0 : i32
    %dma_start3A_2440 = arith.constant 0 : i32
    %dma_start3A_2441 = tpu.memref_slice %arg5[%dma_start3A_2439, %dma_start3A_2440] : memref<253952x128xf32, #tpu.memory_space<hbm>> -> memref<253952x128xf32, #tpu.memory_space<hbm>>
    tpu.enqueue_indirect_dma source(%dma_start3A_2441 : memref<253952x128xf32, #tpu.memory_space<hbm>>) target(%dma_start3A_2436 : memref<128x128xf32, #tpu.memory_space<vmem>>) offsets(%dma_start3A_2438 : memref<128xi32, #tpu.memory_space<vmem>>) semaphore(%arg14 : memref<!tpu.dma_semaphore, #tpu.memory_space<semaphore_mem>>)
    %dma_wait3A_2442 = arith.constant 1 : i32
    %dma_wait3A_2443 = arith.constant 0 : i32
    %dma_wait3A_2444 = arith.constant 0 : i32
    %dma_wait3A_2445 = tpu.memref_slice %arg13[%dma_wait3A_2442, %dma_wait3A_2443, %dma_wait3A_2444] : memref<2x128x128xf32, #tpu.memory_space<vmem>> -> memref<1x128x128xf32, #tpu.memory_space<vmem>>
    %dma_wait3A_2446 = tpu.memref_squeeze %dma_wait3A_2445 : memref<1x128x128xf32, #tpu.memory_space<vmem>> -> memref<128x128xf32, #tpu.memory_space<vmem>>
    %dma_wait3A_2447 = arith.constant 384 : i32
    %dma_wait3A_2448 = tpu.memref_slice %arg12[%dma_wait3A_2447] : memref<512xi32, #tpu.memory_space<vmem>> -> memref<128xi32, #tpu.memory_space<vmem>>
    %dma_wait3A_2449 = arith.constant 0 : i32
    %dma_wait3A_2450 = arith.constant 0 : i32
    %dma_wait3A_2451 = tpu.memref_slice %arg5[%dma_wait3A_2449, %dma_wait3A_2450] : memref<253952x128xf32, #tpu.memory_space<hbm>> -> memref<253952x128xf32, #tpu.memory_space<hbm>>
    tpu.wait_indirect_dma semaphore(%arg14 : memref<!tpu.dma_semaphore, #tpu.memory_space<semaphore_mem>>) src(%dma_wait3A_2451 : memref<253952x128xf32, #tpu.memory_space<hbm>>) dst(%dma_wait3A_2446 : memref<128x128xf32, #tpu.memory_space<vmem>>)
    %add3A_2452 = arith.constant 384 : i32
    %add3A_2453 = arith.addi %mul3A_2, %add3A_2452 : i32
    %dma_start3A_2454 = arith.constant 1 : i32
    %dma_start3A_2455 = arith.constant 0 : i32
    %dma_start3A_2456 = arith.constant 0 : i32
    %dma_start3A_2457 = tpu.memref_slice %arg13[%dma_start3A_2454, %dma_start3A_2455, %dma_start3A_2456] : memref<2x128x128xf32, #tpu.memory_space<vmem>> -> memref<1x128x128xf32, #tpu.memory_space<vmem>>
    %dma_start3A_2458 = tpu.memref_squeeze %dma_start3A_2457 : memref<1x128x128xf32, #tpu.memory_space<vmem>> -> memref<128x128xf32, #tpu.memory_space<vmem>>
    %dma_start3A_2459 = arith.constant 0 : i32
    %dma_start3A_2460 = tpu.memref_slice %arg9[%add3A_2453, %dma_start3A_2459] : memref<16384x128xf32, #tpu.memory_space<hbm>> -> memref<128x128xf32, #tpu.memory_space<hbm>>
    %dma_start3A_2461 = arith.constant 0 : i32
    %dma_start3A_2462 = tpu.memref_slice %arg9[%add3A_2453, %dma_start3A_2461] : memref<16384x128xf32, #tpu.memory_space<hbm>> -> memref<128x128xf32, #tpu.memory_space<hbm>>
    %dma_start3A_2463 = arith.constant 0 : i32
    %dma_start3A_2464 = arith.constant 0 : i32
    %dma_start3A_2465 = tpu.memref_slice %arg13[%dma_start3A_2454, %dma_start3A_2463, %dma_start3A_2464] : memref<2x128x128xf32, #tpu.memory_space<vmem>> -> memref<1x128x128xf32, #tpu.memory_space<vmem>>
    %dma_start3A_2466 = tpu.memref_squeeze %dma_start3A_2465 : memref<1x128x128xf32, #tpu.memory_space<vmem>> -> memref<128x128xf32, #tpu.memory_space<vmem>>
    tpu.enqueue_dma source(%dma_start3A_2466 : memref<128x128xf32, #tpu.memory_space<vmem>>) target(%dma_start3A_2462 : memref<128x128xf32, #tpu.memory_space<hbm>>) target_semaphore(%arg15 : memref<!tpu.dma_semaphore, #tpu.memory_space<semaphore_mem>>)
    %dma_wait3A_2467 = arith.constant 0 : i32
    %dma_wait3A_2468 = arith.constant 0 : i32
    %dma_wait3A_2469 = arith.constant 0 : i32
    %dma_wait3A_2470 = tpu.memref_slice %arg13[%dma_wait3A_2467, %dma_wait3A_2468, %dma_wait3A_2469] : memref<2x128x128xf32, #tpu.memory_space<vmem>> -> memref<1x128x128xf32, #tpu.memory_space<vmem>>
    %dma_wait3A_2471 = tpu.memref_squeeze %dma_wait3A_2470 : memref<1x128x128xf32, #tpu.memory_space<vmem>> -> memref<128x128xf32, #tpu.memory_space<vmem>>
    %dma_wait3A_2472 = arith.constant 0 : i32
    %dma_wait3A_2473 = tpu.memref_slice %arg9[%add3A_2405, %dma_wait3A_2472] : memref<16384x128xf32, #tpu.memory_space<hbm>> -> memref<128x128xf32, #tpu.memory_space<hbm>>
    %dma_wait3A_2474 = arith.constant 0 : i32
    %dma_wait3A_2475 = tpu.memref_slice %arg9[%add3A_2405, %dma_wait3A_2474] : memref<16384x128xf32, #tpu.memory_space<hbm>> -> memref<128x128xf32, #tpu.memory_space<hbm>>
    %dma_wait3A_2476 = arith.constant 0 : i32
    %dma_wait3A_2477 = arith.constant 0 : i32
    %dma_wait3A_2478 = tpu.memref_slice %arg13[%dma_wait3A_2467, %dma_wait3A_2476, %dma_wait3A_2477] : memref<2x128x128xf32, #tpu.memory_space<vmem>> -> memref<1x128x128xf32, #tpu.memory_space<vmem>>
    %dma_wait3A_2479 = tpu.memref_squeeze %dma_wait3A_2478 : memref<1x128x128xf32, #tpu.memory_space<vmem>> -> memref<128x128xf32, #tpu.memory_space<vmem>>
    tpu.wait_dma2 semaphore(%arg15 : memref<!tpu.dma_semaphore, #tpu.memory_space<semaphore_mem>>) src(%dma_wait3A_2479 : memref<128x128xf32, #tpu.memory_space<vmem>>) dst(%dma_wait3A_2475 : memref<128x128xf32, #tpu.memory_space<hbm>>)
    %dma_wait3A_2480 = arith.constant 1 : i32
    %dma_wait3A_2481 = arith.constant 0 : i32
    %dma_wait3A_2482 = arith.constant 0 : i32
    %dma_wait3A_2483 = tpu.memref_slice %arg13[%dma_wait3A_2480, %dma_wait3A_2481, %dma_wait3A_2482] : memref<2x128x128xf32, #tpu.memory_space<vmem>> -> memref<1x128x128xf32, #tpu.memory_space<vmem>>
    %dma_wait3A_2484 = tpu.memref_squeeze %dma_wait3A_2483 : memref<1x128x128xf32, #tpu.memory_space<vmem>> -> memref<128x128xf32, #tpu.memory_space<vmem>>
    %dma_wait3A_2485 = arith.constant 0 : i32
    %dma_wait3A_2486 = tpu.memref_slice %arg9[%add3A_2453, %dma_wait3A_2485] : memref<16384x128xf32, #tpu.memory_space<hbm>> -> memref<128x128xf32, #tpu.memory_space<hbm>>
    %dma_wait3A_2487 = arith.constant 0 : i32
    %dma_wait3A_2488 = tpu.memref_slice %arg9[%add3A_2453, %dma_wait3A_2487] : memref<16384x128xf32, #tpu.memory_space<hbm>> -> memref<128x128xf32, #tpu.memory_space<hbm>>
    %dma_wait3A_2489 = arith.constant 0 : i32
    %dma_wait3A_2490 = arith.constant 0 : i32
    %dma_wait3A_2491 = tpu.memref_slice %arg13[%dma_wait3A_2480, %dma_wait3A_2489, %dma_wait3A_2490] : memref<2x128x128xf32, #tpu.memory_space<vmem>> -> memref<1x128x128xf32, #tpu.memory_space<vmem>>
    %dma_wait3A_2492 = tpu.memref_squeeze %dma_wait3A_2491 : memref<1x128x128xf32, #tpu.memory_space<vmem>> -> memref<128x128xf32, #tpu.memory_space<vmem>>
    tpu.wait_dma2 semaphore(%arg15 : memref<!tpu.dma_semaphore, #tpu.memory_space<semaphore_mem>>) src(%dma_wait3A_2492 : memref<128x128xf32, #tpu.memory_space<vmem>>) dst(%dma_wait3A_2488 : memref<128x128xf32, #tpu.memory_space<hbm>>)
    return
  }
}

module attributes {stable_mosaic.version = 14 : i64} {
  func.func @_pack_body(%arg0: i32, %arg1: memref<64x16384xf32, #tpu.memory_space<vmem>>, %arg2: memref<64x16384xf32, #tpu.memory_space<vmem>>, %arg3: memref<4096x128xf32, #tpu.memory_space<vmem>>, %arg4: memref<4096x128xf32, #tpu.memory_space<vmem>>) attributes {dimension_semantics = [#tpu.dimension_semantics<arbitrary>], iteration_bounds = array<i64: 62>, scalar_prefetch = 0 : i64, scratch_operands = 0 : i64, tpu.core_type = #tpu.core_type<tc>, window_params = [{transform_indices = @transform_0, window_bounds = array<i64: 64, 16384>}, {transform_indices = @transform_1, window_bounds = array<i64: 64, 16384>}, {transform_indices = @transform_2, window_bounds = array<i64: 4096, 128>}, {transform_indices = @transform_3, window_bounds = array<i64: 4096, 128>}]} {
    %get3A = arith.constant 0 : index
    %get3A_0 = arith.constant 0 : index
    %get3A_1 = vector.load %arg1[%get3A, %get3A_0] : memref<64x16384xf32, #tpu.memory_space<vmem>>, vector<64x16384xf32>
    %slice3A = vector.extract_strided_slice %get3A_1 {offsets = [0, 0], sizes = [64, 8192], strides = [1, 1]} : vector<64x16384xf32> to vector<64x8192xf32>
    %slice3A_2 = vector.extract_strided_slice %get3A_1 {offsets = [0, 8192], sizes = [64, 8192], strides = [1, 1]} : vector<64x16384xf32> to vector<64x8192xf32>
    %concatenate3A = tpu.concatenate %slice3A, %slice3A_2 in 0 : vector<64x8192xf32>, vector<64x8192xf32> -> vector<128x8192xf32>
    %transpose3A = tpu.transpose %concatenate3A, [1, 0] : vector<128x8192xf32> -> vector<8192x128xf32>
    %convert_element_type3A = arith.truncf %transpose3A : vector<8192x128xf32> to vector<8192x128xbf16>
    %bitcast3A = tpu.bitcast %convert_element_type3A : vector<8192x128xbf16> -> vector<4096x128xf32>
    %swap3A = arith.constant 0 : index
    %swap3A_3 = arith.constant 0 : index
    %swap3A_4 = vector.load %arg3[%swap3A, %swap3A_3] : memref<4096x128xf32, #tpu.memory_space<vmem>>, vector<4096x128xf32>
    tpu.vector_store %arg3[%swap3A, %swap3A_3], %bitcast3A {strides = array<i32>} : memref<4096x128xf32, #tpu.memory_space<vmem>>, vector<4096x128xf32>,
    %get3A_5 = arith.constant 0 : index
    %get3A_6 = arith.constant 0 : index
    %get3A_7 = vector.load %arg2[%get3A_5, %get3A_6] : memref<64x16384xf32, #tpu.memory_space<vmem>>, vector<64x16384xf32>
    %slice3A_8 = vector.extract_strided_slice %get3A_7 {offsets = [0, 0], sizes = [64, 8192], strides = [1, 1]} : vector<64x16384xf32> to vector<64x8192xf32>
    %slice3A_9 = vector.extract_strided_slice %get3A_7 {offsets = [0, 8192], sizes = [64, 8192], strides = [1, 1]} : vector<64x16384xf32> to vector<64x8192xf32>
    %concatenate3A_10 = tpu.concatenate %slice3A_8, %slice3A_9 in 0 : vector<64x8192xf32>, vector<64x8192xf32> -> vector<128x8192xf32>
    %transpose3A_11 = tpu.transpose %concatenate3A_10, [1, 0] : vector<128x8192xf32> -> vector<8192x128xf32>
    %convert_element_type3A_12 = arith.truncf %transpose3A_11 : vector<8192x128xf32> to vector<8192x128xbf16>
    %bitcast3A_13 = tpu.bitcast %convert_element_type3A_12 : vector<8192x128xbf16> -> vector<4096x128xf32>
    %swap3A_14 = arith.constant 0 : index
    %swap3A_15 = arith.constant 0 : index
    %swap3A_16 = vector.load %arg4[%swap3A_14, %swap3A_15] : memref<4096x128xf32, #tpu.memory_space<vmem>>, vector<4096x128xf32>
    tpu.vector_store %arg4[%swap3A_14, %swap3A_15], %bitcast3A_13 {strides = array<i32>} : memref<4096x128xf32, #tpu.memory_space<vmem>>, vector<4096x128xf32>,
    return
  }
  func.func @transform_0(%arg0: i32) -> (i32, i32) {
    %c0_i32 = arith.constant 0 : i32
    %c0_i32_0 = arith.constant 0 : i32
    return %c0_i32, %arg0 : i32, i32
  }
  func.func @transform_1(%arg0: i32) -> (i32, i32) {
    %c0_i32 = arith.constant 0 : i32
    %c0_i32_0 = arith.constant 0 : i32
    return %c0_i32, %arg0 : i32, i32
  }
  func.func @transform_2(%arg0: i32) -> (i32, i32) {
    %c0_i32 = arith.constant 0 : i32
    %c0_i32_0 = arith.constant 0 : i32
    return %arg0, %c0_i32 : i32, i32
  }
  func.func @transform_3(%arg0: i32) -> (i32, i32) {
    %c0_i32 = arith.constant 0 : i32
    %c0_i32_0 = arith.constant 0 : i32
    return %arg0, %c0_i32 : i32, i32
  }
}

module attributes {stable_mosaic.version = 14 : i64} {
  func.func @_mm_body(%arg0: i32, %arg1: memref<1024x128xf32, #tpu.memory_space<vmem>>, %arg2: memref<1024x128xf32, #tpu.memory_space<vmem>>, %arg3: memref<1024x128xf32, #tpu.memory_space<vmem>>, %arg4: memref<1024x1xi32, #tpu.memory_space<vmem>>, %arg5: memref<1024x1xi32, #tpu.memory_space<vmem>>, %arg6: memref<1024x1xi32, #tpu.memory_space<vmem>>, %arg7: memref<128x768xf32, #tpu.memory_space<vmem>>, %arg8: memref<1x768xf32, #tpu.memory_space<vmem>>, %arg9: memref<1024x768xf32, #tpu.memory_space<vmem>>, %arg10: memref<1024x768xf32, #tpu.memory_space<vmem>>, %arg11: memref<1024x768xf32, #tpu.memory_space<vmem>>) attributes {dimension_semantics = [#tpu.dimension_semantics<arbitrary>], iteration_bounds = array<i64: 16>, scalar_prefetch = 0 : i64, scratch_operands = 0 : i64, tpu.core_type = #tpu.core_type<tc>, window_params = [{transform_indices = @transform_0, window_bounds = array<i64: 1024, 128>}, {transform_indices = @transform_1, window_bounds = array<i64: 1024, 128>}, {transform_indices = @transform_2, window_bounds = array<i64: 1024, 128>}, {transform_indices = @transform_3, window_bounds = array<i64: 1024, 1>}, {transform_indices = @transform_4, window_bounds = array<i64: 1024, 1>}, {transform_indices = @transform_5, window_bounds = array<i64: 1024, 1>}, {pipeline_mode = #tpu.pipeline_mode<synchronous>, transform_indices = @transform_6, window_bounds = array<i64: 128, 768>}, {pipeline_mode = #tpu.pipeline_mode<synchronous>, transform_indices = @transform_7, window_bounds = array<i64: 1, 768>}, {transform_indices = @transform_8, window_bounds = array<i64: 1024, 768>}, {transform_indices = @transform_9, window_bounds = array<i64: 1024, 768>}, {transform_indices = @transform_10, window_bounds = array<i64: 1024, 768>}]} {
    %get3A = arith.constant 0 : index
    %get3A_0 = arith.constant 0 : index
    %get3A_1 = vector.load %arg7[%get3A, %get3A_0] : memref<128x768xf32, #tpu.memory_space<vmem>>, vector<128x768xf32>
    %get3A_2 = arith.constant 0 : index
    %get3A_3 = arith.constant 0 : index
    %get3A_4 = vector.load %arg8[%get3A_2, %get3A_3] : memref<1x768xf32, #tpu.memory_space<vmem>>, vector<1x768xf32>
    %iota3A = tpu.iota {dimensions = array<i32: 1>} : vector<1024x128xi32>
    %ge3A = arith.constant 64 : i32
    %ge3A_5 = vector.broadcast %ge3A : i32 to vector<1024x128xi32>
    %ge3A_6 = arith.cmpi sge, %iota3A, %ge3A_5 : vector<1024x128xi32>
    %get3A_7 = arith.constant 0 : index
    %get3A_8 = arith.constant 0 : index
    %get3A_9 = vector.load %arg4[%get3A_7, %get3A_8] : memref<1024x1xi32, #tpu.memory_space<vmem>>, vector<1024x1xi32>
    %get3A_10 = arith.constant 0 : index
    %get3A_11 = arith.constant 0 : index
    %get3A_12 = vector.load %arg1[%get3A_10, %get3A_11] : memref<1024x128xf32, #tpu.memory_space<vmem>>, vector<1024x128xf32>
    %bitcast3A = tpu.bitcast %get3A_12 : vector<1024x128xf32> -> vector<1024x128xi32>
    %shift_left3A = arith.constant 16 : i32
    %shift_left3A_13 = vector.broadcast %shift_left3A : i32 to vector<1024x128xi32>
    %shift_left3A_14 = arith.shli %bitcast3A, %shift_left3A_13 : vector<1024x128xi32>
    %bitcast3A_15 = tpu.bitcast %shift_left3A_14 : vector<1024x128xi32> -> vector<1024x128xf32>
    %and3A = arith.constant -65536 : i32
    %and3A_16 = vector.broadcast %and3A : i32 to vector<1024x128xi32>
    %and3A_17 = arith.andi %bitcast3A, %and3A_16 : vector<1024x128xi32>
    %bitcast3A_18 = tpu.bitcast %and3A_17 : vector<1024x128xi32> -> vector<1024x128xf32>
    %and3A_19 = arith.constant 1 : i32
    %and3A_20 = vector.broadcast %and3A_19 : i32 to vector<1024x1xi32>
    %and3A_21 = arith.andi %get3A_9, %and3A_20 : vector<1024x1xi32>
    %ne3A = arith.constant 0 : i32
    %ne3A_22 = vector.broadcast %ne3A : i32 to vector<1024x1xi32>
    %ne3A_23 = arith.cmpi ne, %and3A_21, %ne3A_22 : vector<1024x1xi32>
    %broadcast_in_dim3A = vector.shape_cast %ne3A_23 : vector<1024x1xi1> to vector<1024x1xi1>
    %broadcast_in_dim3A_24 = vector.broadcast %broadcast_in_dim3A : vector<1024x1xi1> to vector<1024x128xi1>
    %select_n3A = arith.select %broadcast_in_dim3A_24, %bitcast3A_18, %bitcast3A_15 : vector<1024x128xi1>, vector<1024x128xf32>
    %shift_right_arithmetic3A = arith.constant 13 : i32
    %shift_right_arithmetic3A_25 = vector.broadcast %shift_right_arithmetic3A : i32 to vector<1024x1xi32>
    %shift_right_arithmetic3A_26 = arith.shrsi %get3A_9, %shift_right_arithmetic3A_25 : vector<1024x1xi32>
    %and3A_27 = arith.constant 1 : i32
    %and3A_28 = vector.broadcast %and3A_27 : i32 to vector<1024x1xi32>
    %and3A_29 = arith.andi %shift_right_arithmetic3A_26, %and3A_28 : vector<1024x1xi32>
    %ne3A_30 = arith.constant 0 : i32
    %ne3A_31 = vector.broadcast %ne3A_30 : i32 to vector<1024x1xi32>
    %ne3A_32 = arith.cmpi ne, %and3A_29, %ne3A_31 : vector<1024x1xi32>
    %eq3A = vector.broadcast %ne3A_32 : vector<1024x1xi1> to vector<1024x128xi1>
    %eq3A_33 = vector.broadcast %eq3A : vector<1024x128xi1> to vector<1024x128xi1>
    %eq3A_34 = arith.xori %ge3A_6, %eq3A_33 : vector<1024x128xi1>
    %eq3A_35 = arith.constant dense<true> : vector<1024x128xi1>
    %eq3A_36 = arith.xori %eq3A_34, %eq3A_35 : vector<1024x128xi1>
    %jit3A = arith.constant 1.000000e+00 : f32
    %jit3A_37 = arith.constant 0.000000e+00 : f32
    %broadcast_in_dim3A_38 = vector.broadcast %jit3A : f32 to vector<1024x128xf32>
    %broadcast_in_dim3A_39 = vector.broadcast %jit3A_37 : f32 to vector<1024x128xf32>
    %select_n3A_40 = arith.select %eq3A_36, %broadcast_in_dim3A_38, %broadcast_in_dim3A_39 : vector<1024x128xi1>, vector<1024x128xf32>
    %mul3A = arith.mulf %select_n3A, %select_n3A_40 : vector<1024x128xf32>
    %dot_general3A = arith.constant dense<0.000000e+00> : vector<1024x768xf32>
    %dot_general3A_41 = tpu.matmul %mul3A, %get3A_1, %dot_general3A {dimension_numbers = #tpu.dot_dimension_numbers<[1], [0], [0], [1], [0, 0, 1, 1], [], []>, transpose_lhs_hint = false} : vector<1024x128xf32>, vector<128x768xf32>, vector<1024x768xf32> -> vector<1024x768xf32>
    %add3A = vector.broadcast %get3A_4 : vector<1x768xf32> to vector<1024x768xf32>
    %add3A_42 = arith.addf %dot_general3A_41, %add3A : vector<1024x768xf32>
    %swap3A = arith.constant 0 : index
    %swap3A_43 = arith.constant 0 : index
    %swap3A_44 = vector.load %arg9[%swap3A, %swap3A_43] : memref<1024x768xf32, #tpu.memory_space<vmem>>, vector<1024x768xf32>
    tpu.vector_store %arg9[%swap3A, %swap3A_43], %add3A_42 {strides = array<i32>} : memref<1024x768xf32, #tpu.memory_space<vmem>>, vector<1024x768xf32>,
    %get3A_45 = arith.constant 0 : index
    %get3A_46 = arith.constant 0 : index
    %get3A_47 = vector.load %arg5[%get3A_45, %get3A_46] : memref<1024x1xi32, #tpu.memory_space<vmem>>, vector<1024x1xi32>
    %get3A_48 = arith.constant 0 : index
    %get3A_49 = arith.constant 0 : index
    %get3A_50 = vector.load %arg2[%get3A_48, %get3A_49] : memref<1024x128xf32, #tpu.memory_space<vmem>>, vector<1024x128xf32>
    %bitcast3A_51 = tpu.bitcast %get3A_50 : vector<1024x128xf32> -> vector<1024x128xi32>
    %shift_left3A_52 = arith.constant 16 : i32
    %shift_left3A_53 = vector.broadcast %shift_left3A_52 : i32 to vector<1024x128xi32>
    %shift_left3A_54 = arith.shli %bitcast3A_51, %shift_left3A_53 : vector<1024x128xi32>
    %bitcast3A_55 = tpu.bitcast %shift_left3A_54 : vector<1024x128xi32> -> vector<1024x128xf32>
    %and3A_56 = arith.constant -65536 : i32
    %and3A_57 = vector.broadcast %and3A_56 : i32 to vector<1024x128xi32>
    %and3A_58 = arith.andi %bitcast3A_51, %and3A_57 : vector<1024x128xi32>
    %bitcast3A_59 = tpu.bitcast %and3A_58 : vector<1024x128xi32> -> vector<1024x128xf32>
    %and3A_60 = arith.constant 1 : i32
    %and3A_61 = vector.broadcast %and3A_60 : i32 to vector<1024x1xi32>
    %and3A_62 = arith.andi %get3A_47, %and3A_61 : vector<1024x1xi32>
    %ne3A_63 = arith.constant 0 : i32
    %ne3A_64 = vector.broadcast %ne3A_63 : i32 to vector<1024x1xi32>
    %ne3A_65 = arith.cmpi ne, %and3A_62, %ne3A_64 : vector<1024x1xi32>
    %broadcast_in_dim3A_66 = vector.shape_cast %ne3A_65 : vector<1024x1xi1> to vector<1024x1xi1>
    %broadcast_in_dim3A_67 = vector.broadcast %broadcast_in_dim3A_66 : vector<1024x1xi1> to vector<1024x128xi1>
    %select_n3A_68 = arith.select %broadcast_in_dim3A_67, %bitcast3A_59, %bitcast3A_55 : vector<1024x128xi1>, vector<1024x128xf32>
    %shift_right_arithmetic3A_69 = arith.constant 13 : i32
    %shift_right_arithmetic3A_70 = vector.broadcast %shift_right_arithmetic3A_69 : i32 to vector<1024x1xi32>
    %shift_right_arithmetic3A_71 = arith.shrsi %get3A_47, %shift_right_arithmetic3A_70 : vector<1024x1xi32>
    %and3A_72 = arith.constant 1 : i32
    %and3A_73 = vector.broadcast %and3A_72 : i32 to vector<1024x1xi32>
    %and3A_74 = arith.andi %shift_right_arithmetic3A_71, %and3A_73 : vector<1024x1xi32>
    %ne3A_75 = arith.constant 0 : i32
    %ne3A_76 = vector.broadcast %ne3A_75 : i32 to vector<1024x1xi32>
    %ne3A_77 = arith.cmpi ne, %and3A_74, %ne3A_76 : vector<1024x1xi32>
    %eq3A_78 = vector.broadcast %ne3A_77 : vector<1024x1xi1> to vector<1024x128xi1>
    %eq3A_79 = vector.broadcast %eq3A_78 : vector<1024x128xi1> to vector<1024x128xi1>
    %eq3A_80 = arith.xori %ge3A_6, %eq3A_79 : vector<1024x128xi1>
    %eq3A_81 = arith.constant dense<true> : vector<1024x128xi1>
    %eq3A_82 = arith.xori %eq3A_80, %eq3A_81 : vector<1024x128xi1>
    %jit3A_83 = arith.constant 1.000000e+00 : f32
    %jit3A_84 = arith.constant 0.000000e+00 : f32
    %broadcast_in_dim3A_85 = vector.broadcast %jit3A_83 : f32 to vector<1024x128xf32>
    %broadcast_in_dim3A_86 = vector.broadcast %jit3A_84 : f32 to vector<1024x128xf32>
    %select_n3A_87 = arith.select %eq3A_82, %broadcast_in_dim3A_85, %broadcast_in_dim3A_86 : vector<1024x128xi1>, vector<1024x128xf32>
    %mul3A_88 = arith.mulf %select_n3A_68, %select_n3A_87 : vector<1024x128xf32>
    %dot_general3A_89 = arith.constant dense<0.000000e+00> : vector<1024x768xf32>
    %dot_general3A_90 = tpu.matmul %mul3A_88, %get3A_1, %dot_general3A_89 {dimension_numbers = #tpu.dot_dimension_numbers<[1], [0], [0], [1], [0, 0, 1, 1], [], []>, transpose_lhs_hint = false} : vector<1024x128xf32>, vector<128x768xf32>, vector<1024x768xf32> -> vector<1024x768xf32>
    %add3A_91 = vector.broadcast %get3A_4 : vector<1x768xf32> to vector<1024x768xf32>
    %add3A_92 = arith.addf %dot_general3A_90, %add3A_91 : vector<1024x768xf32>
    %swap3A_93 = arith.constant 0 : index
    %swap3A_94 = arith.constant 0 : index
    %swap3A_95 = vector.load %arg10[%swap3A_93, %swap3A_94] : memref<1024x768xf32, #tpu.memory_space<vmem>>, vector<1024x768xf32>
    tpu.vector_store %arg10[%swap3A_93, %swap3A_94], %add3A_92 {strides = array<i32>} : memref<1024x768xf32, #tpu.memory_space<vmem>>, vector<1024x768xf32>,
    %get3A_96 = arith.constant 0 : index
    %get3A_97 = arith.constant 0 : index
    %get3A_98 = vector.load %arg6[%get3A_96, %get3A_97] : memref<1024x1xi32, #tpu.memory_space<vmem>>, vector<1024x1xi32>
    %get3A_99 = arith.constant 0 : index
    %get3A_100 = arith.constant 0 : index
    %get3A_101 = vector.load %arg3[%get3A_99, %get3A_100] : memref<1024x128xf32, #tpu.memory_space<vmem>>, vector<1024x128xf32>
    %bitcast3A_102 = tpu.bitcast %get3A_101 : vector<1024x128xf32> -> vector<1024x128xi32>
    %shift_left3A_103 = arith.constant 16 : i32
    %shift_left3A_104 = vector.broadcast %shift_left3A_103 : i32 to vector<1024x128xi32>
    %shift_left3A_105 = arith.shli %bitcast3A_102, %shift_left3A_104 : vector<1024x128xi32>
    %bitcast3A_106 = tpu.bitcast %shift_left3A_105 : vector<1024x128xi32> -> vector<1024x128xf32>
    %and3A_107 = arith.constant -65536 : i32
    %and3A_108 = vector.broadcast %and3A_107 : i32 to vector<1024x128xi32>
    %and3A_109 = arith.andi %bitcast3A_102, %and3A_108 : vector<1024x128xi32>
    %bitcast3A_110 = tpu.bitcast %and3A_109 : vector<1024x128xi32> -> vector<1024x128xf32>
    %and3A_111 = arith.constant 1 : i32
    %and3A_112 = vector.broadcast %and3A_111 : i32 to vector<1024x1xi32>
    %and3A_113 = arith.andi %get3A_98, %and3A_112 : vector<1024x1xi32>
    %ne3A_114 = arith.constant 0 : i32
    %ne3A_115 = vector.broadcast %ne3A_114 : i32 to vector<1024x1xi32>
    %ne3A_116 = arith.cmpi ne, %and3A_113, %ne3A_115 : vector<1024x1xi32>
    %broadcast_in_dim3A_117 = vector.shape_cast %ne3A_116 : vector<1024x1xi1> to vector<1024x1xi1>
    %broadcast_in_dim3A_118 = vector.broadcast %broadcast_in_dim3A_117 : vector<1024x1xi1> to vector<1024x128xi1>
    %select_n3A_119 = arith.select %broadcast_in_dim3A_118, %bitcast3A_110, %bitcast3A_106 : vector<1024x128xi1>, vector<1024x128xf32>
    %shift_right_arithmetic3A_120 = arith.constant 13 : i32
    %shift_right_arithmetic3A_121 = vector.broadcast %shift_right_arithmetic3A_120 : i32 to vector<1024x1xi32>
    %shift_right_arithmetic3A_122 = arith.shrsi %get3A_98, %shift_right_arithmetic3A_121 : vector<1024x1xi32>
    %and3A_123 = arith.constant 1 : i32
    %and3A_124 = vector.broadcast %and3A_123 : i32 to vector<1024x1xi32>
    %and3A_125 = arith.andi %shift_right_arithmetic3A_122, %and3A_124 : vector<1024x1xi32>
    %ne3A_126 = arith.constant 0 : i32
    %ne3A_127 = vector.broadcast %ne3A_126 : i32 to vector<1024x1xi32>
    %ne3A_128 = arith.cmpi ne, %and3A_125, %ne3A_127 : vector<1024x1xi32>
    %eq3A_129 = vector.broadcast %ne3A_128 : vector<1024x1xi1> to vector<1024x128xi1>
    %eq3A_130 = vector.broadcast %eq3A_129 : vector<1024x128xi1> to vector<1024x128xi1>
    %eq3A_131 = arith.xori %ge3A_6, %eq3A_130 : vector<1024x128xi1>
    %eq3A_132 = arith.constant dense<true> : vector<1024x128xi1>
    %eq3A_133 = arith.xori %eq3A_131, %eq3A_132 : vector<1024x128xi1>
    %jit3A_134 = arith.constant 1.000000e+00 : f32
    %jit3A_135 = arith.constant 0.000000e+00 : f32
    %broadcast_in_dim3A_136 = vector.broadcast %jit3A_134 : f32 to vector<1024x128xf32>
    %broadcast_in_dim3A_137 = vector.broadcast %jit3A_135 : f32 to vector<1024x128xf32>
    %select_n3A_138 = arith.select %eq3A_133, %broadcast_in_dim3A_136, %broadcast_in_dim3A_137 : vector<1024x128xi1>, vector<1024x128xf32>
    %mul3A_139 = arith.mulf %select_n3A_119, %select_n3A_138 : vector<1024x128xf32>
    %dot_general3A_140 = arith.constant dense<0.000000e+00> : vector<1024x768xf32>
    %dot_general3A_141 = tpu.matmul %mul3A_139, %get3A_1, %dot_general3A_140 {dimension_numbers = #tpu.dot_dimension_numbers<[1], [0], [0], [1], [0, 0, 1, 1], [], []>, transpose_lhs_hint = false} : vector<1024x128xf32>, vector<128x768xf32>, vector<1024x768xf32> -> vector<1024x768xf32>
    %add3A_142 = vector.broadcast %get3A_4 : vector<1x768xf32> to vector<1024x768xf32>
    %add3A_143 = arith.addf %dot_general3A_141, %add3A_142 : vector<1024x768xf32>
    %swap3A_144 = arith.constant 0 : index
    %swap3A_145 = arith.constant 0 : index
    %swap3A_146 = vector.load %arg11[%swap3A_144, %swap3A_145] : memref<1024x768xf32, #tpu.memory_space<vmem>>, vector<1024x768xf32>
    tpu.vector_store %arg11[%swap3A_144, %swap3A_145], %add3A_143 {strides = array<i32>} : memref<1024x768xf32, #tpu.memory_space<vmem>>, vector<1024x768xf32>,
    return
  }
  func.func @transform_0(%arg0: i32) -> (i32, i32) {
    %c0_i32 = arith.constant 0 : i32
    %c0_i32_0 = arith.constant 0 : i32
    return %arg0, %c0_i32 : i32, i32
  }
  func.func @transform_1(%arg0: i32) -> (i32, i32) {
    %c0_i32 = arith.constant 0 : i32
    %c0_i32_0 = arith.constant 0 : i32
    return %arg0, %c0_i32 : i32, i32
  }
  func.func @transform_2(%arg0: i32) -> (i32, i32) {
    %c0_i32 = arith.constant 0 : i32
    %c0_i32_0 = arith.constant 0 : i32
    return %arg0, %c0_i32 : i32, i32
  }
  func.func @transform_3(%arg0: i32) -> (i32, i32) {
    %c0_i32 = arith.constant 0 : i32
    %c0_i32_0 = arith.constant 0 : i32
    return %arg0, %c0_i32 : i32, i32
  }
  func.func @transform_4(%arg0: i32) -> (i32, i32) {
    %c0_i32 = arith.constant 0 : i32
    %c0_i32_0 = arith.constant 0 : i32
    return %arg0, %c0_i32 : i32, i32
  }
  func.func @transform_5(%arg0: i32) -> (i32, i32) {
    %c0_i32 = arith.constant 0 : i32
    %c0_i32_0 = arith.constant 0 : i32
    return %arg0, %c0_i32 : i32, i32
  }
  func.func @transform_6(%arg0: i32) -> (i32, i32) {
    %c0_i32 = arith.constant 0 : i32
    %c0_i32_0 = arith.constant 0 : i32
    %c0_i32_1 = arith.constant 0 : i32
    return %c0_i32, %c0_i32_0 : i32, i32
  }
  func.func @transform_7(%arg0: i32) -> (i32, i32) {
    %c0_i32 = arith.constant 0 : i32
    %c0_i32_0 = arith.constant 0 : i32
    %c0_i32_1 = arith.constant 0 : i32
    return %c0_i32, %c0_i32_0 : i32, i32
  }
  func.func @transform_8(%arg0: i32) -> (i32, i32) {
    %c0_i32 = arith.constant 0 : i32
    %c0_i32_0 = arith.constant 0 : i32
    return %arg0, %c0_i32 : i32, i32
  }
  func.func @transform_9(%arg0: i32) -> (i32, i32) {
    %c0_i32 = arith.constant 0 : i32
    %c0_i32_0 = arith.constant 0 : i32
    return %arg0, %c0_i32 : i32, i32
  }
  func.func @transform_10(%arg0: i32) -> (i32, i32) {
    %c0_i32 = arith.constant 0 : i32
    %c0_i32_0 = arith.constant 0 : i32
    return %arg0, %c0_i32 : i32, i32
  }
}

</mosaic_0001>

<sc_bundles>
// kernel: kernel.5.cloned.1.call-start
scs
__scs_entry_jumppad:
0x0: {  	(pc) =	sbr.rel $0x88, $3  }
0x1: {  	(tag) =	ssettag $0x0;
	lr =	simm.s32 $0x1  }
0x2: {  	[smem:$0x3F9C] =	sst lr;
	_ =	strace $0xD0000000  }
0x3: {  	_ = 	snop  }
0x4: {  	_ = 	snop  }
0x5: {  	_ = 	snop  }
0x6: {  	_ = 	snop  }
0x7: {  	_ = 	snop  }
__scs_overlays_trampoline_lowered:
0x8: {  	[smem:$0x3FAB] =	sst s0  }
0x9: {  	[smem:$0x3FAC] =	sst s1  }
0xa: {  	[smem:$0x3FAD] =	sst s2  }
0xb: {  	[smem:$0x3FAE] =	sst s3  }
0xc: {  	[smem:$0x3FAF] =	sst s4  }
0xd: {  	[smem:$0x3FB0] =	sst s5  }
0xe: {  	[smem:$0x3FB1] =	sst s6  }
0xf: {  	[smem:$0x3FB2] =	sst s7  }
0x10: {  	[smem:$0x3FB3] =	sst s8  }
0x11: {  	[smem:$0x3FB4] =	sst s9;
	s0 =	simm.s32 @!p0 $0x0  }
0x12: {  	s1 =	sld [smem:$0x3F9A];
	s0 =	simm.s32 @p0 $0x1  }
0x13: {  	[smem:$0x3FB5] =	sst s0;
	s0 =	simm.s32 @!p1 $0x0  }
0x14: {  	s2 =	sld [smem:$0x3F99];
	s0 =	simm.s32 @p1 $0x1  }
0x15: {  	[smem:$0x3FB6] =	sst s0;
	s0 =	simm.s32 @!p2 $0x0  }
0x16: {  	s3 =	sld [smem:$0x3FDB];
	s0 =	simm.s32 @p2 $0x1  }
0x17: {  	s4 =	simm.s32 $0x1BF5;
	[smem:$0x3FB8] =	sst s0  }
0x18: {  	s0 =	sld [smem:$0x3F9B];
	_ =	swait.ge [sflag:s4], $0x0  }
0x19: {  	s7 =	sld [smem:$0x3F9C]  }
0x1a: {  	s8 =	sadd.s32 $0xFFFFE003, lr  }
0x1b: {  	s9 =	sadd.s32 $0xFFFFFEF7, lr;
	s5 =	simm.s32 $0xFFFFFFFF;
	p2 =	slt.u32 s8, $0xFFFFF086  }
0x1c: {  	p1 =	slt.u32 s9, $0xF7A;
	s5 =	simm.s32 @!p2 $0x0  }
0x1d: {  	s5 =	simm.s32 @p1 $0x1;
	p0 =	seq.s32 s7, s2  }
0x1e: {  	s7 =	smul.u32 @!p0 $0xF7A, s2;
	p2 =	seq.s32 @!p0 s5, $0x0  }
0x1f: {  	s9 =	smul.u32 $0xF7A, s1;
	s8 =	simm.s32 @!p0 $0x1BF5;
	p2 =	por !p2, p0  }
0x20: {  	[sflag:s8] =	ssyncset.s32 @!p0 $0xFFFFF086;
	s6 =	sadd.s32 @!p0 s3, s7;
	s7 =	simm.s32 @!p0 $0x108  }
0x21: {  	s3 =	sadd.s32 s3, s9;
	s6 =	sadd.s32 @!p0 $0x88, s6;
	s7 =	simm.s32 @p2 $0x1082  }
0x22: {  	[simem:s7], [sflag:s8] =	dma.local @!p0 [hbm:s6], $0xF7A  }
0x23: {  	s9 =	sor.u32 $0xD0000000, s2;
	s6 =	simm.s32 $0x108;
	_ =	swait.ge @!p0 [sflag:s8], $0x0  }
0x24: {  	s3 =	sadd.s32 $0x88, s3;
	s6 =	simm.s32 @!p1 $0x1082;
	[sflag:s4] =	ssyncset.s32 $0xFFFFF086  }
0x25: {  	[simem:s6], [sflag:s4] =	dma.local [hbm:s3], $0xF7A  }
0x26: {  	[smem:$0x3F9C] =	sst s1;
	(tag) =	ssettag s2;
	_ =	strace s9  }
0x27: {  	s1 =	sld [smem:$0x3FAC]  }
0x28: {  	s2 =	sld [smem:$0x3FAD]  }
0x29: {  	s4 =	sld [smem:$0x3FAF]  }
0x2a: {  	p0 =	seq.s32 s5, $0x0;
	s5 =	sld [smem:$0x3FB0]  }
0x2b: {  	s6 =	sld [smem:$0x3FB1]  }
0x2c: {  	s7 =	sld [smem:$0x3FB2]  }
0x2d: {  	s3 =	simm.s32 $0x108;
	s8 =	sld [smem:$0x3FB3]  }
0x2e: {  	s3 =	simm.s32 @!p0 $0x1082;
	s9 =	sld [smem:$0x3FB4]  }
0x2f: {  	lr =	sadd.s32 s0, s3;
	s0 =	sld [smem:$0x3FAB]  }
0x30: {  	s3 =	sld [smem:$0x3FAE]  }
0x31: {  	[smem:$0x3FB7] =	sst s10  }
0x32: {  	s10 =	sld [smem:$0x3FB5];
	_ =	sdelay $0x3  }
0x33: {  	p0 =	seq.s32 s10, $0x1;
	s10 =	sld [smem:$0x3FB7];
	_ =	sdelay $0x3  }
0x34: {  	[smem:$0x3FB7] =	sst s10  }
0x35: {  	s10 =	sld [smem:$0x3FB6];
	_ =	sdelay $0x3  }
0x36: {  	p1 =	seq.s32 s10, $0x1;
	s10 =	sld [smem:$0x3FB7];
	_ =	sdelay $0x3  }
0x37: {  	[smem:$0x3FB7] =	sst s10  }
0x38: {  	s10 =	sld [smem:$0x3FB8]  }
0x39: {  	_ = 	snop;
	(pc) =	sbr.ind lr, $3  }
0x3a: {  	_ = 	snop  }
0x3b: {  	_ = 	snop  }
0x3c: {  	p2 =	seq.s32 s10, $0x1;
	s10 =	sld [smem:$0x3FB7]  }
0x3d: {  	_ =	shalt  }
0x3e: {  	_ =	shalt  }
0x3f: {  	_ =	shalt  }
0x40: {  	_ =	shalt  }
0x41: {  	_ =	shalt  }
0x42: {  	_ =	shalt  }
0x43: {  	_ =	shalt  }
0x44: {  	_ =	shalt  }
0x45: {  	_ =	shalt  }
0x46: {  	_ =	shalt  }
0x47: {  	_ =	shalt  }
0x48: {  	_ =	shalt  }
0x49: {  	_ =	shalt  }
0x4a: {  	_ =	shalt  }
0x4b: {  	_ =	shalt  }
0x4c: {  	_ =	shalt  }
0x4d: {  	_ =	shalt  }
0x4e: {  	_ =	shalt  }
0x4f: {  	_ =	shalt  }
0x50: {  	_ =	shalt  }
0x51: {  	_ =	shalt  }
0x52: {  	_ =	shalt  }
0x53: {  	_ =	shalt  }
0x54: {  	_ =	shalt  }
0x55: {  	_ =	shalt  }
0x56: {  	_ =	shalt  }
0x57: {  	_ =	shalt  }
0x58: {  	_ =	shalt  }
0x59: {  	_ =	shalt  }
0x5a: {  	_ =	shalt  }
0x5b: {  	_ =	shalt  }
0x5c: {  	_ =	shalt  }
0x5d: {  	_ =	shalt  }
0x5e: {  	_ =	shalt  }
0x5f: {  	_ =	shalt  }
0x60: {  	_ =	shalt  }
0x61: {  	_ =	shalt  }
0x62: {  	_ =	shalt  }
0x63: {  	_ =	shalt  }
0x64: {  	_ =	shalt  }
0x65: {  	_ =	shalt  }
0x66: {  	_ =	shalt  }
0x67: {  	_ =	shalt  }
0x68: {  	_ =	shalt  }
0x69: {  	_ =	shalt  }
0x6a: {  	_ =	shalt  }
0x6b: {  	_ =	shalt  }
0x6c: {  	_ =	shalt  }
0x6d: {  	_ =	shalt  }
0x6e: {  	_ =	shalt  }
0x6f: {  	_ =	shalt  }
0x70: {  	_ =	shalt  }
0x71: {  	_ =	shalt  }
0x72: {  	_ =	shalt  }
0x73: {  	_ =	shalt  }
0x74: {  	_ =	shalt  }
0x75: {  	_ =	shalt  }
0x76: {  	_ =	shalt  }
0x77: {  	_ =	shalt  }
0x78: {  	_ =	shalt  }
0x79: {  	_ =	shalt  }
0x7a: {  	_ =	shalt  }
0x7b: {  	_ =	shalt  }
0x7c: {  	_ =	shalt  }
0x7d: {  	_ =	shalt  }
0x7e: {  	_ =	shalt  }
0x7f: {  	_ =	shalt  }
0x80: {  	_ =	shalt  }
0x81: {  	_ =	shalt  }
0x82: {  	_ =	shalt  }
0x83: {  	_ =	shalt  }
0x84: {  	_ =	shalt  }
0x85: {  	_ =	shalt  }
0x86: {  	_ =	shalt  }
0x87: {  	_ =	shalt  }
.Lfunc_end0:
.L_simem_size_0:
called_computation_lowered:
.L_overlay_start_0:
0x88: {  	s2 =	sld [smem:$0x3FD9]  }
0x89: {  	s3 =	sld [smem:$0x3FFE];
	_ =	sdelay $0x1  }
0x8a: {  	s1 =	srdreg.scid  }
0x8b: {  	s0 =	sand.u32 $0x1, s1  }
0x8c: {  	s14 =	sshll.u32 s0, $0xA;
	s2 =	sadd.s32 s3, s2  }
0x8d: {  	s2 =	sadd.s32 s2, s14  }
0x8e: {  	[smem:$0x3FC3] =	sst s2  }
0x8f: {  	_ = 	snop  }
0x90: {  	s2 =	sld [smem:$0x3FD0];
	_ =	sdelay $0x2  }
0x91: {  	s15 =	simm.s32 $0xA;
	s4 =	simm.s32 $0x10  }
0x92: {  	[smem:s4], [sflag:s15] =	dma.local [hbm:s2], $0x1  }
0x93: {  	_ =	swait.eq [sflag:s15], $0x1  }
0x94: {  	s16 =	sld [smem:$0x10];
	[sflag:s15] =	ssyncset.done $0x0  }
0x95: {  	s17 =	sld [smem:$0x11];
	[sflag:s15] =	ssyncadd.s32 $0xFFFFFFFF  }
0x96: {  	s18 =	sld [smem:$0x12];
	(tm) =	ssettm $0x1  }
0x97: {  	s5 =	sld [smem:$0x3FFB];
	_ =	sdelay $0x3  }
0x98: {  	_ =	strace s5  }
0x99: {  	s5 =	sld [smem:$0x3FFC];
	_ =	sdelay $0x3  }
0x9a: {  	_ =	strace s5  }
0x9b: {  	s5 =	sld [smem:$0x3FFD];
	_ =	sdelay $0x3  }
0x9c: {  	_ =	strace s5  }
0x9d: {  	_ =	strace $0x8FFFFFFF  }
0x9e: {  	s19 =	sld [smem:$0x3FDB];
	_ =	sdelay $0x1  }
0x9f: {  	s6 =	simm.s32 $_scs_section_size  }
0xa0: {  	s7 =	simm.s32 $_size__tile_overlayer_lowered;
	s8 =	simm.s32 $_tile_overlayer_lowered  }
0xa1: {  	s22 =	simm.s32 $0x1BFF;
	s21 =	sshll.u32 s8, $0x1;
	s5 =	sadd.s32 s6, s19  }
0xa2: {  	s9 =	simm.s32 $0x0;
	s20 =	sshll.u32 s7, $0x1;
	s7 =	sadd.s32 s21, s5  }
0xa3: {  	[timem:s9], [sflag:s22] =	dma.local [hbm:s7], s20  }
0xa4: {  	_ =	swait.ge [sflag:s22], s20  }
0xa5: {  	s6 =	ssub.s32 $0x0, s20;
	[sflag:s22] =	ssyncset.done $0x0  }
0xa6: {  	[sflag:s22] =	ssyncadd.s32 s6;
	_ =	sdelay $0x1  }
0xa7: {  	s23 =	simm.s32 $0x1B8B  }
0xa8: {  	_ =	swait.ge [sflag:s23], $0x1  }
0xa9: {  	[sflag:s23] =	ssyncset.done $0x0  }
0xaa: {  	s25 =	simm.s32 $0x1B8E;
	s24 =	sld [smem:$0x3FFE];
	[sflag:s23] =	ssyncadd.s32 $0xFFFFFFFF  }
0xab: {  	s26 =	simm.s32 $execute0_lowered;
	[smem:$0x3FD2] =	sst s25  }
0xac: {  	s7 =	sshll.u32 s26, $0x1;
	_ =	strace $0x80000046;
	[dreg:$0x1] =	wrdreg $0xFFFFFFFF  }
0xad: {  	s28 =	simm.s32 $_size_execute0_lowered;
	s5 =	sadd.s32 s5, s7;
	[dreg:$0x0] =	wrdreg $0x0  }
0xae: {  	s7 =	sshll.u32 s28, $0x1;
	[dreg:$0x2] =	wrdreg s5  }
0xaf: {  	[dreg:$0x3] =	wrdreg s7  }
0xb0: {  	[dreg:$0x4] =	wrdreg $0xC0  }
0xb1: {  	_ =	task [dreg:s9], $0x5FFFF  }
0xb2: {  	[dreg:$0x1] =	wrdreg $0xFFFFFFFF  }
0xb3: {  	[dreg:$0x0] =	wrdreg $0x60  }
0xb4: {  	[dreg:$0x2] =	wrdreg s24  }
0xb5: {  	[dreg:$0x3] =	wrdreg s16  }
0xb6: {  	[dreg:$0x4] =	wrdreg s18  }
0xb7: {  	[dreg:$0x5] =	wrdreg s17  }
0xb8: {  	[dreg:$0x6] =	wrdreg $0x9  }
0xb9: {  	_ =	task.clear_ibuf [dreg:s9], $0x7FFFF;
	_ =	strace $0x90000046  }
0xba: {  	s29 =	simm.s32 $0x9;
	_ =	strace $0x80000048  }
0xbb: {  	_ =	swait.ge [sflag:s29], $0x1  }
0xbc: {  	[sflag:s29] =	ssyncadd.s32 $0xFFFFFFFF  }
0xbd: {  	_ =	strace $0x90000048  }
0xbe: {  	_ =	sfence  }
0xbf: {  	s30 =	sld [smem:$0x0];
	_ =	sdelay $0x2  }
0xc0: {  	s31 =	sshll.u32 s1, $0xD;
	s1 =	sshrl.u32 s1, $0x2  }
0xc1: {  	s3 =	sand.u32 $0x4000, s31;
	s1 =	sadd.s32 s1, s30  }
0xc2: {  	s0 =	sor.u32 s3, s0;
	s1 =	sshll.u32 s1, $0x11  }
0xc3: {  	s0 =	sor.u32 s1, s0  }
0xc4: {  	s0 =	sadd.s32 $0x8F2B, s0  }
0xc5: {  	[sflag:s0] =	ssyncadd.remote.s32 $0x1  }
0xc6: {  	_ =	sfence.sel $0xFFFF  }
0xc7: {  	[dreg:$0x0] =	wrdreg $0xFFFFFFFF;
	(pc) =	sbr.abs _section_cstart, $3  }
0xc8: {  	[dreg:$0x1] =	wrdreg $0xFFFFFFFF  }
0xc9: {  	_ =	task.clear_ibuf [dreg:s9], $0x2FFFF;
	_ =	strace $0x9FFFFFFF  }
0xca: {  	(tm) =	ssettm $0x7FFFFFFF  }
0xcb: {  	_ =	shalt  }
tec
execute0_lowered:
.L_overlay_start_1:
0x0: {  	(tag) =	ssettag $0x1  }
0x1: {  	s0 =	rddreg [dreg:$0x0]  }
0x2: {  	s5 =	rddreg [dreg:$0x1]  }
0x3: {  	s6 =	rddreg [dreg:$0x2]  }
0x4: {  	s10 =	rddreg [dreg:$0x3];
	s2 =	srdreg.scid  }
0x5: {  	s1 =	stileid.u32;
	s16 =	simm.s32 $0x3;
	s17 =	simm.s32 $0x200  }
0x6: {  	s18 =	simm.s32 $0x400;
	s19 =	simm.s32 $0x80;
	s20 =	simm.s32 $0x600  }
0x7: {  	s21 =	simm.s32 $0x1;
	s28 =	simm.s32 $0x300;
	s29 =	simm.s32 $0x380  }
0x8: {  	s30 =	simm.s32 $0x480;
	s31 =	simm.s32 $0x500;
	s7 =	sand.u32 $0x1, s2  }
0x9: {  	s2 =	simm.s32 $0x0;
	s3 =	sshll.u32 s1, $0xA;
	s4 =	sshll.u32 s7, $0x9  }
0xa: {  	[smem:$0x7FF] =	sst s2;
	s7 =	ssub.s32 $0x2, s7;
	s8 =	sor.u32 s4, s3  }
0xb: {  	_ =	strace $0x80000047;
	s3 =	sadd.s32 $0x2A00, s0;
	s4 =	sadd.s32 $0x3E2A00, s0  }
0xc: {  	s13 =	sshrl.u32 s7, $0x1;
	s9 =	sshrl.u32 s8, $0x3;
	s22 =	sshll.u32 s8, $0x4  }
0xd: {  	s15 =	ssub.s32 s7, s13;
	s11 =	sadd.s32 s9, s0;
	s0 =	sadd.s32 $0x7C2A00, s0  }
0xe: {  	s5 =	sadd.s32 s5, s9;
	s23 =	sadd.s32 s6, s22;
	s24 =	sor.u32 $0x800, s22  }
0xf: {  	s26 =	sor.u32 $0x1000, s22;
	s14 =	sor.u32 $0x1800, s22;
	s7 =	sadd.s32 s10, s22  }
0x10: {  	s15 =	smax.u32 s15, $0x1;
	s12 =	sadd.s32 $0x2200, s11;
	[dreg:$0x7] =	wrdreg s5  }
0x11: {  	s11 =	sadd.s32 $0x1A00, s11;
	[dreg:$0x8] =	wrdreg s23;
	s25 =	sadd.s32 s6, s24  }
0x12: {  	s5 =	sadd.s32 s6, s26;
	s6 =	sadd.s32 s6, s14;
	s8 =	sadd.s32 s10, s24  }
0x13: {  	s9 =	sadd.s32 s10, s26;
	s10 =	sadd.s32 s10, s14;
	[dreg:$0x5] =	wrdreg s12  }
0x14: {  	s13 =	sadd.s32 s0, s26;
	s14 =	sadd.s32 s0, s14;
	[dreg:$0x6] =	wrdreg s11  }
0x15: {  	s23 =	simm.s32 $0x2;
	s26 =	simm.s32 $0x280;
	[dreg:$0x9] =	wrdreg s25  }
0x16: {  	s11 =	sadd.s32 s0, s22;
	s12 =	sadd.s32 s0, s24;
	s22 =	simm.s32 $0x4600  }
0x17: {  	s24 =	simm.s32 $0x100;
	s25 =	simm.s32 $0x180;
	s0 =	simm.s32 $0x580  }
.LBB2_1:
0x18: {  	s1 =	rddreg [dreg:$0x5]  }
0x19: {  	[tilespmem:s2], [sflag:$0x3] =	stream.linear.gather [hbm4b:s1+s2], $0x200, $0x38;
	[tilespmem:$0x8600] =	vst v63  }
0x1a: {  	_ =	swait.ge [sflag:s16], $0x200  }
0x1b: {  	[sflag:s16] =	ssyncset.done $0x0  }
0x1c: {  	[sflag:s16] =	ssyncadd.s32 $0xFFFFFE00  }
0x1d: {  	v0 =	vld [tilespmem:$0x0]  }
0x1e: {  	v1 =	vld [tilespmem:$0x10]  }
0x1f: {  	v2 =	vld [tilespmem:$0x20]  }
0x20: {  	v4 =	vld [tilespmem:$0x30]  }
0x21: {  	v6 =	vld [tilespmem:$0x40]  }
0x22: {  	v16 =	vld [tilespmem:$0x50]  }
0x23: {  	v8 =	vld [tilespmem:$0x60]  }
0x24: {  	v9 =	vld [tilespmem:$0x70]  }
0x25: {  	v21 =	vld [tilespmem:$0x80]  }
0x26: {  	v11 =	vld [tilespmem:$0x90]  }
0x27: {  	v12 =	vld [tilespmem:$0xA0]  }
0x28: {  	v26 =	vld [tilespmem:$0xB0]  }
0x29: {  	v31 =	vld [tilespmem:$0xE0];
	v3 =	vshra.s32 v0, $0x2;
	v0 =	vshrl.u32 v0, $0x1;
	v5 =	vshra.s32 v1, $0x2  }
0x2a: {  	v37 =	vld [tilespmem:$0x110];
	v1 =	vshrl.u32 v1, $0x1;
	v15 =	vshra.s32 v2, $0x2;
	v2 =	vshrl.u32 v2, $0x1  }
0x2b: {  	v40 =	vld [tilespmem:$0x120];
	v7 =	vshra.s32 v4, $0x2;
	v4 =	vshrl.u32 v4, $0x1;
	v18 =	vshra.s32 v6, $0x2  }
0x2c: {  	v46 =	vld [tilespmem:$0x130];
	v6 =	vshrl.u32 v6, $0x1;
	v20 =	vshra.s32 v16, $0x2;
	v10 =	vshra.s32 v8, $0x2  }
0x2d: {  	v51 =	vld [tilespmem:$0x140];
	v8 =	vshrl.u32 v8, $0x1;
	v23 =	vshra.s32 v9, $0x2;
	v9 =	vshrl.u32 v9, $0x1  }
0x2e: {  	v25 =	vshra.s32 v21, $0x2;
	v13 =	vshra.s32 v11, $0x2;
	v11 =	vshrl.u32 v11, $0x1  }
0x2f: {  	v28 =	vshra.s32 v12, $0x2;
	v12 =	vshrl.u32 v12, $0x1;
	v30 =	vshra.s32 v26, $0x2  }
0x30: {  	v36 =	vshra.s32 v31, $0x2;
	v49 =	vshra.s32 v37, $0x2;
	v50 =	vshrl.u32 v37, $0x1  }
0x31: {  	v52 =	vshra.s32 v40, $0x2;
	v55 =	vshrl.u32 v40, $0x1;
	v56 =	vshra.s32 v46, $0x2  }
0x32: {  	v57 =	vshrl.u32 v46, $0x1;
	v61 =	vshra.s32 v51, $0x2;
	v62 =	vshrl.u32 v51, $0x1  }
0x33: {  	v3 =	vand.u32 $0xFFFFF000, v3;
	v0 =	vand.u32 $0xFFF, v0;
	v14 =	vand.u32 $0xFFFFF000, v5  }
0x34: {  	v1 =	vand.u32 $0xFFF, v1;
	v2 =	vand.u32 $0xFFF, v2;
	v17 =	vand.u32 $0xFFFFF000, v7  }
0x35: {  	v58 =	vld [tilespmem:$0x160];
	v4 =	vand.u32 $0xFFF, v4;
	v19 =	vand.u32 $0xFFFFF000, v18;
	v6 =	vand.u32 $0xFFF, v6  }
0x36: {  	v63 =	vld [tilespmem:$0x170];
	v5 =	vshrl.u32 v16, $0x1;
	v22 =	vand.u32 $0xFFFFF000, v10;
	v8 =	vand.u32 $0xFFF, v8  }
0x37: {  	v24 =	vand.u32 $0xFFFFF000, v23;
	v9 =	vand.u32 $0xFFF, v9;
	v7 =	vshrl.u32 v21, $0x1  }
0x38: {  	v27 =	vand.u32 $0xFFFFF000, v13;
	v11 =	vand.u32 $0xFFF, v11;
	v29 =	vand.u32 $0xFFFFF000, v28  }
0x39: {  	v12 =	vand.u32 $0xFFF, v12;
	v10 =	vshrl.u32 v26, $0x1;
	v13 =	vshrl.u32 v31, $0x1  }
0x3a: {  	v38 =	vand.u32 $0xFFFFF000, v36;
	v54 =	vand.u32 $0xFFFFF000, v52;
	v59 =	vand.u32 $0xFFFFF000, v56  }
0x3b: {  	v53 =	vld [tilespmem:$0x150];
	v60 =	vand.u32 $0xFFF, v57;
	v21 =	vshra.s32 v58, $0x2;
	v26 =	vshra.s32 v63, $0x2  }
0x3c: {  	v0 =	vor.u32 v0, v3;
	v1 =	vor.u32 v1, v14;
	v3 =	vand.u32 $0xFFFFF000, v15  }
0x3d: {  	v5 =	vand.u32 $0xFFF, v5;
	v7 =	vand.u32 $0xFFF, v7;
	v10 =	vand.u32 $0xFFF, v10  }
0x3e: {  	v13 =	vand.u32 $0xFFF, v13;
	v2 =	vor.u32 v2, v3;
	v3 =	vor.u32 v4, v17  }
0x3f: {  	v4 =	vor.u32 v6, v19;
	v6 =	vand.u32 $0xFFFFF000, v20;
	[tilespmem:$0x10] =	vst v1;
	v1 =	vor.u32 v13, v38  }
0x40: {  	v19 =	vshrl.u32 v53, $0x1;
	v5 =	vor.u32 v5, v6;
	v6 =	vor.u32 v8, v22  }
0x41: {  	v51 =	vld [tilespmem:$0x1F0];
	v8 =	vor.u32 v9, v24;
	v9 =	vand.u32 $0xFFFFF000, v25;
	[tilespmem:$0x40] =	vst v4;
	v4 =	vand.u32 $0xFFFFF000, v49  }
0x42: {  	v18 =	vld [tilespmem:$0x100];
	[tilespmem:$0x0] =	vst v0;
	v20 =	vand.u32 $0xFFF, v19;
	v22 =	vshrl.u32 v58, $0x1;
	v24 =	vand.u32 $0xFFFFF000, v21  }
0x43: {  	v28 =	vld [tilespmem:$0x1A0];
	v7 =	vor.u32 v7, v9;
	v9 =	vor.u32 v11, v27;
	v11 =	vor.u32 v12, v29;
	[tilespmem:$0x50] =	vst v5  }
0x44: {  	v36 =	vld [tilespmem:$0x1C0];
	v12 =	vand.u32 $0xFFFFF000, v30;
	[tilespmem:$0x60] =	vst v6;
	v5 =	vand.u32 $0xFFF, v50;
	v6 =	vand.u32 $0xFFF, v55  }
0x45: {  	v14 =	vld [tilespmem:$0xC0];
	[tilespmem:$0x70] =	vst v8;
	v8 =	vand.u32 $0xFFF, v62;
	v25 =	vand.u32 $0xFFF, v22;
	v27 =	vshrl.u32 v63, $0x1  }
0x46: {  	v15 =	vld [tilespmem:$0xD0];
	[tilespmem:$0x20] =	vst v2;
	v62 =	vshra.s32 v51, $0x2;
	v63 =	vshrl.u32 v51, $0x1;
	v10 =	vor.u32 v10, v12  }
0x47: {  	[tilespmem:$0x30] =	vst v3;
	v44 =	vshra.s32 v18, $0x2;
	v45 =	vshrl.u32 v18, $0x1;
	v4 =	vor.u32 v5, v4  }
0x48: {  	v31 =	vld [tilespmem:$0x1B0];
	[tilespmem:$0x80] =	vst v7;
	v5 =	vor.u32 v6, v54;
	v6 =	vor.u32 v60, v59;
	v7 =	vand.u32 $0xFFFFF000, v61  }
0x49: {  	[tilespmem:$0xE0] =	vst v1;
	v1 =	vor.u32 v25, v24;
	v29 =	vand.u32 $0xFFF, v27;
	v40 =	vshrl.u32 v28, $0x1  }
0x4a: {  	v17 =	vld [tilespmem:$0xF0];
	[tilespmem:$0x90] =	vst v9;
	v49 =	vshra.s32 v36, $0x2;
	v50 =	vshrl.u32 v36, $0x1;
	v9 =	vand.u32 $0xFFFFF000, v62  }
0x4b: {  	[tilespmem:$0xA0] =	vst v11;
	v16 =	vshra.s32 v14, $0x2;
	v14 =	vshrl.u32 v14, $0x1;
	v33 =	vshra.s32 v15, $0x2  }
0x4c: {  	v15 =	vshrl.u32 v15, $0x1;
	v47 =	vand.u32 $0xFFFFF000, v44;
	v48 =	vand.u32 $0xFFF, v45;
	[tilespmem:$0xB0] =	vst v10  }
0x4d: {  	v7 =	vor.u32 v8, v7;
	[tilespmem:$0x110] =	vst v4;
	v44 =	vshra.s32 v31, $0x2;
	v52 =	vand.u32 $0xFFFFF000, v49  }
0x4e: {  	[tilespmem:$0x120] =	vst v5;
	v10 =	vand.u32 $0xFFF, v63;
	v32 =	vand.u32 $0xFFFFF000, v16;
	v14 =	vand.u32 $0xFFF, v14  }
0x4f: {  	v23 =	vld [tilespmem:$0x190];
	[tilespmem:$0x130] =	vst v6;
	v34 =	vand.u32 $0xFFFFF000, v33;
	v15 =	vand.u32 $0xFFF, v15;
	v39 =	vshra.s32 v17, $0x2  }
0x50: {  	[tilespmem:$0x160] =	vst v1;
	v42 =	vshrl.u32 v17, $0x1;
	v3 =	vor.u32 v48, v47;
	v16 =	vshra.s32 v53, $0x2  }
0x51: {  	[tilespmem:$0x140] =	vst v7;
	v46 =	vand.u32 $0xFFFFF000, v44;
	v47 =	vshrl.u32 v31, $0x1;
	v53 =	vand.u32 $0xFFF, v50  }
0x52: {  	v11 =	vor.u32 v10, v9;
	v12 =	vor.u32 v14, v32;
	v35 =	vor.u32 v15, v34;
	[tilespmem:$0x100] =	vst v3  }
0x53: {  	v45 =	vld [tilespmem:$0x1E0];
	v41 =	vand.u32 $0xFFFFF000, v39;
	v43 =	vand.u32 $0xFFF, v42;
	v18 =	vand.u32 $0xFFFFF000, v16;
	[tilespmem:$0x1F0] =	vst v11  }
0x54: {  	v17 =	vld [tilespmem:$0x180];
	v34 =	vshra.s32 v23, $0x2;
	v39 =	vshra.s32 v28, $0x2;
	v48 =	vand.u32 $0xFFF, v47;
	[tilespmem:$0xC0] =	vst v12  }
0x55: {  	v2 =	vor.u32 v43, v41;
	[tilespmem:$0xD0] =	vst v35;
	v0 =	vor.u32 v20, v18;
	v35 =	vshrl.u32 v23, $0x1  }
0x56: {  	v37 =	vand.u32 $0xFFFFF000, v34;
	v42 =	vand.u32 $0xFFFFF000, v39;
	v43 =	vand.u32 $0xFFF, v40;
	[tilespmem:$0xF0] =	vst v2  }
0x57: {  	v41 =	vld [tilespmem:$0x1D0];
	v1 =	vor.u32 v48, v46;
	v2 =	vand.u32 $0xFFFFF000, v26;
	v38 =	vand.u32 $0xFFF, v35;
	[tilespmem:$0x150] =	vst v0  }
0x58: {  	v0 =	vor.u32 v43, v42;
	[tilespmem:$0x1B0] =	vst v1;
	v2 =	vor.u32 v29, v2;
	v58 =	vshra.s32 v45, $0x2  }
0x59: {  	[tilespmem:$0x1A0] =	vst v0;
	v60 =	vshrl.u32 v45, $0x1;
	v30 =	vshra.s32 v17, $0x2;
	v33 =	vshrl.u32 v17, $0x1  }
0x5a: {  	[tilespmem:$0x170] =	vst v2;
	v2 =	vor.u32 v53, v52;
	v59 =	vand.u32 $0xFFFFF000, v58;
	v61 =	vand.u32 $0xFFF, v60  }
0x5b: {  	v32 =	vand.u32 $0xFFFFF000, v30;
	v4 =	vand.u32 $0xFFF, v33;
	[tilespmem:$0x1C0] =	vst v2;
	v8 =	vor.u32 v61, v59  }
0x5c: {  	v3 =	vor.u32 v4, v32;
	v54 =	vshra.s32 v41, $0x2;
	v55 =	vshrl.u32 v41, $0x1;
	[tilespmem:$0x1E0] =	vst v8  }
0x5d: {  	v4 =	vor.u32 v38, v37;
	[tilespmem:$0x180] =	vst v3;
	v56 =	vand.u32 $0xFFFFF000, v54;
	v57 =	vand.u32 $0xFFF, v55  }
0x5e: {  	[tilespmem:$0x190] =	vst v4;
	v0 =	vor.u32 v57, v56  }
0x5f: {  	s1 =	rddreg [dreg:$0x6];
	[tilespmem:$0x1D0] =	vst v0  }
0x60: {  	[tilespmem:s17], [sflag:$0x3] =	stream.linear.gather [hbm4b:s1+s2], $0x200, $0x38;
	[tilespmem:$0x8600] =	vst v63  }
0x61: {  	_ =	swait.ge [sflag:s16], $0x200  }
0x62: {  	[sflag:s16] =	ssyncset.done $0x0  }
0x63: {  	[sflag:s16] =	ssyncadd.s32 $0xFFFFFE00  }
0x64: {  	v12 =	vld [tilespmem:$0x200]  }
0x65: {  	v13 =	vld [tilespmem:$0x210]  }
0x66: {  	v14 =	vld [tilespmem:$0x220]  }
0x67: {  	v16 =	vld [tilespmem:$0x230]  }
0x68: {  	v18 =	vld [tilespmem:$0x240]  }
0x69: {  	v21 =	vld [tilespmem:$0x250]  }
0x6a: {  	v23 =	vld [tilespmem:$0x260]  }
0x6b: {  	v26 =	vld [tilespmem:$0x270]  }
0x6c: {  	v29 =	vld [tilespmem:$0x280]  }
0x6d: {  	v31 =	vld [tilespmem:$0x290]  }
0x6e: {  	v34 =	vld [tilespmem:$0x2A0]  }
0x6f: {  	v37 =	vld [tilespmem:$0x2B0]  }
0x70: {  	v39 =	vld [tilespmem:$0x2C0];
	v15 =	vshra.s32 v12, $0x2;
	v0 =	vshrl.u32 v12, $0x1;
	v17 =	vshra.s32 v13, $0x2  }
0x71: {  	v42 =	vld [tilespmem:$0x2D0];
	v1 =	vshrl.u32 v13, $0x1;
	v20 =	vshra.s32 v14, $0x2;
	v2 =	vshrl.u32 v14, $0x1  }
0x72: {  	v45 =	vld [tilespmem:$0x2E0];
	v22 =	vshra.s32 v16, $0x2;
	v4 =	vshrl.u32 v16, $0x1;
	v25 =	vshra.s32 v18, $0x2  }
0x73: {  	v47 =	vld [tilespmem:$0x2F0];
	v6 =	vshrl.u32 v18, $0x1;
	v28 =	vshra.s32 v21, $0x2;
	v5 =	vshrl.u32 v21, $0x1  }
0x74: {  	v50 =	vld [tilespmem:$0x300];
	v30 =	vshra.s32 v23, $0x2;
	v8 =	vshrl.u32 v23, $0x1;
	v33 =	vshra.s32 v26, $0x2  }
0x75: {  	v54 =	vld [tilespmem:$0x310];
	v9 =	vshrl.u32 v26, $0x1;
	v36 =	vshra.s32 v29, $0x2;
	v7 =	vshrl.u32 v29, $0x1  }
0x76: {  	v63 =	vld [tilespmem:$0x330];
	v38 =	vshra.s32 v31, $0x2;
	v11 =	vshrl.u32 v31, $0x1;
	v41 =	vshra.s32 v34, $0x2  }
0x77: {  	v12 =	vshrl.u32 v34, $0x1;
	v44 =	vshra.s32 v37, $0x2;
	v10 =	vshrl.u32 v37, $0x1  }
0x78: {  	v46 =	vshra.s32 v39, $0x2;
	v14 =	vshrl.u32 v39, $0x1;
	v49 =	vshra.s32 v42, $0x2  }
0x79: {  	v53 =	vshra.s32 v45, $0x2;
	v13 =	vshrl.u32 v45, $0x1;
	v56 =	vshra.s32 v47, $0x2  }
0x7a: {  	v59 =	vshrl.u32 v47, $0x1;
	v61 =	vshra.s32 v50, $0x2;
	v62 =	vshrl.u32 v50, $0x1  }
0x7b: {  	v21 =	vshra.s32 v54, $0x2;
	v29 =	vshrl.u32 v63, $0x1;
	v3 =	vand.u32 $0xFFFFF000, v15  }
0x7c: {  	v0 =	vand.u32 $0xFFF, v0;
	v19 =	vand.u32 $0xFFFFF000, v17;
	v1 =	vand.u32 $0xFFF, v1  }
0x7d: {  	v2 =	vand.u32 $0xFFF, v2;
	v24 =	vand.u32 $0xFFFFF000, v22;
	v4 =	vand.u32 $0xFFF, v4  }
0x7e: {  	v27 =	vand.u32 $0xFFFFF000, v25;
	v6 =	vand.u32 $0xFFF, v6;
	v5 =	vand.u32 $0xFFF, v5  }
0x7f: {  	v32 =	vand.u32 $0xFFFFF000, v30;
	v8 =	vand.u32 $0xFFF, v8;
	v35 =	vand.u32 $0xFFFFF000, v33  }
0x80: {  	v9 =	vand.u32 $0xFFF, v9;
	v7 =	vand.u32 $0xFFF, v7;
	v40 =	vand.u32 $0xFFFFF000, v38  }
0x81: {  	v11 =	vand.u32 $0xFFF, v11;
	v43 =	vand.u32 $0xFFFFF000, v41;
	v12 =	vand.u32 $0xFFF, v12  }
0x82: {  	v10 =	vand.u32 $0xFFF, v10;
	v48 =	vand.u32 $0xFFFFF000, v46;
	v14 =	vand.u32 $0xFFF, v14  }
0x83: {  	v15 =	vshrl.u32 v42, $0x1;
	v51 =	vand.u32 $0xFFFFF000, v49;
	v55 =	vand.u32 $0xFFFFF000, v53  }
0x84: {  	v57 =	vld [tilespmem:$0x320];
	v13 =	vand.u32 $0xFFF, v13;
	v58 =	vand.u32 $0xFFFFF000, v56;
	v60 =	vand.u32 $0xFFF, v59  }
0x85: {  	v22 =	vshrl.u32 v54, $0x1;
	v0 =	vor.u32 v0, v3;
	v1 =	vor.u32 v1, v19  }
0x86: {  	v3 =	vand.u32 $0xFFFFF000, v20;
	v15 =	vand.u32 $0xFFF, v15;
	v19 =	vand.u32 $0xFFFFF000, v61  }
0x87: {  	v20 =	vand.u32 $0xFFF, v62;
	v2 =	vor.u32 v2, v3;
	v3 =	vor.u32 v4, v24;
	[tilespmem:$0x200] =	vst v0  }
0x88: {  	v4 =	vor.u32 v6, v27;
	v6 =	vand.u32 $0xFFFFF000, v28;
	v52 =	vor.u32 v15, v51;
	[tilespmem:$0x210] =	vst v1  }
0x89: {  	v1 =	vor.u32 v13, v55;
	v24 =	vshra.s32 v57, $0x2;
	v27 =	vshrl.u32 v57, $0x1;
	[tilespmem:$0x220] =	vst v2  }
0x8a: {  	v23 =	vld [tilespmem:$0x340];
	v28 =	vshra.s32 v63, $0x2;
	v5 =	vor.u32 v5, v6;
	v6 =	vor.u32 v8, v32;
	[tilespmem:$0x230] =	vst v3  }
0x8b: {  	v37 =	vld [tilespmem:$0x380];
	v8 =	vor.u32 v9, v35;
	v9 =	vand.u32 $0xFFFFF000, v36;
	[tilespmem:$0x240] =	vst v4;
	v2 =	vor.u32 v60, v58  }
0x8c: {  	v3 =	vor.u32 v20, v19;
	v4 =	vand.u32 $0xFFFFF000, v21;
	v26 =	vand.u32 $0xFFFFF000, v24;
	[tilespmem:$0x2D0] =	vst v52  }
0x8d: {  	v31 =	vand.u32 $0xFFFFF000, v28;
	v32 =	vand.u32 $0xFFF, v29;
	[tilespmem:$0x2E0] =	vst v1;
	v7 =	vor.u32 v7, v9  }
0x8e: {  	v25 =	vld [tilespmem:$0x350];
	v9 =	vor.u32 v11, v40;
	v11 =	vor.u32 v12, v43;
	v12 =	vand.u32 $0xFFFFF000, v44;
	[tilespmem:$0x250] =	vst v5  }
0x8f: {  	v30 =	vld [tilespmem:$0x360];
	[tilespmem:$0x260] =	vst v6;
	v5 =	vand.u32 $0xFFF, v22;
	v6 =	vand.u32 $0xFFF, v27;
	v33 =	vshra.s32 v23, $0x2  }
0x90: {  	v56 =	vld [tilespmem:$0x3C0];
	[tilespmem:$0x270] =	vst v8;
	v34 =	vshrl.u32 v23, $0x1;
	v50 =	vshra.s32 v37, $0x2;
	v53 =	vshrl.u32 v37, $0x1  }
0x91: {  	[tilespmem:$0x2F0] =	vst v2;
	v10 =	vor.u32 v10, v12;
	v12 =	vor.u32 v14, v48;
	v4 =	vor.u32 v5, v4  }
0x92: {  	[tilespmem:$0x280] =	vst v7;
	v5 =	vor.u32 v6, v26;
	v6 =	vor.u32 v32, v31;
	v7 =	vand.u32 $0xFFFFF000, v33  }
0x93: {  	v61 =	vld [tilespmem:$0x3D0];
	[tilespmem:$0x300] =	vst v3;
	v8 =	vand.u32 $0xFFF, v34;
	v36 =	vshra.s32 v25, $0x2;
	v39 =	vshrl.u32 v25, $0x1  }
0x94: {  	v51 =	vld [tilespmem:$0x3B0];
	[tilespmem:$0x290] =	vst v9;
	v41 =	vshra.s32 v30, $0x2;
	v42 =	vshrl.u32 v30, $0x1;
	v52 =	vand.u32 $0xFFFFF000, v50  }
0x95: {  	v13 =	vld [tilespmem:$0x3E0];
	[tilespmem:$0x2A0] =	vst v11;
	v17 =	vshra.s32 v56, $0x2;
	v18 =	vshrl.u32 v56, $0x1;
	v7 =	vor.u32 v8, v7  }
0x96: {  	v35 =	vld [tilespmem:$0x370];
	[tilespmem:$0x2B0] =	vst v10;
	v38 =	vand.u32 $0xFFFFF000, v36;
	v40 =	vand.u32 $0xFFF, v39;
	v44 =	vand.u32 $0xFFFFF000, v41  }
0x97: {  	v45 =	vand.u32 $0xFFF, v42;
	[tilespmem:$0x310] =	vst v4;
	v4 =	vand.u32 $0xFFF, v53;
	v20 =	vand.u32 $0xFFFFF000, v17  }
0x98: {  	v19 =	vld [tilespmem:$0x3F0];
	[tilespmem:$0x2C0] =	vst v12;
	v21 =	vand.u32 $0xFFF, v18;
	v22 =	vshra.s32 v61, $0x2;
	v23 =	vshrl.u32 v61, $0x1  }
0x99: {  	[tilespmem:$0x320] =	vst v5;
	v0 =	vor.u32 v40, v38;
	v1 =	vor.u32 v45, v44;
	v3 =	vor.u32 v4, v52  }
0x9a: {  	v43 =	vld [tilespmem:$0x390];
	[tilespmem:$0x330] =	vst v6;
	v12 =	vshra.s32 v51, $0x2;
	v15 =	vshrl.u32 v51, $0x1;
	v26 =	vshra.s32 v13, $0x2  }
0x9b: {  	[tilespmem:$0x340] =	vst v7;
	v28 =	vshrl.u32 v13, $0x1;
	v46 =	vshra.s32 v35, $0x2;
	v47 =	vshrl.u32 v35, $0x1  }
0x9c: {  	[tilespmem:$0x350] =	vst v0;
	v14 =	vand.u32 $0xFFFFF000, v12;
	v16 =	vand.u32 $0xFFF, v15;
	v27 =	vand.u32 $0xFFFFF000, v26  }
0x9d: {  	v48 =	vld [tilespmem:$0x3A0];
	[tilespmem:$0x360] =	vst v1;
	v29 =	vand.u32 $0xFFF, v28;
	v30 =	vshra.s32 v19, $0x2;
	v31 =	vshrl.u32 v19, $0x1  }
0x9e: {  	[tilespmem:$0x380] =	vst v3;
	v2 =	vand.u32 $0xFFFFF000, v46;
	v49 =	vand.u32 $0xFFF, v47;
	v1 =	vor.u32 v16, v14  }
0x9f: {  	v54 =	vshra.s32 v43, $0x2;
	v55 =	vshrl.u32 v43, $0x1;
	v32 =	vor.u32 v29, v27;
	[tilespmem:$0x3B0] =	vst v1  }
0xa0: {  	v33 =	vand.u32 $0xFFFFF000, v30;
	v34 =	vand.u32 $0xFFF, v31;
	v2 =	vor.u32 v49, v2;
	[tilespmem:$0x3E0] =	vst v32  }
0xa1: {  	v57 =	vand.u32 $0xFFFFF000, v54;
	v58 =	vand.u32 $0xFFF, v55;
	v35 =	vor.u32 v34, v33;
	[tilespmem:$0x370] =	vst v2  }
0xa2: {  	v59 =	vshra.s32 v48, $0x2;
	v60 =	vshrl.u32 v48, $0x1;
	v4 =	vor.u32 v58, v57;
	[tilespmem:$0x3F0] =	vst v35  }
0xa3: {  	v62 =	vand.u32 $0xFFFFF000, v59;
	v63 =	vand.u32 $0xFFF, v60;
	v2 =	vor.u32 v21, v20;
	[tilespmem:$0x390] =	vst v4  }
0xa4: {  	v24 =	vand.u32 $0xFFFFF000, v22;
	v25 =	vand.u32 $0xFFF, v23;
	v0 =	vor.u32 v63, v62;
	[tilespmem:$0x3C0] =	vst v2  }
0xa5: {  	[tilespmem:$0x3A0] =	vst v0;
	v0 =	vor.u32 v25, v24  }
0xa6: {  	s1 =	rddreg [dreg:$0x7];
	[tilespmem:$0x3D0] =	vst v0  }
0xa7: {  	[tilespmem:s18], [sflag:$0x3] =	stream.linear.gather [hbm4b:s1+s2], $0x200, $0x38;
	[tilespmem:$0x8600] =	vst v63  }
0xa8: {  	_ =	swait.ge [sflag:s16], $0x200  }
0xa9: {  	[sflag:s16] =	ssyncset.done $0x0  }
0xaa: {  	[sflag:s16] =	ssyncadd.s32 $0xFFFFFE00  }
0xab: {  	v36 =	vld [tilespmem:$0x400]  }
0xac: {  	v37 =	vld [tilespmem:$0x410]  }
0xad: {  	v38 =	vld [tilespmem:$0x420]  }
0xae: {  	v40 =	vld [tilespmem:$0x430]  }
0xaf: {  	v42 =	vld [tilespmem:$0x440]  }
0xb0: {  	v45 =	vld [tilespmem:$0x450]  }
0xb1: {  	v47 =	vld [tilespmem:$0x460]  }
0xb2: {  	v50 =	vld [tilespmem:$0x470]  }
0xb3: {  	v53 =	vld [tilespmem:$0x480]  }
0xb4: {  	v55 =	vld [tilespmem:$0x490]  }
0xb5: {  	v58 =	vld [tilespmem:$0x4A0]  }
0xb6: {  	v61 =	vld [tilespmem:$0x4B0]  }
0xb7: {  	v63 =	vld [tilespmem:$0x4C0];
	v39 =	vshra.s32 v36, $0x2;
	v0 =	vshrl.u32 v36, $0x1;
	v41 =	vshra.s32 v37, $0x2  }
0xb8: {  	v22 =	vld [tilespmem:$0x4D0];
	v1 =	vshrl.u32 v37, $0x1;
	v44 =	vshra.s32 v38, $0x2;
	v2 =	vshrl.u32 v38, $0x1  }
0xb9: {  	v25 =	vld [tilespmem:$0x4E0];
	v46 =	vshra.s32 v40, $0x2;
	v4 =	vshrl.u32 v40, $0x1;
	v49 =	vshra.s32 v42, $0x2  }
0xba: {  	v27 =	vld [tilespmem:$0x4F0];
	v6 =	vshrl.u32 v42, $0x1;
	v52 =	vshra.s32 v45, $0x2;
	v5 =	vshrl.u32 v45, $0x1  }
0xbb: {  	v30 =	vld [tilespmem:$0x500];
	v54 =	vshra.s32 v47, $0x2;
	v8 =	vshrl.u32 v47, $0x1;
	v57 =	vshra.s32 v50, $0x2  }
0xbc: {  	v34 =	vld [tilespmem:$0x510];
	v9 =	vshrl.u32 v50, $0x1;
	v60 =	vshra.s32 v53, $0x2;
	v7 =	vshrl.u32 v53, $0x1  }
0xbd: {  	v62 =	vshra.s32 v55, $0x2;
	v11 =	vshrl.u32 v55, $0x1;
	v21 =	vshra.s32 v58, $0x2  }
0xbe: {  	v12 =	vshrl.u32 v58, $0x1;
	v24 =	vshra.s32 v61, $0x2;
	v10 =	vshrl.u32 v61, $0x1  }
0xbf: {  	v26 =	vshra.s32 v63, $0x2;
	v14 =	vshrl.u32 v63, $0x1;
	v29 =	vshra.s32 v22, $0x2  }
0xc0: {  	v15 =	vshrl.u32 v22, $0x1;
	v33 =	vshra.s32 v25, $0x2;
	v13 =	vshrl.u32 v25, $0x1  }
0xc1: {  	v36 =	vshra.s32 v27, $0x2;
	v42 =	vshrl.u32 v30, $0x1;
	v47 =	vshrl.u32 v34, $0x1  }
0xc2: {  	v3 =	vand.u32 $0xFFFFF000, v39;
	v0 =	vand.u32 $0xFFF, v0;
	v43 =	vand.u32 $0xFFFFF000, v41  }
0xc3: {  	v1 =	vand.u32 $0xFFF, v1;
	v2 =	vand.u32 $0xFFF, v2;
	v48 =	vand.u32 $0xFFFFF000, v46  }
0xc4: {  	v4 =	vand.u32 $0xFFF, v4;
	v51 =	vand.u32 $0xFFFFF000, v49;
	v6 =	vand.u32 $0xFFF, v6  }
0xc5: {  	v5 =	vand.u32 $0xFFF, v5;
	v56 =	vand.u32 $0xFFFFF000, v54;
	v8 =	vand.u32 $0xFFF, v8  }
0xc6: {  	v59 =	vand.u32 $0xFFFFF000, v57;
	v9 =	vand.u32 $0xFFF, v9;
	v7 =	vand.u32 $0xFFF, v7  }
0xc7: {  	v19 =	vld [tilespmem:$0x590];
	v20 =	vand.u32 $0xFFFFF000, v62;
	v11 =	vand.u32 $0xFFF, v11;
	v23 =	vand.u32 $0xFFFFF000, v21  }
0xc8: {  	v12 =	vand.u32 $0xFFF, v12;
	v10 =	vand.u32 $0xFFF, v10;
	v28 =	vand.u32 $0xFFFFF000, v26  }
0xc9: {  	v14 =	vand.u32 $0xFFF, v14;
	v31 =	vand.u32 $0xFFFFF000, v29;
	v15 =	vand.u32 $0xFFF, v15  }
0xca: {  	v35 =	vand.u32 $0xFFFFF000, v33;
	v13 =	vand.u32 $0xFFF, v13;
	v38 =	vand.u32 $0xFFFFF000, v36  }
0xcb: {  	v39 =	vshrl.u32 v27, $0x1;
	v41 =	vshra.s32 v30, $0x2;
	v45 =	vand.u32 $0xFFF, v42  }
0xcc: {  	v46 =	vshra.s32 v34, $0x2;
	v30 =	vshra.s32 v19, $0x2;
	v0 =	vor.u32 v0, v3  }
0xcd: {  	v1 =	vor.u32 v1, v43;
	v3 =	vand.u32 $0xFFFFF000, v44;
	v32 =	vor.u32 v15, v31  }
0xce: {  	v40 =	vand.u32 $0xFFF, v39;
	v44 =	vand.u32 $0xFFFFF000, v41;
	v31 =	vshrl.u32 v19, $0x1;
	[tilespmem:$0x400] =	vst v0  }
0xcf: {  	v37 =	vld [tilespmem:$0x520];
	v33 =	vand.u32 $0xFFFFF000, v30;
	v2 =	vor.u32 v2, v3;
	v3 =	vor.u32 v4, v48;
	[tilespmem:$0x410] =	vst v1  }
0xd0: {  	v50 =	vld [tilespmem:$0x550];
	v4 =	vor.u32 v6, v51;
	v6 =	vand.u32 $0xFFFFF000, v52;
	v1 =	vor.u32 v13, v35;
	[tilespmem:$0x4D0] =	vst v32  }
0xd1: {  	v55 =	vld [tilespmem:$0x560];
	v34 =	vand.u32 $0xFFF, v31;
	v5 =	vor.u32 v5, v6;
	v6 =	vor.u32 v8, v56;
	[tilespmem:$0x420] =	vst v2  }
0xd2: {  	v8 =	vor.u32 v9, v59;
	v9 =	vand.u32 $0xFFFFF000, v60;
	[tilespmem:$0x430] =	vst v3;
	v2 =	vor.u32 v40, v38  }
0xd3: {  	[tilespmem:$0x440] =	vst v4;
	v3 =	vor.u32 v45, v44;
	v4 =	vand.u32 $0xFFFFF000, v46;
	v7 =	vor.u32 v7, v9  }
0xd4: {  	v62 =	vld [tilespmem:$0x580];
	[tilespmem:$0x4E0] =	vst v1;
	v9 =	vor.u32 v11, v20;
	v11 =	vor.u32 v12, v23;
	v12 =	vand.u32 $0xFFFFF000, v24  }
0xd5: {  	v27 =	vld [tilespmem:$0x5B0];
	[tilespmem:$0x450] =	vst v5;
	v5 =	vand.u32 $0xFFF, v47;
	v49 =	vshra.s32 v37, $0x2;
	v52 =	vshrl.u32 v37, $0x1  }
0xd6: {  	v43 =	vld [tilespmem:$0x530];
	[tilespmem:$0x460] =	vst v6;
	v61 =	vshra.s32 v50, $0x2;
	v17 =	vshra.s32 v55, $0x2;
	v18 =	vshrl.u32 v55, $0x1  }
0xd7: {  	[tilespmem:$0x470] =	vst v8;
	v10 =	vor.u32 v10, v12;
	v12 =	vor.u32 v14, v28;
	v4 =	vor.u32 v5, v4  }
0xd8: {  	[tilespmem:$0x4F0] =	vst v2;
	v51 =	vand.u32 $0xFFFFF000, v49;
	v6 =	vand.u32 $0xFFF, v52;
	v63 =	vand.u32 $0xFFFFF000, v61  }
0xd9: {  	v48 =	vld [tilespmem:$0x540];
	[tilespmem:$0x500] =	vst v3;
	v14 =	vshrl.u32 v50, $0x1;
	v20 =	vand.u32 $0xFFFFF000, v17;
	v21 =	vand.u32 $0xFFF, v18  }
0xda: {  	[tilespmem:$0x480] =	vst v7;
	v26 =	vshra.s32 v62, $0x2;
	v29 =	vshrl.u32 v62, $0x1;
	v40 =	vshra.s32 v27, $0x2  }
0xdb: {  	v32 =	vld [tilespmem:$0x5C0];
	[tilespmem:$0x490] =	vst v9;
	v53 =	vshra.s32 v43, $0x2;
	v54 =	vshrl.u32 v43, $0x1;
	v5 =	vor.u32 v6, v51  }
0xdc: {  	v41 =	vld [tilespmem:$0x5E0];
	[tilespmem:$0x4A0] =	vst v11;
	v16 =	vand.u32 $0xFFF, v14;
	v1 =	vor.u32 v21, v20;
	v28 =	vand.u32 $0xFFFFF000, v26  }
0xdd: {  	v60 =	vld [tilespmem:$0x570];
	[tilespmem:$0x510] =	vst v4;
	v4 =	vand.u32 $0xFFF, v29;
	v42 =	vand.u32 $0xFFFFF000, v40;
	v43 =	vshrl.u32 v27, $0x1  }
0xde: {  	[tilespmem:$0x4B0] =	vst v10;
	v56 =	vand.u32 $0xFFFFF000, v53;
	v57 =	vand.u32 $0xFFF, v54;
	v58 =	vshra.s32 v48, $0x2  }
0xdf: {  	[tilespmem:$0x4C0] =	vst v12;
	v59 =	vshrl.u32 v48, $0x1;
	v0 =	vor.u32 v16, v63;
	v3 =	vor.u32 v4, v28  }
0xe0: {  	v24 =	vld [tilespmem:$0x5A0];
	[tilespmem:$0x520] =	vst v5;
	v4 =	vor.u32 v34, v33;
	v44 =	vand.u32 $0xFFF, v43;
	v45 =	vshra.s32 v32, $0x2  }
0xe1: {  	v37 =	vld [tilespmem:$0x5D0];
	[tilespmem:$0x560] =	vst v1;
	v46 =	vshrl.u32 v32, $0x1;
	v54 =	vshra.s32 v41, $0x2;
	v6 =	vor.u32 v57, v56  }
0xe2: {  	v7 =	vand.u32 $0xFFFFF000, v58;
	v8 =	vand.u32 $0xFFF, v59;
	v22 =	vshra.s32 v60, $0x2;
	[tilespmem:$0x550] =	vst v0  }
0xe3: {  	v23 =	vshrl.u32 v60, $0x1;
	[tilespmem:$0x580] =	vst v3;
	v1 =	vor.u32 v44, v42;
	v48 =	vand.u32 $0xFFFFF000, v45  }
0xe4: {  	v47 =	vld [tilespmem:$0x5F0];
	v49 =	vand.u32 $0xFFF, v46;
	[tilespmem:$0x590] =	vst v4;
	v55 =	vand.u32 $0xFFFFF000, v54;
	v56 =	vshrl.u32 v41, $0x1  }
0xe5: {  	v7 =	vor.u32 v8, v7;
	v2 =	vand.u32 $0xFFFFF000, v22;
	v25 =	vand.u32 $0xFFF, v23;
	[tilespmem:$0x530] =	vst v6  }
0xe6: {  	v35 =	vshra.s32 v24, $0x2;
	v36 =	vshrl.u32 v24, $0x1;
	v50 =	vshra.s32 v37, $0x2;
	[tilespmem:$0x5B0] =	vst v1  }
0xe7: {  	v51 =	vshrl.u32 v37, $0x1;
	v57 =	vand.u32 $0xFFF, v56;
	v2 =	vor.u32 v25, v2;
	[tilespmem:$0x540] =	vst v7  }
0xe8: {  	v38 =	vand.u32 $0xFFFFF000, v35;
	v39 =	vand.u32 $0xFFF, v36;
	v60 =	vor.u32 v57, v55;
	[tilespmem:$0x570] =	vst v2  }
0xe9: {  	v58 =	vshra.s32 v47, $0x2;
	v59 =	vshrl.u32 v47, $0x1;
	v0 =	vor.u32 v39, v38;
	[tilespmem:$0x5E0] =	vst v60  }
0xea: {  	v61 =	vand.u32 $0xFFFFF000, v58;
	v62 =	vand.u32 $0xFFF, v59;
	v2 =	vor.u32 v49, v48;
	[tilespmem:$0x5A0] =	vst v0  }
0xeb: {  	v52 =	vand.u32 $0xFFFFF000, v50;
	v53 =	vand.u32 $0xFFF, v51;
	v63 =	vor.u32 v62, v61;
	[tilespmem:$0x5C0] =	vst v2  }
0xec: {  	v0 =	vor.u32 v53, v52;
	[tilespmem:$0x5F0] =	vst v63  }
0xed: {  	[tilespmem:$0x5D0] =	vst v0  }
0xee: {  	[tilespmem:s20], [sflag:$0x1] =	stream.indirect.gather [hbm4b:s3+s19], $0x80, s2, s19, $0xb8;
	[tilespmem:$0x8600] =	vst v63  }
0xef: {  	_ =	swait.ge [sflag:s21], $0x4000  }
0xf0: {  	[sflag:s21] =	ssyncset.done $0x0  }
0xf1: {  	s1 =	rddreg [dreg:$0x8];
	[sflag:s21] =	ssyncadd.s32 $0xFFFFC000  }
0xf2: {  	[hbm4b:s1+s2] =	stream.linear.scatter [tilespmem:s20], [sflag:$0x2], $0x4000, $0x38;
	[tilespmem:$0x8600] =	vst v63  }
0xf3: {  	_ = 	snop  }
0xf4: {  	[tilespmem:s22], [sflag:$0x1] =	stream.indirect.gather [hbm4b:s3+s19], $0x80, s19, s19, $0xb8;
	[tilespmem:$0x8600] =	vst v63  }
0xf5: {  	_ =	swait.ge [sflag:s21], $0x4000  }
0xf6: {  	[sflag:s21] =	ssyncset.done $0x0  }
0xf7: {  	s1 =	rddreg [dreg:$0x9];
	[sflag:s21] =	ssyncadd.s32 $0xFFFFC000  }
0xf8: {  	[hbm4b:s1+s2] =	stream.linear.scatter [tilespmem:s22], [sflag:$0x2], $0x4000, $0x38;
	[tilespmem:$0x8600] =	vst v63  }
0xf9: {  	_ =	swait.ge [sflag:s23], $0x4000  }
0xfa: {  	[sflag:s23] =	ssyncset.done $0x0  }
0xfb: {  	[sflag:s23] =	ssyncadd.s32 $0xFFFFC000  }
0xfc: {  	[tilespmem:s20], [sflag:$0x1] =	stream.indirect.gather [hbm4b:s3+s19], $0x80, s24, s19, $0xb8;
	[tilespmem:$0x8600] =	vst v63  }
0xfd: {  	_ =	swait.ge [sflag:s21], $0x4000  }
0xfe: {  	[sflag:s21] =	ssyncset.done $0x0  }
0xff: {  	[sflag:s21] =	ssyncadd.s32 $0xFFFFC000  }
0x100: {  	[hbm4b:s5+s2] =	stream.linear.scatter [tilespmem:s20], [sflag:$0x2], $0x4000, $0x38;
	[tilespmem:$0x8600] =	vst v63  }
0x101: {  	_ =	swait.ge [sflag:s23], $0x4000  }
0x102: {  	[sflag:s23] =	ssyncset.done $0x0  }
0x103: {  	[sflag:s23] =	ssyncadd.s32 $0xFFFFC000  }
0x104: {  	[tilespmem:s22], [sflag:$0x1] =	stream.indirect.gather [hbm4b:s3+s19], $0x80, s25, s19, $0xb8;
	[tilespmem:$0x8600] =	vst v63  }
0x105: {  	_ =	swait.ge [sflag:s21], $0x4000  }
0x106: {  	[sflag:s21] =	ssyncset.done $0x0  }
0x107: {  	[sflag:s21] =	ssyncadd.s32 $0xFFFFC000  }
0x108: {  	[hbm4b:s6+s2] =	stream.linear.scatter [tilespmem:s22], [sflag:$0x2], $0x4000, $0x38;
	[tilespmem:$0x8600] =	vst v63  }
0x109: {  	_ =	swait.ge [sflag:s23], $0x4000  }
0x10a: {  	[sflag:s23] =	ssyncset.done $0x0  }
0x10b: {  	[sflag:s23] =	ssyncadd.s32 $0xFFFFC000  }
0x10c: {  	[tilespmem:s20], [sflag:$0x1] =	stream.indirect.gather [hbm4b:s4+s19], $0x80, s17, s19, $0xb8;
	[tilespmem:$0x8600] =	vst v63  }
0x10d: {  	_ =	swait.ge [sflag:s21], $0x4000  }
0x10e: {  	[sflag:s21] =	ssyncset.done $0x0  }
0x10f: {  	[sflag:s21] =	ssyncadd.s32 $0xFFFFC000  }
0x110: {  	[hbm4b:s7+s2] =	stream.linear.scatter [tilespmem:s20], [sflag:$0x2], $0x4000, $0x38;
	[tilespmem:$0x8600] =	vst v63  }
0x111: {  	_ =	swait.ge [sflag:s23], $0x4000  }
0x112: {  	[sflag:s23] =	ssyncset.done $0x0  }
0x113: {  	[sflag:s23] =	ssyncadd.s32 $0xFFFFC000  }
0x114: {  	[tilespmem:s22], [sflag:$0x1] =	stream.indirect.gather [hbm4b:s4+s19], $0x80, s26, s19, $0xb8;
	[tilespmem:$0x8600] =	vst v63  }
0x115: {  	_ =	swait.ge [sflag:s21], $0x4000  }
0x116: {  	[sflag:s21] =	ssyncset.done $0x0  }
0x117: {  	[sflag:s21] =	ssyncadd.s32 $0xFFFFC000  }
0x118: {  	[hbm4b:s8+s2] =	stream.linear.scatter [tilespmem:s22], [sflag:$0x2], $0x4000, $0x38;
	[tilespmem:$0x8600] =	vst v63  }
0x119: {  	_ =	swait.ge [sflag:s23], $0x4000  }
0x11a: {  	[sflag:s23] =	ssyncset.done $0x0  }
0x11b: {  	[sflag:s23] =	ssyncadd.s32 $0xFFFFC000  }
0x11c: {  	[tilespmem:s20], [sflag:$0x1] =	stream.indirect.gather [hbm4b:s4+s19], $0x80, s28, s19, $0xb8;
	[tilespmem:$0x8600] =	vst v63  }
0x11d: {  	_ =	swait.ge [sflag:s21], $0x4000  }
0x11e: {  	[sflag:s21] =	ssyncset.done $0x0  }
0x11f: {  	[sflag:s21] =	ssyncadd.s32 $0xFFFFC000  }
0x120: {  	[hbm4b:s9+s2] =	stream.linear.scatter [tilespmem:s20], [sflag:$0x2], $0x4000, $0x38;
	[tilespmem:$0x8600] =	vst v63  }
0x121: {  	_ =	swait.ge [sflag:s23], $0x4000  }
0x122: {  	[sflag:s23] =	ssyncset.done $0x0  }
0x123: {  	[sflag:s23] =	ssyncadd.s32 $0xFFFFC000  }
0x124: {  	[tilespmem:s22], [sflag:$0x1] =	stream.indirect.gather [hbm4b:s4+s19], $0x80, s29, s19, $0xb8;
	[tilespmem:$0x8600] =	vst v63  }
0x125: {  	_ =	swait.ge [sflag:s21], $0x4000  }
0x126: {  	[sflag:s21] =	ssyncset.done $0x0  }
0x127: {  	[sflag:s21] =	ssyncadd.s32 $0xFFFFC000  }
0x128: {  	[hbm4b:s10+s2] =	stream.linear.scatter [tilespmem:s22], [sflag:$0x2], $0x4000, $0x38;
	[tilespmem:$0x8600] =	vst v63  }
0x129: {  	_ =	swait.ge [sflag:s23], $0x4000  }
0x12a: {  	[sflag:s23] =	ssyncset.done $0x0  }
0x12b: {  	[sflag:s23] =	ssyncadd.s32 $0xFFFFC000  }
0x12c: {  	[tilespmem:s20], [sflag:$0x1] =	stream.indirect.gather [hbm4b:s3+s19], $0x80, s18, s19, $0xb8;
	[tilespmem:$0x8600] =	vst v63  }
0x12d: {  	_ =	swait.ge [sflag:s21], $0x4000  }
0x12e: {  	[sflag:s21] =	ssyncset.done $0x0  }
0x12f: {  	[sflag:s21] =	ssyncadd.s32 $0xFFFFC000  }
0x130: {  	[hbm4b:s11+s2] =	stream.linear.scatter [tilespmem:s20], [sflag:$0x2], $0x4000, $0x38;
	[tilespmem:$0x8600] =	vst v63  }
0x131: {  	_ =	swait.ge [sflag:s23], $0x4000  }
0x132: {  	[sflag:s23] =	ssyncset.done $0x0  }
0x133: {  	[sflag:s23] =	ssyncadd.s32 $0xFFFFC000  }
0x134: {  	[tilespmem:s22], [sflag:$0x1] =	stream.indirect.gather [hbm4b:s3+s19], $0x80, s30, s19, $0xb8;
	[tilespmem:$0x8600] =	vst v63  }
0x135: {  	_ =	swait.ge [sflag:s21], $0x4000  }
0x136: {  	[sflag:s21] =	ssyncset.done $0x0  }
0x137: {  	[sflag:s21] =	ssyncadd.s32 $0xFFFFC000  }
0x138: {  	[hbm4b:s12+s2] =	stream.linear.scatter [tilespmem:s22], [sflag:$0x2], $0x4000, $0x38;
	[tilespmem:$0x8600] =	vst v63  }
0x139: {  	_ =	swait.ge [sflag:s23], $0x4000  }
0x13a: {  	[sflag:s23] =	ssyncset.done $0x0  }
0x13b: {  	[sflag:s23] =	ssyncadd.s32 $0xFFFFC000  }
0x13c: {  	[tilespmem:s20], [sflag:$0x1] =	stream.indirect.gather [hbm4b:s3+s19], $0x80, s31, s19, $0xb8;
	[tilespmem:$0x8600] =	vst v63  }
0x13d: {  	_ =	swait.ge [sflag:s21], $0x4000  }
0x13e: {  	[sflag:s21] =	ssyncset.done $0x0  }
0x13f: {  	[sflag:s21] =	ssyncadd.s32 $0xFFFFC000  }
0x140: {  	[hbm4b:s13+s2] =	stream.linear.scatter [tilespmem:s20], [sflag:$0x2], $0x4000, $0x38;
	[tilespmem:$0x8600] =	vst v63  }
0x141: {  	_ =	swait.ge [sflag:s23], $0x4000  }
0x142: {  	[sflag:s23] =	ssyncset.done $0x0  }
0x143: {  	[sflag:s23] =	ssyncadd.s32 $0xFFFFC000  }
0x144: {  	[tilespmem:s22], [sflag:$0x1] =	stream.indirect.gather [hbm4b:s3+s19], $0x80, s0, s19, $0xb8;
	[tilespmem:$0x8600] =	vst v63  }
0x145: {  	_ =	swait.ge [sflag:s21], $0x4000  }
0x146: {  	[sflag:s21] =	ssyncset.done $0x0  }
0x147: {  	[sflag:s21] =	ssyncadd.s32 $0xFFFFC000  }
0x148: {  	[hbm4b:s14+s2] =	stream.linear.scatter [tilespmem:s22], [sflag:$0x2], $0x4000, $0x38;
	[tilespmem:$0x8600] =	vst v63  }
0x149: {  	p0 =	sne.s32 s15, $0x1;
	_ =	swait.ge [sflag:s23], $0x4000  }
.Ltmp0:
0x14a: {  	[sflag:s23] =	ssyncset.done $0x0;
	(pc) =	sbr.rel @p0 .LBB2_1-.Ltmp0, $4  }
0x14b: {  	[sflag:s23] =	ssyncadd.s32 $0xFFFFC000  }
0x14c: {  	_ =	swait.ge [sflag:s23], $0x4000  }
0x14d: {  	[sflag:s23] =	ssyncset.done $0x0  }
0x14e: {  	s15 =	sadd.s32 $0xFFFFFFFF, s15;
	[sflag:s23] =	ssyncadd.s32 $0xFFFFC000  }
0x14f: {  	_ =	sfence.sel $0x180000  }
0x150: {  	[bflag:$0x0] =	sbarrier.arrive $0xFFFF  }
0x151: {  	_ =	strace $0x90000047  }
0x152: {  	s0 =	stileid.u32;
	[bflag:$0x2] =	sbarrier.arrive $0xFFFF  }
0x153: {  	p0 =	sne.s32 s0, $0x0;
	s0 =	rddreg [dreg:$0x4]  }
0x154: {  	s0 =	sadd.s32 @!p0 $0x100000, s0  }
0x155: {  	[sflag:s0] =	ssyncadd.tile.s32 @!p0 $0x1;
	_ =	shalt  }
.Lfunc_end2:
_tile_overlayer_lowered:
.L_overlay_start_2:
0x156: {  	(tag) =	ssettag $0x2  }
0x157: {  	s0 =	rddreg [dreg:$0x0];
	s2 =	stileid.u32  }
0x158: {  	s1 =	rddreg [dreg:$0x1];
	p0 =	sne.s32 s2, $0x0  }
0x159: {  	s3 =	rddreg [dreg:$0x2];
	[bflag:$0x3] =	sbarrier.arrive $0xFFFF;
	s2 =	simm.s32 @!p0 $0x1C03  }
0x15a: {  	[timem:s3], [sflag:s2] =	dma.local @!p0 [hbm:s0], s1  }
0x15b: {  	s0 =	simm.s32 @!p0 $0x3  }
0x15c: {  	_ =	swait.ge @!p0 [sflag:s0], s1  }
0x15d: {  	s1 =	ssub.s32 @!p0 $0x0, s1;
	[sflag:s0] =	ssyncset.done @!p0 $0x0  }
0x15e: {  	[sflag:s0] =	ssyncadd.s32 @!p0 s1  }
0x15f: {  	[bflag:$0x3] =	sbarrier.arrive $0xFFFF  }
0x160: {  	_ =	shalt  }

</sc_bundles>
